<compile_context>
chip_gen: v7x
topology: tpu7x:2x2x1
jax: 0.10.2.dev20260603
libtpu: 0.0.44.dev20260713+nightly
codegen_flags: <defaults>
</compile_context>

<pallas_src>
import functools
import math

import numpy as np
import jax
import jax.numpy as jnp
from jax import lax
from jax.experimental import pallas as pl
from jax.experimental.pallas import tpu as pltpu
from jax.experimental.pallas import tpu_sc as plsc

_MIU = 32.0
_ROUTE_COEF = 0.001
_COUNT_COEF = 0.0001

_L = 16
_T = 8192
_E = 64
_TP3 = _T + 3
_NROWS = _L * _T
_NW = 32

_SC_TOK = 3584
_TC_TOK = _T - _SC_TOK
_TC_BLK = 2304
_TC_NBLK = _TC_TOK // _TC_BLK

_TOK_PER_W = _SC_TOK * _L // _NW
_CHUNK = 896
_NCHUNK = _TOK_PER_W // _CHUNK

_LN2 = np.float32(math.log(2.0))
_LGAMMA_KP1 = np.asarray([math.lgamma(k + 1.0) for k in range(1, _E + 1)],
                         np.float32)


def _oddeven_merge(lo, hi, r):
    step = r * 2
    if step < hi - lo:
        yield from _oddeven_merge(lo, hi, step)
        yield from _oddeven_merge(lo + r, hi, step)
        for i in range(lo + r, hi - r, step):
            yield (i, i + r)
    else:
        yield (lo, lo + r)


def _oddeven_merge_sort_range(lo, hi):
    if (hi - lo) >= 1:
        mid = lo + ((hi - lo) // 2)
        yield from _oddeven_merge_sort_range(lo, mid)
        yield from _oddeven_merge_sort_range(mid + 1, hi)
        yield from _oddeven_merge(lo, hi, 1)


_SORT16_CES = tuple(_oddeven_merge_sort_range(0, 15))


def _pois_body(lamb_ref, lgam_ref, a_ref, b_ref):
    lamb = jnp.clip(lamb_ref[...], 1.0, 2.0)
    kv = lax.broadcasted_iota(jnp.int32, (_L, _E), 1).astype(jnp.float32) + 1.0
    lgam = lgam_ref[...]
    logp = kv * jnp.log(lamb) - lamb - lgam
    ppu = jnp.exp(logp)
    col = lax.broadcasted_iota(jnp.int32, (_L, _E), 1)
    p31 = lax.broadcast_in_dim(ppu[:, 31:32], (_L, _E), (0, 1))
    ppu = jnp.where(col >= 32, p31, ppu)
    pp = ppu / jnp.sum(ppu, axis=1, keepdims=True)
    a = pp[:, :16]
    a_ref[...] = a
    b_ref[...] = a * jnp.log(a)


_pois_call = pl.pallas_call(
    _pois_body,
    out_shape=[jax.ShapeDtypeStruct((_L, 16), jnp.float32),
               jax.ShapeDtypeStruct((_L, 16), jnp.float32)],
)


def _sc_log(x):
    bits = lax.bitcast_convert_type(x, jnp.int32)
    e = jnp.bitwise_and(lax.shift_right_logical(bits, 23), 0xFF)
    mb = jnp.bitwise_or(jnp.bitwise_and(bits, 0x007FFFFF), 0x3F800000)
    m = lax.bitcast_convert_type(mb, jnp.float32)
    big = m > 1.5
    m = jnp.where(big, m * 0.5, m)
    ef = (e - 127).astype(jnp.float32) + jnp.where(big, 1.0, 0.0)
    s = (m - 1.0) / (m + 1.0)
    t = s * s
    lm = s * (2.0 + t * (np.float32(2.0 / 3.0)
              + t * (np.float32(2.0 / 5.0)
              + t * (np.float32(2.0 / 7.0)
              + t * np.float32(2.0 / 9.0)))))
    return ef * _LN2 + lm


def _sort16_desc(vals):
    vals = list(vals)
    for i, j in _SORT16_CES:
        hi = jnp.maximum(vals[i], vals[j])
        lo = jnp.minimum(vals[i], vals[j])
        vals[i], vals[j] = hi, lo
    return vals


def _merge_top16(a, b):
    c = [jnp.maximum(a[i], b[15 - i]) for i in range(16)]
    for d in (8, 4, 2, 1):
        for i in range(16):
            if (i % (2 * d)) < d:
                hi = jnp.maximum(c[i], c[i + d])
                lo = jnp.minimum(c[i], c[i + d])
                c[i], c[i + d] = hi, lo
    return c


def _route_body(x_hbm, a_hbm, b_hbm, out_hbm, bufs, abuf, bbuf, accv, sems):
    cid = lax.axis_index("c")
    sid = lax.axis_index("s")
    wid = sid * 2 + cid
    layer = wid // 2
    t_base = _TC_TOK + (wid % 2) * _TOK_PER_W

    pltpu.sync_copy(a_hbm.at[layer], abuf)
    pltpu.sync_copy(b_hbm.at[layer], bbuf)

    copies = [
        pltpu.async_copy(
            x_hbm.at[layer, :, pl.ds(t_base + ci * _CHUNK, _CHUNK)],
            bufs[ci], sems[ci])
        for ci in range(_NCHUNK)
    ]

    av = abuf[...]
    bv = bbuf[...]
    rows = [lax.iota(jnp.int32, 16) + 16 * j for j in range(4)]

    def token_terms(buf, t):
        cols = jnp.full((16,), t, jnp.int32)
        v0 = plsc.load_gather(buf, [rows[0], cols])
        v1 = plsc.load_gather(buf, [rows[1], cols])
        v2 = plsc.load_gather(buf, [rows[2], cols])
        v3 = plsc.load_gather(buf, [rows[3], cols])
        s0, _ = plsc.sort_key_val(v0, v0, descending=True)
        s1, _ = plsc.sort_key_val(v1, v1, descending=False)
        s2, _ = plsc.sort_key_val(v2, v2, descending=True)
        s3, _ = plsc.sort_key_val(v3, v3, descending=False)
        m1, _ = plsc.sort_key_val(jnp.maximum(s0, s1), v0, descending=True)
        m2, _ = plsc.sort_key_val(jnp.maximum(s2, s3), v0, descending=False)
        top, _ = plsc.sort_key_val(jnp.maximum(m1, m2), v0, descending=True)
        return jnp.abs(bv - av * _sc_log(top + 1e-16))

    def process(buf, acc):
        def pair_step(i, acc):
            t0 = i * 2
            terms = token_terms(buf, t0) + token_terms(buf, t0 + 1)
            return acc + terms
        return lax.fori_loop(0, _CHUNK // 2, pair_step, acc)

    acc = jnp.zeros((16,), jnp.float32)
    for ci in range(_NCHUNK):
        copies[ci].wait()
        acc = process(bufs[ci], acc)
    accv[...] = acc
    pltpu.sync_copy(accv, out_hbm.at[wid])


def _make_route_call():
    mesh = plsc.VectorSubcoreMesh(core_axis_name="c", subcore_axis_name="s")
    return functools.partial(
        pl.kernel,
        out_type=jax.ShapeDtypeStruct((_NW, 16), jnp.float32),
        mesh=mesh,
        scratch_types=[
            [pltpu.VMEM((_E, _CHUNK), jnp.float32) for _ in range(_NCHUNK)],
            pltpu.VMEM((16,), jnp.float32),
            pltpu.VMEM((16,), jnp.float32),
            pltpu.VMEM((16,), jnp.float32),
            [pltpu.SemaphoreType.DMA for _ in range(_NCHUNK)],
        ],
        compiler_params=pltpu.CompilerParams(use_tc_tiling_on_sc=True,
                                             needs_layout_passes=False),
    )(_route_body)


def _tc_route_body(a_ref, b_ref, x_ref, out_ref):
    l = pl.program_id(0)
    x = x_ref[0]
    x3 = x.reshape(_E, _TC_BLK // 128, 128)
    regs = [x3[e] for e in range(_E)]
    s0 = _sort16_desc(regs[0:16])
    s1 = _sort16_desc(regs[16:32])
    m1 = _merge_top16(s0, s1)
    s2 = _sort16_desc(regs[32:48])
    s3 = _sort16_desc(regs[48:64])
    m2 = _merge_top16(s2, s3)
    top = _merge_top16(m1, m2)
    terms = [jnp.abs(b_ref[l, k] - a_ref[l, k] * jnp.log(top[k] + 1e-16))
             for k in range(16)]
    while len(terms) > 1:
        terms = [terms[i] + terms[i + 1] for i in range(0, len(terms), 2)]
    out_ref[0, 0] = terms[0]


def _tc_route_call(a, b, xt):
    return pl.pallas_call(
        _tc_route_body,
        grid=(_L, _TC_NBLK),
        in_specs=[
            pl.BlockSpec(memory_space=pltpu.SMEM),
            pl.BlockSpec(memory_space=pltpu.SMEM),
            pl.BlockSpec((1, _E, _TC_BLK), lambda l, t: (l, 0, t)),
        ],
        out_specs=pl.BlockSpec((1, 1, _TC_BLK // 128, 128),
                               lambda l, t: (l, t, 0, 0)),
        out_shape=jax.ShapeDtypeStruct((_L, _TC_NBLK, _TC_BLK // 128, 128),
                                       jnp.float32),
    )(a, b, xt)


def _sort_desc_rows(v):
    vi = v[:, :, None]
    vj = v[:, None, :]
    ii = lax.broadcasted_iota(jnp.int32, (_L, _E, _E), 1)
    jj = lax.broadcasted_iota(jnp.int32, (_L, _E, _E), 2)
    gt = (vj > vi) | ((vj == vi) & (jj < ii))
    rank = jnp.sum(gt.astype(jnp.int32), axis=2)
    rr = lax.broadcasted_iota(jnp.int32, (_L, _E, _E), 2)
    onehot = rank[:, :, None] == rr
    return jnp.sum(jnp.where(onehot, vi, 0.0), axis=1)


def _final_body(count_ref, theta_ref, part_ref, tcpart_ref, out_ref):
    count = count_ref[...]
    theta = theta_ref[...]
    x = lax.broadcasted_iota(jnp.int32, (_L, _E), 1).astype(jnp.float32)
    lp = (-0.5 * ((x - _MIU) / theta) ** 2 - jnp.log(theta)
          - np.float32(0.5 * math.log(2.0 * math.pi)))
    norm_prob = jnp.exp(lp)
    norm_prob = norm_prob / jnp.sum(norm_prob)
    s_count = _sort_desc_rows(count)
    s_np = _sort_desc_rows(norm_prob)
    temp = s_count / jnp.sum(s_count, axis=1, keepdims=True)
    lterm = s_np * jnp.abs(jnp.log(s_np / (temp + 1e-8)))
    closs = jnp.sum(lterm) / np.float32(_L)
    route = ((jnp.sum(part_ref[...]) + jnp.sum(tcpart_ref[...]))
             / np.float32(_NROWS + 1e-16))
    res = _ROUTE_COEF * route + _COUNT_COEF * closs
    out_ref[...] = lax.broadcast_in_dim(res, (1, 1), ())


_final_call = pl.pallas_call(
    _final_body,
    out_shape=jax.ShapeDtypeStruct((1, 1), jnp.float32),
)


def kernel(router_outputs, attention_mask):
    del attention_mask
    count = router_outputs[:, -3, :]
    lamb = router_outputs[:, -2, :]
    theta = router_outputs[:, -1, :]
    a, b = _pois_call(lamb, jnp.asarray(_LGAMMA_KP1)[None, :])
    xt = jnp.swapaxes(router_outputs, 1, 2)
    partials = _make_route_call()(xt, a, b)
    tc_partials = _tc_route_call(a, b, xt)
    out = _final_call(count, theta, partials, tc_partials)
    return out[0, 0]

# --- scband reference (transcript-rebuilt; emitter-appended) ---
"""Pipeline reference for scband-graph-router-loss-55525337203003 (READ-ONLY COPY).

The authoritative reference and input builder live on the scoring server;
editing this copy changes nothing except your own understanding.
"""

import jax, jax.numpy as jnp
import numpy as np
from jax.scipy.special import gammaln

MIU = 32.0  # num_experts / 2
ROUTE_COEF = 0.001
COUNT_COEF = 0.0001


def _count_loss(count, theta):
    eps = 1e-08
    n = count.shape[-1]
    x = jnp.arange(0, n, dtype=jnp.float32)
    # Normal(MIU, theta).log_prob(x), broadcast theta[L,E] against x[E]
    log_prob = -0.5 * ((x[None, :] - MIU) / theta) ** 2 - jnp.log(theta) - 0.5 * jnp.log(2.0 * jnp.pi)
    norm_prob = jnp.exp(log_prob)
    norm_prob = norm_prob / jnp.sum(norm_prob)
    s_count = -jnp.sort(-count, axis=-1)
    s_norm_prob = -jnp.sort(-norm_prob, axis=-1)
    temp = s_count / jnp.sum(s_count, axis=-1, keepdims=True)
    loss = jnp.sum(s_norm_prob * jnp.abs(jnp.log(s_norm_prob / (temp + eps))), axis=-1)
    return jnp.sum(loss) / loss.size


def _route_loss(alloc, lamb):
    eps = 1e-16
    n = alloc.shape[-1]
    lamb = jnp.clip(lamb, 1.0, 2.0)
    s_alloc = -jnp.sort(-alloc, axis=-1)
    k = jnp.arange(1, n + 1, dtype=jnp.float32)
    # Poisson(lamb).log_prob(k): k*log(lamb) - lamb - lgamma(k+1); lamb [L,E], k [n=E]
    log_pois = k[None, :] * jnp.log(lamb) - lamb - gammaln(k[None, :] + 1.0)
    pois_probs = jnp.exp(log_pois)
    if n > 32:
        tail = jnp.broadcast_to(pois_probs[:, 31:32], (pois_probs.shape[0], n - 32))
        pois_probs = jnp.concatenate([pois_probs[:, :32], tail], axis=-1)
    pois_probs = pois_probs / jnp.sum(pois_probs, axis=-1, keepdims=True)
    pois_probs = pois_probs[:, None, :]
    temp = jnp.sum(pois_probs * jnp.abs(jnp.log(pois_probs / (s_alloc + eps))), axis=-1)
    return jnp.sum(temp) / (temp.size + eps)


def setup_inputs(seed: int = 0) -> dict:
    key = jax.random.key(seed)
    k1, k2 = jax.random.split(key)
    router_outputs = jax.random.uniform(k1, (16, 8195, 64), dtype=jnp.float32)
    attention_mask = jnp.ones((4, 2048), dtype=jnp.float32)
    return {"router_outputs": router_outputs, "attention_mask": attention_mask}


def reference(router_outputs, attention_mask):
    # _goe_unpack_router_logits on stacked tensor [L, T+3, E]
    router_logits = router_outputs[:, :-3, :]  # [L, T, E]
    count = router_outputs[:, -3, :]           # [L, E]
    lamb = router_outputs[:, -2, :]            # [L, E]
    theta = router_outputs[:, -1, :]           # [L, E]
    count_loss = _count_loss(count, theta)
    route_loss = _route_loss(router_logits, lamb)
    return ROUTE_COEF * route_loss + COUNT_COEF * count_loss

if __name__ == "__main__":
    import jax
    _d = setup_inputs()
    print(jax.jit(kernel)(*tuple(_d.values())))

</pallas_src>

<mosaic_0001>
#map = affine_map<(d0, d1) -> (0, 0, 0)>
#map1 = affine_map<(d0, d1) -> (0, 0)>
module attributes {stable_mosaic.version = 14 : i64} {
  func.func @_route_body(%arg0: i32, %arg1: i32, %arg2: memref<16x64x8195xf32, #tpu.memory_space<hbm>>, %arg3: memref<16x16xf32, #tpu.memory_space<hbm>>, %arg4: memref<16x16xf32, #tpu.memory_space<hbm>>, %arg5: memref<32x16xf32, #tpu.memory_space<hbm>>, %arg6: memref<64x896xf32, #tpu.memory_space<vmem>>, %arg7: memref<64x896xf32, #tpu.memory_space<vmem>>, %arg8: memref<16xf32, #tpu.memory_space<vmem>>, %arg9: memref<16xf32, #tpu.memory_space<vmem>>, %arg10: memref<16xf32, #tpu.memory_space<vmem>>, %arg11: memref<!tpu.dma_semaphore, #tpu.memory_space<semaphore_mem>>, %arg12: memref<!tpu.dma_semaphore, #tpu.memory_space<semaphore_mem>>) attributes {dimension_semantics = [#tpu.dimension_semantics<core_parallel>, #tpu.dimension_semantics<subcore_parallel>], iteration_bounds = array<i64: 2, 16>, scalar_prefetch = 0 : i64, scratch_operands = 7 : i64, tpu.core_type = #tpu.core_type<sc_vector_subcore>, window_params = [{transform_indices = #map}, {transform_indices = #map1}, {transform_indices = #map1}, {transform_indices = #map1}]} {
    %mul3A = arith.constant 2 : i32
    %mul3A_0 = arith.muli %arg1, %mul3A : i32
    %add3A = arith.addi %mul3A_0, %arg0 : i32
    %jit3A = arith.constant 2 : i32
    %div3A = arith.divsi %add3A, %jit3A : i32
    %sign3A = arith.constant 0 : i32
    %sign3A_1 = arith.cmpi sgt, %add3A, %sign3A : i32
    %sign3A_2 = arith.extui %sign3A_1 : i1 to i32
    %sign3A_3 = arith.constant 0 : i32
    %sign3A_4 = arith.cmpi slt, %add3A, %sign3A_3 : i32
    %sign3A_5 = arith.extui %sign3A_4 : i1 to i32
    %sign3A_6 = arith.subi %sign3A_2, %sign3A_5 : i32
    %sign3A_7 = arith.constant 0 : i32
    %sign3A_8 = arith.cmpi sgt, %jit3A, %sign3A_7 : i32
    %sign3A_9 = arith.extui %sign3A_8 : i1 to i32
    %sign3A_10 = arith.constant 0 : i32
    %sign3A_11 = arith.cmpi slt, %jit3A, %sign3A_10 : i32
    %sign3A_12 = arith.extui %sign3A_11 : i1 to i32
    %sign3A_13 = arith.subi %sign3A_9, %sign3A_12 : i32
    %ne3A = arith.cmpi ne, %sign3A_6, %sign3A_13 : i32
    %rem3A = arith.remsi %add3A, %jit3A : i32
    %ne3A_14 = arith.constant 0 : i32
    %ne3A_15 = arith.cmpi ne, %rem3A, %ne3A_14 : i32
    %and3A = arith.andi %ne3A, %ne3A_15 : i1
    %sub3A = arith.constant 1 : i32
    %sub3A_16 = arith.subi %div3A, %sub3A : i32
    %select_n3A = arith.select %and3A, %sub3A_16, %div3A : i32
    %jit3A_17 = arith.constant 2 : i32
    %eq3A = arith.constant 0 : i32
    %eq3A_18 = arith.cmpi eq, %jit3A_17, %eq3A : i32
    %jit3A_19 = arith.constant 1 : i32
    %select_n3A_20 = arith.select %eq3A_18, %jit3A_19, %jit3A_17 : i32
    %rem3A_21 = arith.remsi %add3A, %select_n3A_20 : i32
    %ne3A_22 = arith.constant 0 : i32
    %ne3A_23 = arith.cmpi ne, %rem3A_21, %ne3A_22 : i32
    %lt3A = arith.constant 0 : i32
    %lt3A_24 = arith.cmpi slt, %rem3A_21, %lt3A : i32
    %lt3A_25 = arith.constant 0 : i32
    %lt3A_26 = arith.cmpi slt, %select_n3A_20, %lt3A_25 : i32
    %ne3A_27 = arith.xori %lt3A_24, %lt3A_26 : i1
    %and3A_28 = arith.andi %ne3A_27, %ne3A_23 : i1
    %add3A_29 = arith.addi %rem3A_21, %select_n3A_20 : i32
    %select_n3A_30 = arith.select %and3A_28, %add3A_29, %rem3A_21 : i32
    %mul3A_31 = arith.constant 1792 : i32
    %mul3A_32 = arith.muli %select_n3A_30, %mul3A_31 : i32
    %add3A_33 = arith.constant 4608 : i32
    %add3A_34 = arith.addi %add3A_33, %mul3A_32 : i32
    "tpu.region"() ({
      %run_scoped3A = tpu.sem_alloc : memref<!tpu.dma_semaphore, #tpu.memory_space<semaphore_mem>>
      %dma_start3A_92 = arith.constant 0 : i32
      %dma_start3A_93 = tpu.memref_slice %arg3[%select_n3A, %dma_start3A_92] : memref<16x16xf32, #tpu.memory_space<hbm>> -> memref<1x16xf32, #tpu.memory_space<hbm>>
      %dma_start3A_94 = tpu.memref_squeeze %dma_start3A_93 : memref<1x16xf32, #tpu.memory_space<hbm>> -> memref<16xf32, #tpu.memory_space<hbm>>
      %dma_start3A_95 = arith.constant 0 : i32
      %dma_start3A_96 = tpu.memref_slice %arg3[%select_n3A, %dma_start3A_95] : memref<16x16xf32, #tpu.memory_space<hbm>> -> memref<1x16xf32, #tpu.memory_space<hbm>>
      %dma_start3A_97 = tpu.memref_squeeze %dma_start3A_96 : memref<1x16xf32, #tpu.memory_space<hbm>> -> memref<16xf32, #tpu.memory_space<hbm>>
      tpu.enqueue_dma source(%dma_start3A_97 : memref<16xf32, #tpu.memory_space<hbm>>) target(%arg8 : memref<16xf32, #tpu.memory_space<vmem>>) target_semaphore(%run_scoped3A : memref<!tpu.dma_semaphore, #tpu.memory_space<semaphore_mem>>)
      %dma_wait3A_98 = arith.constant 0 : i32
      %dma_wait3A_99 = tpu.memref_slice %arg3[%select_n3A, %dma_wait3A_98] : memref<16x16xf32, #tpu.memory_space<hbm>> -> memref<1x16xf32, #tpu.memory_space<hbm>>
      %dma_wait3A_100 = tpu.memref_squeeze %dma_wait3A_99 : memref<1x16xf32, #tpu.memory_space<hbm>> -> memref<16xf32, #tpu.memory_space<hbm>>
      %dma_wait3A_101 = arith.constant 0 : i32
      %dma_wait3A_102 = tpu.memref_slice %arg3[%select_n3A, %dma_wait3A_101] : memref<16x16xf32, #tpu.memory_space<hbm>> -> memref<1x16xf32, #tpu.memory_space<hbm>>
      %dma_wait3A_103 = tpu.memref_squeeze %dma_wait3A_102 : memref<1x16xf32, #tpu.memory_space<hbm>> -> memref<16xf32, #tpu.memory_space<hbm>>
      tpu.wait_dma2 semaphore(%run_scoped3A : memref<!tpu.dma_semaphore, #tpu.memory_space<semaphore_mem>>) src(%dma_wait3A_103 : memref<16xf32, #tpu.memory_space<hbm>>) dst(%arg8 : memref<16xf32, #tpu.memory_space<vmem>>)
      tpu.yield
    }) : () -> ()
    "tpu.region"() ({
      %run_scoped3A = tpu.sem_alloc : memref<!tpu.dma_semaphore, #tpu.memory_space<semaphore_mem>>
      %dma_start3A_92 = arith.constant 0 : i32
      %dma_start3A_93 = tpu.memref_slice %arg4[%select_n3A, %dma_start3A_92] : memref<16x16xf32, #tpu.memory_space<hbm>> -> memref<1x16xf32, #tpu.memory_space<hbm>>
      %dma_start3A_94 = tpu.memref_squeeze %dma_start3A_93 : memref<1x16xf32, #tpu.memory_space<hbm>> -> memref<16xf32, #tpu.memory_space<hbm>>
      %dma_start3A_95 = arith.constant 0 : i32
      %dma_start3A_96 = tpu.memref_slice %arg4[%select_n3A, %dma_start3A_95] : memref<16x16xf32, #tpu.memory_space<hbm>> -> memref<1x16xf32, #tpu.memory_space<hbm>>
      %dma_start3A_97 = tpu.memref_squeeze %dma_start3A_96 : memref<1x16xf32, #tpu.memory_space<hbm>> -> memref<16xf32, #tpu.memory_space<hbm>>
      tpu.enqueue_dma source(%dma_start3A_97 : memref<16xf32, #tpu.memory_space<hbm>>) target(%arg9 : memref<16xf32, #tpu.memory_space<vmem>>) target_semaphore(%run_scoped3A : memref<!tpu.dma_semaphore, #tpu.memory_space<semaphore_mem>>)
      %dma_wait3A_98 = arith.constant 0 : i32
      %dma_wait3A_99 = tpu.memref_slice %arg4[%select_n3A, %dma_wait3A_98] : memref<16x16xf32, #tpu.memory_space<hbm>> -> memref<1x16xf32, #tpu.memory_space<hbm>>
      %dma_wait3A_100 = tpu.memref_squeeze %dma_wait3A_99 : memref<1x16xf32, #tpu.memory_space<hbm>> -> memref<16xf32, #tpu.memory_space<hbm>>
      %dma_wait3A_101 = arith.constant 0 : i32
      %dma_wait3A_102 = tpu.memref_slice %arg4[%select_n3A, %dma_wait3A_101] : memref<16x16xf32, #tpu.memory_space<hbm>> -> memref<1x16xf32, #tpu.memory_space<hbm>>
      %dma_wait3A_103 = tpu.memref_squeeze %dma_wait3A_102 : memref<1x16xf32, #tpu.memory_space<hbm>> -> memref<16xf32, #tpu.memory_space<hbm>>
      tpu.wait_dma2 semaphore(%run_scoped3A : memref<!tpu.dma_semaphore, #tpu.memory_space<semaphore_mem>>) src(%dma_wait3A_103 : memref<16xf32, #tpu.memory_space<hbm>>) dst(%arg9 : memref<16xf32, #tpu.memory_space<vmem>>)
      tpu.yield
    }) : () -> ()
    %add3A_35 = arith.constant 0 : i32
    %add3A_36 = arith.addi %add3A_34, %add3A_35 : i32
    %dma_start3A = arith.constant 0 : i32
    %dma_start3A_37 = tpu.memref_slice %arg2[%select_n3A, %dma_start3A, %add3A_36] : memref<16x64x8195xf32, #tpu.memory_space<hbm>> -> memref<1x64x896xf32, #tpu.memory_space<hbm>>
    %dma_start3A_38 = tpu.memref_squeeze %dma_start3A_37 : memref<1x64x896xf32, #tpu.memory_space<hbm>> -> memref<64x896xf32, #tpu.memory_space<hbm>>
    %dma_start3A_39 = arith.constant 0 : i32
    %dma_start3A_40 = tpu.memref_slice %arg2[%select_n3A, %dma_start3A_39, %add3A_36] : memref<16x64x8195xf32, #tpu.memory_space<hbm>> -> memref<1x64x896xf32, #tpu.memory_space<hbm>>
    %dma_start3A_41 = tpu.memref_squeeze %dma_start3A_40 : memref<1x64x896xf32, #tpu.memory_space<hbm>> -> memref<64x896xf32, #tpu.memory_space<hbm>>
    tpu.enqueue_dma source(%dma_start3A_41 : memref<64x896xf32, #tpu.memory_space<hbm>>) target(%arg6 : memref<64x896xf32, #tpu.memory_space<vmem>>) target_semaphore(%arg11 : memref<!tpu.dma_semaphore, #tpu.memory_space<semaphore_mem>>)
    %add3A_42 = arith.constant 896 : i32
    %add3A_43 = arith.addi %add3A_34, %add3A_42 : i32
    %dma_start3A_44 = arith.constant 0 : i32
    %dma_start3A_45 = tpu.memref_slice %arg2[%select_n3A, %dma_start3A_44, %add3A_43] : memref<16x64x8195xf32, #tpu.memory_space<hbm>> -> memref<1x64x896xf32, #tpu.memory_space<hbm>>
    %dma_start3A_46 = tpu.memref_squeeze %dma_start3A_45 : memref<1x64x896xf32, #tpu.memory_space<hbm>> -> memref<64x896xf32, #tpu.memory_space<hbm>>
    %dma_start3A_47 = arith.constant 0 : i32
    %dma_start3A_48 = tpu.memref_slice %arg2[%select_n3A, %dma_start3A_47, %add3A_43] : memref<16x64x8195xf32, #tpu.memory_space<hbm>> -> memref<1x64x896xf32, #tpu.memory_space<hbm>>
    %dma_start3A_49 = tpu.memref_squeeze %dma_start3A_48 : memref<1x64x896xf32, #tpu.memory_space<hbm>> -> memref<64x896xf32, #tpu.memory_space<hbm>>
    tpu.enqueue_dma source(%dma_start3A_49 : memref<64x896xf32, #tpu.memory_space<hbm>>) target(%arg7 : memref<64x896xf32, #tpu.memory_space<vmem>>) target_semaphore(%arg12 : memref<!tpu.dma_semaphore, #tpu.memory_space<semaphore_mem>>)
    %get3A = arith.constant 0 : index
    %get3A_50 = tpu.vector_load %arg8[%get3A] {strides = array<i32>} : memref<16xf32, #tpu.memory_space<vmem>>, vector<16xf32>,
    %get3A_51 = arith.constant 0 : index
    %get3A_52 = tpu.vector_load %arg9[%get3A_51] {strides = array<i32>} : memref<16xf32, #tpu.memory_space<vmem>>, vector<16xf32>,
    %iota3A = tpu.iota {dimensions = array<i32: 0>} : vector<16xi32>
    %add3A_53 = arith.constant 0 : i32
    %add3A_54 = vector.broadcast %add3A_53 : i32 to vector<16xi32>
    %add3A_55 = arith.addi %iota3A, %add3A_54 : vector<16xi32>
    %iota3A_56 = tpu.iota {dimensions = array<i32: 0>} : vector<16xi32>
    %add3A_57 = arith.constant 16 : i32
    %add3A_58 = vector.broadcast %add3A_57 : i32 to vector<16xi32>
    %add3A_59 = arith.addi %iota3A_56, %add3A_58 : vector<16xi32>
    %iota3A_60 = tpu.iota {dimensions = array<i32: 0>} : vector<16xi32>
    %add3A_61 = arith.constant 32 : i32
    %add3A_62 = vector.broadcast %add3A_61 : i32 to vector<16xi32>
    %add3A_63 = arith.addi %iota3A_60, %add3A_62 : vector<16xi32>
    %iota3A_64 = tpu.iota {dimensions = array<i32: 0>} : vector<16xi32>
    %add3A_65 = arith.constant 48 : i32
    %add3A_66 = vector.broadcast %add3A_65 : i32 to vector<16xi32>
    %add3A_67 = arith.addi %iota3A_64, %add3A_66 : vector<16xi32>
    %broadcast_in_dim3A = arith.constant 0.000000e+00 : f32
    %broadcast_in_dim3A_68 = vector.broadcast %broadcast_in_dim3A : f32 to vector<16xf32>
    %dma_wait3A = arith.constant 0 : i32
    %dma_wait3A_69 = tpu.memref_slice %arg2[%select_n3A, %dma_wait3A, %add3A_36] : memref<16x64x8195xf32, #tpu.memory_space<hbm>> -> memref<1x64x896xf32, #tpu.memory_space<hbm>>
    %dma_wait3A_70 = tpu.memref_squeeze %dma_wait3A_69 : memref<1x64x896xf32, #tpu.memory_space<hbm>> -> memref<64x896xf32, #tpu.memory_space<hbm>>
    %dma_wait3A_71 = arith.constant 0 : i32
    %dma_wait3A_72 = tpu.memref_slice %arg2[%select_n3A, %dma_wait3A_71, %add3A_36] : memref<16x64x8195xf32, #tpu.memory_space<hbm>> -> memref<1x64x896xf32, #tpu.memory_space<hbm>>
    %dma_wait3A_73 = tpu.memref_squeeze %dma_wait3A_72 : memref<1x64x896xf32, #tpu.memory_space<hbm>> -> memref<64x896xf32, #tpu.memory_space<hbm>>
    tpu.wait_dma2 semaphore(%arg11 : memref<!tpu.dma_semaphore, #tpu.memory_space<semaphore_mem>>) src(%dma_wait3A_73 : memref<64x896xf32, #tpu.memory_space<hbm>>) dst(%arg6 : memref<64x896xf32, #tpu.memory_space<vmem>>)
    %scan3A = arith.constant 0 : i32
    %scan3A_74 = arith.constant 448 : i32
    %scan3A_75 = arith.addi %scan3A, %scan3A_74 : i32
    %scan3A_76 = arith.constant 1 : i32
    %scan3A_77 = scf.for %scan3A_92 = %scan3A to %scan3A_75 step %scan3A_76 iter_args(%scan3A_93 = %broadcast_in_dim3A_68) -> (vector<16xf32>)  : i32 {
      %mul3A_94 = arith.constant 2 : i32
      %mul3A_95 = arith.muli %scan3A_92, %mul3A_94 : i32
      %broadcast_in_dim3A_96 = vector.broadcast %mul3A_95 : i32 to vector<16xi32>
      %gather3A = tpu.vector_load_idx %arg6[%add3A_55, %broadcast_in_dim3A_96] : memref<64x896xf32, #tpu.memory_space<vmem>>[vector<16xi32>, vector<16xi32>], vector<16xf32>,
      %gather3A_97 = tpu.vector_load_idx %arg6[%add3A_59, %broadcast_in_dim3A_96] : memref<64x896xf32, #tpu.memory_space<vmem>>[vector<16xi32>, vector<16xi32>], vector<16xf32>,
      %gather3A_98 = tpu.vector_load_idx %arg6[%add3A_63, %broadcast_in_dim3A_96] : memref<64x896xf32, #tpu.memory_space<vmem>>[vector<16xi32>, vector<16xi32>], vector<16xf32>,
      %gather3A_99 = tpu.vector_load_idx %arg6[%add3A_67, %broadcast_in_dim3A_96] : memref<64x896xf32, #tpu.memory_space<vmem>>[vector<16xi32>, vector<16xi32>], vector<16xf32>,
      %masked_sort3A = arith.constant dense<true> : vector<16xi1>
      %masked_sort3A_100, %masked_sort3A_101, %masked_sort3A_102 = tpu.sort %gather3A, %gather3A masked %masked_sort3A {descending = true} : (vector<16xf32>, vector<16xf32>, vector<16xi1>) -> (vector<16xi1>, vector<16xf32>, vector<16xf32>)
      %masked_sort3A_103 = arith.constant dense<true> : vector<16xi1>
      %masked_sort3A_104, %masked_sort3A_105, %masked_sort3A_106 = tpu.sort %gather3A_97, %gather3A_97 masked %masked_sort3A_103 : (vector<16xf32>, vector<16xf32>, vector<16xi1>) -> (vector<16xi1>, vector<16xf32>, vector<16xf32>)
      %masked_sort3A_107 = arith.constant dense<true> : vector<16xi1>
      %masked_sort3A_108, %masked_sort3A_109, %masked_sort3A_110 = tpu.sort %gather3A_98, %gather3A_98 masked %masked_sort3A_107 {descending = true} : (vector<16xf32>, vector<16xf32>, vector<16xi1>) -> (vector<16xi1>, vector<16xf32>, vector<16xf32>)
      %masked_sort3A_111 = arith.constant dense<true> : vector<16xi1>
      %masked_sort3A_112, %masked_sort3A_113, %masked_sort3A_114 = tpu.sort %gather3A_99, %gather3A_99 masked %masked_sort3A_111 : (vector<16xf32>, vector<16xf32>, vector<16xi1>) -> (vector<16xi1>, vector<16xf32>, vector<16xf32>)
      %max3A = arith.maximumf %masked_sort3A_101, %masked_sort3A_105 : vector<16xf32>
      %masked_sort3A_115 = arith.constant dense<true> : vector<16xi1>
      %masked_sort3A_116, %masked_sort3A_117, %masked_sort3A_118 = tpu.sort %max3A, %gather3A masked %masked_sort3A_115 {descending = true} : (vector<16xf32>, vector<16xf32>, vector<16xi1>) -> (vector<16xi1>, vector<16xf32>, vector<16xf32>)
      %max3A_119 = arith.maximumf %masked_sort3A_109, %masked_sort3A_113 : vector<16xf32>
      %masked_sort3A_120 = arith.constant dense<true> : vector<16xi1>
      %masked_sort3A_121, %masked_sort3A_122, %masked_sort3A_123 = tpu.sort %max3A_119, %gather3A masked %masked_sort3A_120 : (vector<16xf32>, vector<16xf32>, vector<16xi1>) -> (vector<16xi1>, vector<16xf32>, vector<16xf32>)
      %max3A_124 = arith.maximumf %masked_sort3A_117, %masked_sort3A_122 : vector<16xf32>
      %masked_sort3A_125 = arith.constant dense<true> : vector<16xi1>
      %masked_sort3A_126, %masked_sort3A_127, %masked_sort3A_128 = tpu.sort %max3A_124, %gather3A masked %masked_sort3A_125 {descending = true} : (vector<16xf32>, vector<16xf32>, vector<16xi1>) -> (vector<16xi1>, vector<16xf32>, vector<16xf32>)
      %add3A_129 = arith.constant 1.000000e-16 : f32
      %add3A_130 = vector.broadcast %add3A_129 : f32 to vector<16xf32>
      %add3A_131 = arith.addf %masked_sort3A_127, %add3A_130 : vector<16xf32>
      %bitcast_convert_type3A = tpu.bitcast %add3A_131 : vector<16xf32> -> vector<16xi32>
      %shift_right_logical3A = arith.constant 23 : i32
      %shift_right_logical3A_132 = vector.broadcast %shift_right_logical3A : i32 to vector<16xi32>
      %shift_right_logical3A_133 = arith.shrui %bitcast_convert_type3A, %shift_right_logical3A_132 : vector<16xi32>
      %and3A_134 = arith.constant 255 : i32
      %and3A_135 = vector.broadcast %and3A_134 : i32 to vector<16xi32>
      %and3A_136 = arith.andi %shift_right_logical3A_133, %and3A_135 : vector<16xi32>
      %and3A_137 = arith.constant 8388607 : i32
      %and3A_138 = vector.broadcast %and3A_137 : i32 to vector<16xi32>
      %and3A_139 = arith.andi %bitcast_convert_type3A, %and3A_138 : vector<16xi32>
      %or3A = arith.constant 1065353216 : i32
      %or3A_140 = vector.broadcast %or3A : i32 to vector<16xi32>
      %or3A_141 = arith.ori %and3A_139, %or3A_140 : vector<16xi32>
      %bitcast_convert_type3A_142 = tpu.bitcast %or3A_141 : vector<16xi32> -> vector<16xf32>
      %gt3A = arith.constant 1.500000e+00 : f32
      %gt3A_143 = vector.broadcast %gt3A : f32 to vector<16xf32>
      %gt3A_144 = arith.cmpf ogt, %bitcast_convert_type3A_142, %gt3A_143 : vector<16xf32>
      %mul3A_145 = arith.constant 5.000000e-01 : f32
      %mul3A_146 = vector.broadcast %mul3A_145 : f32 to vector<16xf32>
      %mul3A_147 = arith.mulf %bitcast_convert_type3A_142, %mul3A_146 : vector<16xf32>
      %select_n3A_148 = arith.select %gt3A_144, %mul3A_147, %bitcast_convert_type3A_142 : vector<16xi1>, vector<16xf32>
      %sub3A_149 = arith.constant 127 : i32
      %sub3A_150 = vector.broadcast %sub3A_149 : i32 to vector<16xi32>
      %sub3A_151 = arith.subi %and3A_136, %sub3A_150 : vector<16xi32>
      %convert_element_type3A = arith.sitofp %sub3A_151 : vector<16xi32> to vector<16xf32>
      %jit3A_152 = arith.constant 1.000000e+00 : f32
      %jit3A_153 = arith.constant 0.000000e+00 : f32
      %broadcast_in_dim3A_154 = vector.broadcast %jit3A_152 : f32 to vector<16xf32>
      %broadcast_in_dim3A_155 = vector.broadcast %jit3A_153 : f32 to vector<16xf32>
      %select_n3A_156 = arith.select %gt3A_144, %broadcast_in_dim3A_154, %broadcast_in_dim3A_155 : vector<16xi1>, vector<16xf32>
      %add3A_157 = arith.addf %convert_element_type3A, %select_n3A_156 : vector<16xf32>
      %sub3A_158 = arith.constant 1.000000e+00 : f32
      %sub3A_159 = vector.broadcast %sub3A_158 : f32 to vector<16xf32>
      %sub3A_160 = arith.subf %select_n3A_148, %sub3A_159 : vector<16xf32>
      %add3A_161 = arith.constant 1.000000e+00 : f32
      %add3A_162 = vector.broadcast %add3A_161 : f32 to vector<16xf32>
      %add3A_163 = arith.addf %select_n3A_148, %add3A_162 : vector<16xf32>
      %div3A_164 = arith.divf %sub3A_160, %add3A_163 : vector<16xf32>
      %mul3A_165 = arith.mulf %div3A_164, %div3A_164 : vector<16xf32>
      %mul3A_166 = arith.constant 0.222222224 : f32
      %mul3A_167 = vector.broadcast %mul3A_166 : f32 to vector<16xf32>
      %mul3A_168 = arith.mulf %mul3A_165, %mul3A_167 : vector<16xf32>
      %add3A_169 = arith.constant 0.285714298 : f32
      %add3A_170 = vector.broadcast %add3A_169 : f32 to vector<16xf32>
      %add3A_171 = arith.addf %add3A_170, %mul3A_168 : vector<16xf32>
      %mul3A_172 = arith.mulf %mul3A_165, %add3A_171 : vector<16xf32>
      %add3A_173 = arith.constant 4.000000e-01 : f32
      %add3A_174 = vector.broadcast %add3A_173 : f32 to vector<16xf32>
      %add3A_175 = arith.addf %add3A_174, %mul3A_172 : vector<16xf32>
      %mul3A_176 = arith.mulf %mul3A_165, %add3A_175 : vector<16xf32>
      %add3A_177 = arith.constant 0.666666686 : f32
      %add3A_178 = vector.broadcast %add3A_177 : f32 to vector<16xf32>
      %add3A_179 = arith.addf %add3A_178, %mul3A_176 : vector<16xf32>
      %mul3A_180 = arith.mulf %mul3A_165, %add3A_179 : vector<16xf32>
      %add3A_181 = arith.constant 2.000000e+00 : f32
      %add3A_182 = vector.broadcast %add3A_181 : f32 to vector<16xf32>
      %add3A_183 = arith.addf %add3A_182, %mul3A_180 : vector<16xf32>
      %mul3A_184 = arith.mulf %div3A_164, %add3A_183 : vector<16xf32>
      %mul3A_185 = arith.constant 0.693147182 : f32
      %mul3A_186 = vector.broadcast %mul3A_185 : f32 to vector<16xf32>
      %mul3A_187 = arith.mulf %add3A_157, %mul3A_186 : vector<16xf32>
      %add3A_188 = arith.addf %mul3A_187, %mul3A_184 : vector<16xf32>
      %mul3A_189 = arith.mulf %get3A_50, %add3A_188 : vector<16xf32>
      %sub3A_190 = arith.subf %get3A_52, %mul3A_189 : vector<16xf32>
      %abs3A = math.absf %sub3A_190 : vector<16xf32>
      %add3A_191 = arith.constant 1 : i32
      %add3A_192 = arith.addi %mul3A_95, %add3A_191 : i32
      %broadcast_in_dim3A_193 = vector.broadcast %add3A_192 : i32 to vector<16xi32>
      %gather3A_194 = tpu.vector_load_idx %arg6[%add3A_55, %broadcast_in_dim3A_193] : memref<64x896xf32, #tpu.memory_space<vmem>>[vector<16xi32>, vector<16xi32>], vector<16xf32>,
      %gather3A_195 = tpu.vector_load_idx %arg6[%add3A_59, %broadcast_in_dim3A_193] : memref<64x896xf32, #tpu.memory_space<vmem>>[vector<16xi32>, vector<16xi32>], vector<16xf32>,
      %gather3A_196 = tpu.vector_load_idx %arg6[%add3A_63, %broadcast_in_dim3A_193] : memref<64x896xf32, #tpu.memory_space<vmem>>[vector<16xi32>, vector<16xi32>], vector<16xf32>,
      %gather3A_197 = tpu.vector_load_idx %arg6[%add3A_67, %broadcast_in_dim3A_193] : memref<64x896xf32, #tpu.memory_space<vmem>>[vector<16xi32>, vector<16xi32>], vector<16xf32>,
      %masked_sort3A_198 = arith.constant dense<true> : vector<16xi1>
      %masked_sort3A_199, %masked_sort3A_200, %masked_sort3A_201 = tpu.sort %gather3A_194, %gather3A_194 masked %masked_sort3A_198 {descending = true} : (vector<16xf32>, vector<16xf32>, vector<16xi1>) -> (vector<16xi1>, vector<16xf32>, vector<16xf32>)
      %masked_sort3A_202 = arith.constant dense<true> : vector<16xi1>
      %masked_sort3A_203, %masked_sort3A_204, %masked_sort3A_205 = tpu.sort %gather3A_195, %gather3A_195 masked %masked_sort3A_202 : (vector<16xf32>, vector<16xf32>, vector<16xi1>) -> (vector<16xi1>, vector<16xf32>, vector<16xf32>)
      %masked_sort3A_206 = arith.constant dense<true> : vector<16xi1>
      %masked_sort3A_207, %masked_sort3A_208, %masked_sort3A_209 = tpu.sort %gather3A_196, %gather3A_196 masked %masked_sort3A_206 {descending = true} : (vector<16xf32>, vector<16xf32>, vector<16xi1>) -> (vector<16xi1>, vector<16xf32>, vector<16xf32>)
      %masked_sort3A_210 = arith.constant dense<true> : vector<16xi1>
      %masked_sort3A_211, %masked_sort3A_212, %masked_sort3A_213 = tpu.sort %gather3A_197, %gather3A_197 masked %masked_sort3A_210 : (vector<16xf32>, vector<16xf32>, vector<16xi1>) -> (vector<16xi1>, vector<16xf32>, vector<16xf32>)
      %max3A_214 = arith.maximumf %masked_sort3A_200, %masked_sort3A_204 : vector<16xf32>
      %masked_sort3A_215 = arith.constant dense<true> : vector<16xi1>
      %masked_sort3A_216, %masked_sort3A_217, %masked_sort3A_218 = tpu.sort %max3A_214, %gather3A_194 masked %masked_sort3A_215 {descending = true} : (vector<16xf32>, vector<16xf32>, vector<16xi1>) -> (vector<16xi1>, vector<16xf32>, vector<16xf32>)
      %max3A_219 = arith.maximumf %masked_sort3A_208, %masked_sort3A_212 : vector<16xf32>
      %masked_sort3A_220 = arith.constant dense<true> : vector<16xi1>
      %masked_sort3A_221, %masked_sort3A_222, %masked_sort3A_223 = tpu.sort %max3A_219, %gather3A_194 masked %masked_sort3A_220 : (vector<16xf32>, vector<16xf32>, vector<16xi1>) -> (vector<16xi1>, vector<16xf32>, vector<16xf32>)
      %max3A_224 = arith.maximumf %masked_sort3A_217, %masked_sort3A_222 : vector<16xf32>
      %masked_sort3A_225 = arith.constant dense<true> : vector<16xi1>
      %masked_sort3A_226, %masked_sort3A_227, %masked_sort3A_228 = tpu.sort %max3A_224, %gather3A_194 masked %masked_sort3A_225 {descending = true} : (vector<16xf32>, vector<16xf32>, vector<16xi1>) -> (vector<16xi1>, vector<16xf32>, vector<16xf32>)
      %add3A_229 = arith.constant 1.000000e-16 : f32
      %add3A_230 = vector.broadcast %add3A_229 : f32 to vector<16xf32>
      %add3A_231 = arith.addf %masked_sort3A_227, %add3A_230 : vector<16xf32>
      %bitcast_convert_type3A_232 = tpu.bitcast %add3A_231 : vector<16xf32> -> vector<16xi32>
      %shift_right_logical3A_233 = arith.constant 23 : i32
      %shift_right_logical3A_234 = vector.broadcast %shift_right_logical3A_233 : i32 to vector<16xi32>
      %shift_right_logical3A_235 = arith.shrui %bitcast_convert_type3A_232, %shift_right_logical3A_234 : vector<16xi32>
      %and3A_236 = arith.constant 255 : i32
      %and3A_237 = vector.broadcast %and3A_236 : i32 to vector<16xi32>
      %and3A_238 = arith.andi %shift_right_logical3A_235, %and3A_237 : vector<16xi32>
      %and3A_239 = arith.constant 8388607 : i32
      %and3A_240 = vector.broadcast %and3A_239 : i32 to vector<16xi32>
      %and3A_241 = arith.andi %bitcast_convert_type3A_232, %and3A_240 : vector<16xi32>
      %or3A_242 = arith.constant 1065353216 : i32
      %or3A_243 = vector.broadcast %or3A_242 : i32 to vector<16xi32>
      %or3A_244 = arith.ori %and3A_241, %or3A_243 : vector<16xi32>
      %bitcast_convert_type3A_245 = tpu.bitcast %or3A_244 : vector<16xi32> -> vector<16xf32>
      %gt3A_246 = arith.constant 1.500000e+00 : f32
      %gt3A_247 = vector.broadcast %gt3A_246 : f32 to vector<16xf32>
      %gt3A_248 = arith.cmpf ogt, %bitcast_convert_type3A_245, %gt3A_247 : vector<16xf32>
      %mul3A_249 = arith.constant 5.000000e-01 : f32
      %mul3A_250 = vector.broadcast %mul3A_249 : f32 to vector<16xf32>
      %mul3A_251 = arith.mulf %bitcast_convert_type3A_245, %mul3A_250 : vector<16xf32>
      %select_n3A_252 = arith.select %gt3A_248, %mul3A_251, %bitcast_convert_type3A_245 : vector<16xi1>, vector<16xf32>
      %sub3A_253 = arith.constant 127 : i32
      %sub3A_254 = vector.broadcast %sub3A_253 : i32 to vector<16xi32>
      %sub3A_255 = arith.subi %and3A_238, %sub3A_254 : vector<16xi32>
      %convert_element_type3A_256 = arith.sitofp %sub3A_255 : vector<16xi32> to vector<16xf32>
      %jit3A_257 = arith.constant 1.000000e+00 : f32
      %jit3A_258 = arith.constant 0.000000e+00 : f32
      %broadcast_in_dim3A_259 = vector.broadcast %jit3A_257 : f32 to vector<16xf32>
      %broadcast_in_dim3A_260 = vector.broadcast %jit3A_258 : f32 to vector<16xf32>
      %select_n3A_261 = arith.select %gt3A_248, %broadcast_in_dim3A_259, %broadcast_in_dim3A_260 : vector<16xi1>, vector<16xf32>
      %add3A_262 = arith.addf %convert_element_type3A_256, %select_n3A_261 : vector<16xf32>
      %sub3A_263 = arith.constant 1.000000e+00 : f32
      %sub3A_264 = vector.broadcast %sub3A_263 : f32 to vector<16xf32>
      %sub3A_265 = arith.subf %select_n3A_252, %sub3A_264 : vector<16xf32>
      %add3A_266 = arith.constant 1.000000e+00 : f32
      %add3A_267 = vector.broadcast %add3A_266 : f32 to vector<16xf32>
      %add3A_268 = arith.addf %select_n3A_252, %add3A_267 : vector<16xf32>
      %div3A_269 = arith.divf %sub3A_265, %add3A_268 : vector<16xf32>
      %mul3A_270 = arith.mulf %div3A_269, %div3A_269 : vector<16xf32>
      %mul3A_271 = arith.constant 0.222222224 : f32
      %mul3A_272 = vector.broadcast %mul3A_271 : f32 to vector<16xf32>
      %mul3A_273 = arith.mulf %mul3A_270, %mul3A_272 : vector<16xf32>
      %add3A_274 = arith.constant 0.285714298 : f32
      %add3A_275 = vector.broadcast %add3A_274 : f32 to vector<16xf32>
      %add3A_276 = arith.addf %add3A_275, %mul3A_273 : vector<16xf32>
      %mul3A_277 = arith.mulf %mul3A_270, %add3A_276 : vector<16xf32>
      %add3A_278 = arith.constant 4.000000e-01 : f32
      %add3A_279 = vector.broadcast %add3A_278 : f32 to vector<16xf32>
      %add3A_280 = arith.addf %add3A_279, %mul3A_277 : vector<16xf32>
      %mul3A_281 = arith.mulf %mul3A_270, %add3A_280 : vector<16xf32>
      %add3A_282 = arith.constant 0.666666686 : f32
      %add3A_283 = vector.broadcast %add3A_282 : f32 to vector<16xf32>
      %add3A_284 = arith.addf %add3A_283, %mul3A_281 : vector<16xf32>
      %mul3A_285 = arith.mulf %mul3A_270, %add3A_284 : vector<16xf32>
      %add3A_286 = arith.constant 2.000000e+00 : f32
      %add3A_287 = vector.broadcast %add3A_286 : f32 to vector<16xf32>
      %add3A_288 = arith.addf %add3A_287, %mul3A_285 : vector<16xf32>
      %mul3A_289 = arith.mulf %div3A_269, %add3A_288 : vector<16xf32>
      %mul3A_290 = arith.constant 0.693147182 : f32
      %mul3A_291 = vector.broadcast %mul3A_290 : f32 to vector<16xf32>
      %mul3A_292 = arith.mulf %add3A_262, %mul3A_291 : vector<16xf32>
      %add3A_293 = arith.addf %mul3A_292, %mul3A_289 : vector<16xf32>
      %mul3A_294 = arith.mulf %get3A_50, %add3A_293 : vector<16xf32>
      %sub3A_295 = arith.subf %get3A_52, %mul3A_294 : vector<16xf32>
      %abs3A_296 = math.absf %sub3A_295 : vector<16xf32>
      %add3A_297 = arith.addf %abs3A, %abs3A_296 : vector<16xf32>
      %add3A_298 = arith.addf %scan3A_93, %add3A_297 : vector<16xf32>
      scf.yield %add3A_298 : vector<16xf32>
    }
    %scan3A_78 = arith.constant 448 : i32
    %dma_wait3A_79 = arith.constant 0 : i32
    %dma_wait3A_80 = tpu.memref_slice %arg2[%select_n3A, %dma_wait3A_79, %add3A_43] : memref<16x64x8195xf32, #tpu.memory_space<hbm>> -> memref<1x64x896xf32, #tpu.memory_space<hbm>>
    %dma_wait3A_81 = tpu.memref_squeeze %dma_wait3A_80 : memref<1x64x896xf32, #tpu.memory_space<hbm>> -> memref<64x896xf32, #tpu.memory_space<hbm>>
    %dma_wait3A_82 = arith.constant 0 : i32
    %dma_wait3A_83 = tpu.memref_slice %arg2[%select_n3A, %dma_wait3A_82, %add3A_43] : memref<16x64x8195xf32, #tpu.memory_space<hbm>> -> memref<1x64x896xf32, #tpu.memory_space<hbm>>
    %dma_wait3A_84 = tpu.memref_squeeze %dma_wait3A_83 : memref<1x64x896xf32, #tpu.memory_space<hbm>> -> memref<64x896xf32, #tpu.memory_space<hbm>>
    tpu.wait_dma2 semaphore(%arg12 : memref<!tpu.dma_semaphore, #tpu.memory_space<semaphore_mem>>) src(%dma_wait3A_84 : memref<64x896xf32, #tpu.memory_space<hbm>>) dst(%arg7 : memref<64x896xf32, #tpu.memory_space<vmem>>)
    %scan3A_85 = arith.constant 0 : i32
    %scan3A_86 = arith.constant 448 : i32
    %scan3A_87 = arith.addi %scan3A_85, %scan3A_86 : i32
    %scan3A_88 = arith.constant 1 : i32
    %scan3A_89 = scf.for %scan3A_92 = %scan3A_85 to %scan3A_87 step %scan3A_88 iter_args(%scan3A_93 = %scan3A_77) -> (vector<16xf32>)  : i32 {
      %mul3A_94 = arith.constant 2 : i32
      %mul3A_95 = arith.muli %scan3A_92, %mul3A_94 : i32
      %broadcast_in_dim3A_96 = vector.broadcast %mul3A_95 : i32 to vector<16xi32>
      %gather3A = tpu.vector_load_idx %arg7[%add3A_55, %broadcast_in_dim3A_96] : memref<64x896xf32, #tpu.memory_space<vmem>>[vector<16xi32>, vector<16xi32>], vector<16xf32>,
      %gather3A_97 = tpu.vector_load_idx %arg7[%add3A_59, %broadcast_in_dim3A_96] : memref<64x896xf32, #tpu.memory_space<vmem>>[vector<16xi32>, vector<16xi32>], vector<16xf32>,
      %gather3A_98 = tpu.vector_load_idx %arg7[%add3A_63, %broadcast_in_dim3A_96] : memref<64x896xf32, #tpu.memory_space<vmem>>[vector<16xi32>, vector<16xi32>], vector<16xf32>,
      %gather3A_99 = tpu.vector_load_idx %arg7[%add3A_67, %broadcast_in_dim3A_96] : memref<64x896xf32, #tpu.memory_space<vmem>>[vector<16xi32>, vector<16xi32>], vector<16xf32>,
      %masked_sort3A = arith.constant dense<true> : vector<16xi1>
      %masked_sort3A_100, %masked_sort3A_101, %masked_sort3A_102 = tpu.sort %gather3A, %gather3A masked %masked_sort3A {descending = true} : (vector<16xf32>, vector<16xf32>, vector<16xi1>) -> (vector<16xi1>, vector<16xf32>, vector<16xf32>)
      %masked_sort3A_103 = arith.constant dense<true> : vector<16xi1>
      %masked_sort3A_104, %masked_sort3A_105, %masked_sort3A_106 = tpu.sort %gather3A_97, %gather3A_97 masked %masked_sort3A_103 : (vector<16xf32>, vector<16xf32>, vector<16xi1>) -> (vector<16xi1>, vector<16xf32>, vector<16xf32>)
      %masked_sort3A_107 = arith.constant dense<true> : vector<16xi1>
      %masked_sort3A_108, %masked_sort3A_109, %masked_sort3A_110 = tpu.sort %gather3A_98, %gather3A_98 masked %masked_sort3A_107 {descending = true} : (vector<16xf32>, vector<16xf32>, vector<16xi1>) -> (vector<16xi1>, vector<16xf32>, vector<16xf32>)
      %masked_sort3A_111 = arith.constant dense<true> : vector<16xi1>
      %masked_sort3A_112, %masked_sort3A_113, %masked_sort3A_114 = tpu.sort %gather3A_99, %gather3A_99 masked %masked_sort3A_111 : (vector<16xf32>, vector<16xf32>, vector<16xi1>) -> (vector<16xi1>, vector<16xf32>, vector<16xf32>)
      %max3A = arith.maximumf %masked_sort3A_101, %masked_sort3A_105 : vector<16xf32>
      %masked_sort3A_115 = arith.constant dense<true> : vector<16xi1>
      %masked_sort3A_116, %masked_sort3A_117, %masked_sort3A_118 = tpu.sort %max3A, %gather3A masked %masked_sort3A_115 {descending = true} : (vector<16xf32>, vector<16xf32>, vector<16xi1>) -> (vector<16xi1>, vector<16xf32>, vector<16xf32>)
      %max3A_119 = arith.maximumf %masked_sort3A_109, %masked_sort3A_113 : vector<16xf32>
      %masked_sort3A_120 = arith.constant dense<true> : vector<16xi1>
      %masked_sort3A_121, %masked_sort3A_122, %masked_sort3A_123 = tpu.sort %max3A_119, %gather3A masked %masked_sort3A_120 : (vector<16xf32>, vector<16xf32>, vector<16xi1>) -> (vector<16xi1>, vector<16xf32>, vector<16xf32>)
      %max3A_124 = arith.maximumf %masked_sort3A_117, %masked_sort3A_122 : vector<16xf32>
      %masked_sort3A_125 = arith.constant dense<true> : vector<16xi1>
      %masked_sort3A_126, %masked_sort3A_127, %masked_sort3A_128 = tpu.sort %max3A_124, %gather3A masked %masked_sort3A_125 {descending = true} : (vector<16xf32>, vector<16xf32>, vector<16xi1>) -> (vector<16xi1>, vector<16xf32>, vector<16xf32>)
      %add3A_129 = arith.constant 1.000000e-16 : f32
      %add3A_130 = vector.broadcast %add3A_129 : f32 to vector<16xf32>
      %add3A_131 = arith.addf %masked_sort3A_127, %add3A_130 : vector<16xf32>
      %bitcast_convert_type3A = tpu.bitcast %add3A_131 : vector<16xf32> -> vector<16xi32>
      %shift_right_logical3A = arith.constant 23 : i32
      %shift_right_logical3A_132 = vector.broadcast %shift_right_logical3A : i32 to vector<16xi32>
      %shift_right_logical3A_133 = arith.shrui %bitcast_convert_type3A, %shift_right_logical3A_132 : vector<16xi32>
      %and3A_134 = arith.constant 255 : i32
      %and3A_135 = vector.broadcast %and3A_134 : i32 to vector<16xi32>
      %and3A_136 = arith.andi %shift_right_logical3A_133, %and3A_135 : vector<16xi32>
      %and3A_137 = arith.constant 8388607 : i32
      %and3A_138 = vector.broadcast %and3A_137 : i32 to vector<16xi32>
      %and3A_139 = arith.andi %bitcast_convert_type3A, %and3A_138 : vector<16xi32>
      %or3A = arith.constant 1065353216 : i32
      %or3A_140 = vector.broadcast %or3A : i32 to vector<16xi32>
      %or3A_141 = arith.ori %and3A_139, %or3A_140 : vector<16xi32>
      %bitcast_convert_type3A_142 = tpu.bitcast %or3A_141 : vector<16xi32> -> vector<16xf32>
      %gt3A = arith.constant 1.500000e+00 : f32
      %gt3A_143 = vector.broadcast %gt3A : f32 to vector<16xf32>
      %gt3A_144 = arith.cmpf ogt, %bitcast_convert_type3A_142, %gt3A_143 : vector<16xf32>
      %mul3A_145 = arith.constant 5.000000e-01 : f32
      %mul3A_146 = vector.broadcast %mul3A_145 : f32 to vector<16xf32>
      %mul3A_147 = arith.mulf %bitcast_convert_type3A_142, %mul3A_146 : vector<16xf32>
      %select_n3A_148 = arith.select %gt3A_144, %mul3A_147, %bitcast_convert_type3A_142 : vector<16xi1>, vector<16xf32>
      %sub3A_149 = arith.constant 127 : i32
      %sub3A_150 = vector.broadcast %sub3A_149 : i32 to vector<16xi32>
      %sub3A_151 = arith.subi %and3A_136, %sub3A_150 : vector<16xi32>
      %convert_element_type3A = arith.sitofp %sub3A_151 : vector<16xi32> to vector<16xf32>
      %jit3A_152 = arith.constant 1.000000e+00 : f32
      %jit3A_153 = arith.constant 0.000000e+00 : f32
      %broadcast_in_dim3A_154 = vector.broadcast %jit3A_152 : f32 to vector<16xf32>
      %broadcast_in_dim3A_155 = vector.broadcast %jit3A_153 : f32 to vector<16xf32>
      %select_n3A_156 = arith.select %gt3A_144, %broadcast_in_dim3A_154, %broadcast_in_dim3A_155 : vector<16xi1>, vector<16xf32>
      %add3A_157 = arith.addf %convert_element_type3A, %select_n3A_156 : vector<16xf32>
      %sub3A_158 = arith.constant 1.000000e+00 : f32
      %sub3A_159 = vector.broadcast %sub3A_158 : f32 to vector<16xf32>
      %sub3A_160 = arith.subf %select_n3A_148, %sub3A_159 : vector<16xf32>
      %add3A_161 = arith.constant 1.000000e+00 : f32
      %add3A_162 = vector.broadcast %add3A_161 : f32 to vector<16xf32>
      %add3A_163 = arith.addf %select_n3A_148, %add3A_162 : vector<16xf32>
      %div3A_164 = arith.divf %sub3A_160, %add3A_163 : vector<16xf32>
      %mul3A_165 = arith.mulf %div3A_164, %div3A_164 : vector<16xf32>
      %mul3A_166 = arith.constant 0.222222224 : f32
      %mul3A_167 = vector.broadcast %mul3A_166 : f32 to vector<16xf32>
      %mul3A_168 = arith.mulf %mul3A_165, %mul3A_167 : vector<16xf32>
      %add3A_169 = arith.constant 0.285714298 : f32
      %add3A_170 = vector.broadcast %add3A_169 : f32 to vector<16xf32>
      %add3A_171 = arith.addf %add3A_170, %mul3A_168 : vector<16xf32>
      %mul3A_172 = arith.mulf %mul3A_165, %add3A_171 : vector<16xf32>
      %add3A_173 = arith.constant 4.000000e-01 : f32
      %add3A_174 = vector.broadcast %add3A_173 : f32 to vector<16xf32>
      %add3A_175 = arith.addf %add3A_174, %mul3A_172 : vector<16xf32>
      %mul3A_176 = arith.mulf %mul3A_165, %add3A_175 : vector<16xf32>
      %add3A_177 = arith.constant 0.666666686 : f32
      %add3A_178 = vector.broadcast %add3A_177 : f32 to vector<16xf32>
      %add3A_179 = arith.addf %add3A_178, %mul3A_176 : vector<16xf32>
      %mul3A_180 = arith.mulf %mul3A_165, %add3A_179 : vector<16xf32>
      %add3A_181 = arith.constant 2.000000e+00 : f32
      %add3A_182 = vector.broadcast %add3A_181 : f32 to vector<16xf32>
      %add3A_183 = arith.addf %add3A_182, %mul3A_180 : vector<16xf32>
      %mul3A_184 = arith.mulf %div3A_164, %add3A_183 : vector<16xf32>
      %mul3A_185 = arith.constant 0.693147182 : f32
      %mul3A_186 = vector.broadcast %mul3A_185 : f32 to vector<16xf32>
      %mul3A_187 = arith.mulf %add3A_157, %mul3A_186 : vector<16xf32>
      %add3A_188 = arith.addf %mul3A_187, %mul3A_184 : vector<16xf32>
      %mul3A_189 = arith.mulf %get3A_50, %add3A_188 : vector<16xf32>
      %sub3A_190 = arith.subf %get3A_52, %mul3A_189 : vector<16xf32>
      %abs3A = math.absf %sub3A_190 : vector<16xf32>
      %add3A_191 = arith.constant 1 : i32
      %add3A_192 = arith.addi %mul3A_95, %add3A_191 : i32
      %broadcast_in_dim3A_193 = vector.broadcast %add3A_192 : i32 to vector<16xi32>
      %gather3A_194 = tpu.vector_load_idx %arg7[%add3A_55, %broadcast_in_dim3A_193] : memref<64x896xf32, #tpu.memory_space<vmem>>[vector<16xi32>, vector<16xi32>], vector<16xf32>,
      %gather3A_195 = tpu.vector_load_idx %arg7[%add3A_59, %broadcast_in_dim3A_193] : memref<64x896xf32, #tpu.memory_space<vmem>>[vector<16xi32>, vector<16xi32>], vector<16xf32>,
      %gather3A_196 = tpu.vector_load_idx %arg7[%add3A_63, %broadcast_in_dim3A_193] : memref<64x896xf32, #tpu.memory_space<vmem>>[vector<16xi32>, vector<16xi32>], vector<16xf32>,
      %gather3A_197 = tpu.vector_load_idx %arg7[%add3A_67, %broadcast_in_dim3A_193] : memref<64x896xf32, #tpu.memory_space<vmem>>[vector<16xi32>, vector<16xi32>], vector<16xf32>,
      %masked_sort3A_198 = arith.constant dense<true> : vector<16xi1>
      %masked_sort3A_199, %masked_sort3A_200, %masked_sort3A_201 = tpu.sort %gather3A_194, %gather3A_194 masked %masked_sort3A_198 {descending = true} : (vector<16xf32>, vector<16xf32>, vector<16xi1>) -> (vector<16xi1>, vector<16xf32>, vector<16xf32>)
      %masked_sort3A_202 = arith.constant dense<true> : vector<16xi1>
      %masked_sort3A_203, %masked_sort3A_204, %masked_sort3A_205 = tpu.sort %gather3A_195, %gather3A_195 masked %masked_sort3A_202 : (vector<16xf32>, vector<16xf32>, vector<16xi1>) -> (vector<16xi1>, vector<16xf32>, vector<16xf32>)
      %masked_sort3A_206 = arith.constant dense<true> : vector<16xi1>
      %masked_sort3A_207, %masked_sort3A_208, %masked_sort3A_209 = tpu.sort %gather3A_196, %gather3A_196 masked %masked_sort3A_206 {descending = true} : (vector<16xf32>, vector<16xf32>, vector<16xi1>) -> (vector<16xi1>, vector<16xf32>, vector<16xf32>)
      %masked_sort3A_210 = arith.constant dense<true> : vector<16xi1>
      %masked_sort3A_211, %masked_sort3A_212, %masked_sort3A_213 = tpu.sort %gather3A_197, %gather3A_197 masked %masked_sort3A_210 : (vector<16xf32>, vector<16xf32>, vector<16xi1>) -> (vector<16xi1>, vector<16xf32>, vector<16xf32>)
      %max3A_214 = arith.maximumf %masked_sort3A_200, %masked_sort3A_204 : vector<16xf32>
      %masked_sort3A_215 = arith.constant dense<true> : vector<16xi1>
      %masked_sort3A_216, %masked_sort3A_217, %masked_sort3A_218 = tpu.sort %max3A_214, %gather3A_194 masked %masked_sort3A_215 {descending = true} : (vector<16xf32>, vector<16xf32>, vector<16xi1>) -> (vector<16xi1>, vector<16xf32>, vector<16xf32>)
      %max3A_219 = arith.maximumf %masked_sort3A_208, %masked_sort3A_212 : vector<16xf32>
      %masked_sort3A_220 = arith.constant dense<true> : vector<16xi1>
      %masked_sort3A_221, %masked_sort3A_222, %masked_sort3A_223 = tpu.sort %max3A_219, %gather3A_194 masked %masked_sort3A_220 : (vector<16xf32>, vector<16xf32>, vector<16xi1>) -> (vector<16xi1>, vector<16xf32>, vector<16xf32>)
      %max3A_224 = arith.maximumf %masked_sort3A_217, %masked_sort3A_222 : vector<16xf32>
      %masked_sort3A_225 = arith.constant dense<true> : vector<16xi1>
      %masked_sort3A_226, %masked_sort3A_227, %masked_sort3A_228 = tpu.sort %max3A_224, %gather3A_194 masked %masked_sort3A_225 {descending = true} : (vector<16xf32>, vector<16xf32>, vector<16xi1>) -> (vector<16xi1>, vector<16xf32>, vector<16xf32>)
      %add3A_229 = arith.constant 1.000000e-16 : f32
      %add3A_230 = vector.broadcast %add3A_229 : f32 to vector<16xf32>
      %add3A_231 = arith.addf %masked_sort3A_227, %add3A_230 : vector<16xf32>
      %bitcast_convert_type3A_232 = tpu.bitcast %add3A_231 : vector<16xf32> -> vector<16xi32>
      %shift_right_logical3A_233 = arith.constant 23 : i32
      %shift_right_logical3A_234 = vector.broadcast %shift_right_logical3A_233 : i32 to vector<16xi32>
      %shift_right_logical3A_235 = arith.shrui %bitcast_convert_type3A_232, %shift_right_logical3A_234 : vector<16xi32>
      %and3A_236 = arith.constant 255 : i32
      %and3A_237 = vector.broadcast %and3A_236 : i32 to vector<16xi32>
      %and3A_238 = arith.andi %shift_right_logical3A_235, %and3A_237 : vector<16xi32>
      %and3A_239 = arith.constant 8388607 : i32
      %and3A_240 = vector.broadcast %and3A_239 : i32 to vector<16xi32>
      %and3A_241 = arith.andi %bitcast_convert_type3A_232, %and3A_240 : vector<16xi32>
      %or3A_242 = arith.constant 1065353216 : i32
      %or3A_243 = vector.broadcast %or3A_242 : i32 to vector<16xi32>
      %or3A_244 = arith.ori %and3A_241, %or3A_243 : vector<16xi32>
      %bitcast_convert_type3A_245 = tpu.bitcast %or3A_244 : vector<16xi32> -> vector<16xf32>
      %gt3A_246 = arith.constant 1.500000e+00 : f32
      %gt3A_247 = vector.broadcast %gt3A_246 : f32 to vector<16xf32>
      %gt3A_248 = arith.cmpf ogt, %bitcast_convert_type3A_245, %gt3A_247 : vector<16xf32>
      %mul3A_249 = arith.constant 5.000000e-01 : f32
      %mul3A_250 = vector.broadcast %mul3A_249 : f32 to vector<16xf32>
      %mul3A_251 = arith.mulf %bitcast_convert_type3A_245, %mul3A_250 : vector<16xf32>
      %select_n3A_252 = arith.select %gt3A_248, %mul3A_251, %bitcast_convert_type3A_245 : vector<16xi1>, vector<16xf32>
      %sub3A_253 = arith.constant 127 : i32
      %sub3A_254 = vector.broadcast %sub3A_253 : i32 to vector<16xi32>
      %sub3A_255 = arith.subi %and3A_238, %sub3A_254 : vector<16xi32>
      %convert_element_type3A_256 = arith.sitofp %sub3A_255 : vector<16xi32> to vector<16xf32>
      %jit3A_257 = arith.constant 1.000000e+00 : f32
      %jit3A_258 = arith.constant 0.000000e+00 : f32
      %broadcast_in_dim3A_259 = vector.broadcast %jit3A_257 : f32 to vector<16xf32>
      %broadcast_in_dim3A_260 = vector.broadcast %jit3A_258 : f32 to vector<16xf32>
      %select_n3A_261 = arith.select %gt3A_248, %broadcast_in_dim3A_259, %broadcast_in_dim3A_260 : vector<16xi1>, vector<16xf32>
      %add3A_262 = arith.addf %convert_element_type3A_256, %select_n3A_261 : vector<16xf32>
      %sub3A_263 = arith.constant 1.000000e+00 : f32
      %sub3A_264 = vector.broadcast %sub3A_263 : f32 to vector<16xf32>
      %sub3A_265 = arith.subf %select_n3A_252, %sub3A_264 : vector<16xf32>
      %add3A_266 = arith.constant 1.000000e+00 : f32
      %add3A_267 = vector.broadcast %add3A_266 : f32 to vector<16xf32>
      %add3A_268 = arith.addf %select_n3A_252, %add3A_267 : vector<16xf32>
      %div3A_269 = arith.divf %sub3A_265, %add3A_268 : vector<16xf32>
      %mul3A_270 = arith.mulf %div3A_269, %div3A_269 : vector<16xf32>
      %mul3A_271 = arith.constant 0.222222224 : f32
      %mul3A_272 = vector.broadcast %mul3A_271 : f32 to vector<16xf32>
      %mul3A_273 = arith.mulf %mul3A_270, %mul3A_272 : vector<16xf32>
      %add3A_274 = arith.constant 0.285714298 : f32
      %add3A_275 = vector.broadcast %add3A_274 : f32 to vector<16xf32>
      %add3A_276 = arith.addf %add3A_275, %mul3A_273 : vector<16xf32>
      %mul3A_277 = arith.mulf %mul3A_270, %add3A_276 : vector<16xf32>
      %add3A_278 = arith.constant 4.000000e-01 : f32
      %add3A_279 = vector.broadcast %add3A_278 : f32 to vector<16xf32>
      %add3A_280 = arith.addf %add3A_279, %mul3A_277 : vector<16xf32>
      %mul3A_281 = arith.mulf %mul3A_270, %add3A_280 : vector<16xf32>
      %add3A_282 = arith.constant 0.666666686 : f32
      %add3A_283 = vector.broadcast %add3A_282 : f32 to vector<16xf32>
      %add3A_284 = arith.addf %add3A_283, %mul3A_281 : vector<16xf32>
      %mul3A_285 = arith.mulf %mul3A_270, %add3A_284 : vector<16xf32>
      %add3A_286 = arith.constant 2.000000e+00 : f32
      %add3A_287 = vector.broadcast %add3A_286 : f32 to vector<16xf32>
      %add3A_288 = arith.addf %add3A_287, %mul3A_285 : vector<16xf32>
      %mul3A_289 = arith.mulf %div3A_269, %add3A_288 : vector<16xf32>
      %mul3A_290 = arith.constant 0.693147182 : f32
      %mul3A_291 = vector.broadcast %mul3A_290 : f32 to vector<16xf32>
      %mul3A_292 = arith.mulf %add3A_262, %mul3A_291 : vector<16xf32>
      %add3A_293 = arith.addf %mul3A_292, %mul3A_289 : vector<16xf32>
      %mul3A_294 = arith.mulf %get3A_50, %add3A_293 : vector<16xf32>
      %sub3A_295 = arith.subf %get3A_52, %mul3A_294 : vector<16xf32>
      %abs3A_296 = math.absf %sub3A_295 : vector<16xf32>
      %add3A_297 = arith.addf %abs3A, %abs3A_296 : vector<16xf32>
      %add3A_298 = arith.addf %scan3A_93, %add3A_297 : vector<16xf32>
      scf.yield %add3A_298 : vector<16xf32>
    }
    %scan3A_90 = arith.constant 448 : i32
    %swap3A = arith.constant 0 : index
    %swap3A_91 = tpu.vector_load %arg10[%swap3A] {strides = array<i32>} : memref<16xf32, #tpu.memory_space<vmem>>, vector<16xf32>,
    tpu.vector_store %arg10[%swap3A], %scan3A_89 {strides = array<i32>} : memref<16xf32, #tpu.memory_space<vmem>>, vector<16xf32>,
    "tpu.region"() ({
      %run_scoped3A = tpu.sem_alloc : memref<!tpu.dma_semaphore, #tpu.memory_space<semaphore_mem>>
      %dma_start3A_92 = arith.constant 0 : i32
      %dma_start3A_93 = tpu.memref_slice %arg5[%add3A, %dma_start3A_92] : memref<32x16xf32, #tpu.memory_space<hbm>> -> memref<1x16xf32, #tpu.memory_space<hbm>>
      %dma_start3A_94 = tpu.memref_squeeze %dma_start3A_93 : memref<1x16xf32, #tpu.memory_space<hbm>> -> memref<16xf32, #tpu.memory_space<hbm>>
      %dma_start3A_95 = arith.constant 0 : i32
      %dma_start3A_96 = tpu.memref_slice %arg5[%add3A, %dma_start3A_95] : memref<32x16xf32, #tpu.memory_space<hbm>> -> memref<1x16xf32, #tpu.memory_space<hbm>>
      %dma_start3A_97 = tpu.memref_squeeze %dma_start3A_96 : memref<1x16xf32, #tpu.memory_space<hbm>> -> memref<16xf32, #tpu.memory_space<hbm>>
      tpu.enqueue_dma source(%arg10 : memref<16xf32, #tpu.memory_space<vmem>>) target(%dma_start3A_97 : memref<16xf32, #tpu.memory_space<hbm>>) target_semaphore(%run_scoped3A : memref<!tpu.dma_semaphore, #tpu.memory_space<semaphore_mem>>)
      %dma_wait3A_98 = arith.constant 0 : i32
      %dma_wait3A_99 = tpu.memref_slice %arg5[%add3A, %dma_wait3A_98] : memref<32x16xf32, #tpu.memory_space<hbm>> -> memref<1x16xf32, #tpu.memory_space<hbm>>
      %dma_wait3A_100 = tpu.memref_squeeze %dma_wait3A_99 : memref<1x16xf32, #tpu.memory_space<hbm>> -> memref<16xf32, #tpu.memory_space<hbm>>
      %dma_wait3A_101 = arith.constant 0 : i32
      %dma_wait3A_102 = tpu.memref_slice %arg5[%add3A, %dma_wait3A_101] : memref<32x16xf32, #tpu.memory_space<hbm>> -> memref<1x16xf32, #tpu.memory_space<hbm>>
      %dma_wait3A_103 = tpu.memref_squeeze %dma_wait3A_102 : memref<1x16xf32, #tpu.memory_space<hbm>> -> memref<16xf32, #tpu.memory_space<hbm>>
      tpu.wait_dma2 semaphore(%run_scoped3A : memref<!tpu.dma_semaphore, #tpu.memory_space<semaphore_mem>>) src(%arg10 : memref<16xf32, #tpu.memory_space<vmem>>) dst(%dma_wait3A_103 : memref<16xf32, #tpu.memory_space<hbm>>)
      tpu.yield
    }) : () -> ()
    return
  }
}

module attributes {stable_mosaic.version = 14 : i64} {
  func.func @_pois_body(%arg0: memref<16x64xf32, #tpu.memory_space<vmem>>, %arg1: memref<1x64xf32, #tpu.memory_space<vmem>>, %arg2: memref<16x16xf32, #tpu.memory_space<vmem>>, %arg3: memref<16x16xf32, #tpu.memory_space<vmem>>) attributes {dimension_semantics = [], scalar_prefetch = 0 : i64, scratch_operands = 0 : i64, tpu.core_type = #tpu.core_type<tc>} {
    %get3A = arith.constant 0 : index
    %get3A_0 = arith.constant 0 : index
    %get3A_1 = vector.load %arg0[%get3A, %get3A_0] : memref<16x64xf32, #tpu.memory_space<vmem>>, vector<16x64xf32>
    %jit3A = arith.constant 1.000000e+00 : f32
    %jit3A_2 = arith.constant 2.000000e+00 : f32
    %max3A = vector.broadcast %jit3A : f32 to vector<16x64xf32>
    %max3A_3 = arith.maximumf %max3A, %get3A_1 : vector<16x64xf32>
    %min3A = vector.broadcast %jit3A_2 : f32 to vector<16x64xf32>
    %min3A_4 = arith.minimumf %min3A, %max3A_3 : vector<16x64xf32>
    %iota3A = tpu.iota {dimensions = array<i32: 1>} : vector<16x64xi32>
    %convert_element_type3A = arith.sitofp %iota3A : vector<16x64xi32> to vector<16x64xf32>
    %add3A = arith.constant 1.000000e+00 : f32
    %add3A_5 = vector.broadcast %add3A : f32 to vector<16x64xf32>
    %add3A_6 = arith.addf %convert_element_type3A, %add3A_5 : vector<16x64xf32>
    %get3A_7 = arith.constant 0 : index
    %get3A_8 = arith.constant 0 : index
    %get3A_9 = vector.load %arg1[%get3A_7, %get3A_8] : memref<1x64xf32, #tpu.memory_space<vmem>>, vector<1x64xf32>
    %log3A = math.log %min3A_4 : vector<16x64xf32>
    %mul3A = arith.mulf %add3A_6, %log3A : vector<16x64xf32>
    %sub3A = arith.subf %mul3A, %min3A_4 : vector<16x64xf32>
    %sub3A_10 = vector.broadcast %get3A_9 : vector<1x64xf32> to vector<16x64xf32>
    %sub3A_11 = arith.subf %sub3A, %sub3A_10 : vector<16x64xf32>
    %exp3A = math.exp %sub3A_11 : vector<16x64xf32>
    %iota3A_12 = tpu.iota {dimensions = array<i32: 1>} : vector<16x64xi32>
    %slice3A = vector.extract_strided_slice %exp3A {offsets = [0, 31], sizes = [16, 1], strides = [1, 1]} : vector<16x64xf32> to vector<16x1xf32>
    %broadcast_in_dim3A = vector.shape_cast %slice3A : vector<16x1xf32> to vector<16x1xf32>
    %broadcast_in_dim3A_13 = vector.broadcast %broadcast_in_dim3A : vector<16x1xf32> to vector<16x64xf32>
    %ge3A = arith.constant 32 : i32
    %ge3A_14 = vector.broadcast %ge3A : i32 to vector<16x64xi32>
    %ge3A_15 = arith.cmpi sge, %iota3A_12, %ge3A_14 : vector<16x64xi32>
    %select_n3A = arith.select %ge3A_15, %broadcast_in_dim3A_13, %exp3A : vector<16x64xi1>, vector<16x64xf32>
    %reduce_sum3A = arith.constant dense<0.000000e+00> : vector<16xf32>
    %reduce_sum3A_16 = vector.multi_reduction <add>, %select_n3A, %reduce_sum3A [1] : vector<16x64xf32> to vector<16xf32>
    %broadcast_in_dim3A_17 = vector.shape_cast %reduce_sum3A_16 : vector<16xf32> to vector<16x1xf32>
    %div3A = vector.broadcast %broadcast_in_dim3A_17 : vector<16x1xf32> to vector<16x64xf32>
    %div3A_18 = arith.divf %select_n3A, %div3A : vector<16x64xf32>
    %slice3A_19 = vector.extract_strided_slice %div3A_18 {offsets = [0, 0], sizes = [16, 16], strides = [1, 1]} : vector<16x64xf32> to vector<16x16xf32>
    %swap3A = arith.constant 0 : index
    %swap3A_20 = arith.constant 0 : index
    %swap3A_21 = vector.load %arg2[%swap3A, %swap3A_20] : memref<16x16xf32, #tpu.memory_space<vmem>>, vector<16x16xf32>
    tpu.vector_store %arg2[%swap3A, %swap3A_20], %slice3A_19 {strides = array<i32>} : memref<16x16xf32, #tpu.memory_space<vmem>>, vector<16x16xf32>,
    %log3A_22 = math.log %slice3A_19 : vector<16x16xf32>
    %mul3A_23 = arith.mulf %slice3A_19, %log3A_22 : vector<16x16xf32>
    %swap3A_24 = arith.constant 0 : index
    %swap3A_25 = arith.constant 0 : index
    %swap3A_26 = vector.load %arg3[%swap3A_24, %swap3A_25] : memref<16x16xf32, #tpu.memory_space<vmem>>, vector<16x16xf32>
    tpu.vector_store %arg3[%swap3A_24, %swap3A_25], %mul3A_23 {strides = array<i32>} : memref<16x16xf32, #tpu.memory_space<vmem>>, vector<16x16xf32>,
    return
  }
}

module attributes {stable_mosaic.version = 14 : i64} {
  func.func @_tc_route_body(%arg0: i32, %arg1: i32, %arg2: memref<16x16xf32, #tpu.memory_space<smem>>, %arg3: memref<16x16xf32, #tpu.memory_space<smem>>, %arg4: memref<1x64x2304xf32, #tpu.memory_space<vmem>>, %arg5: memref<1x1x18x128xf32, #tpu.memory_space<vmem>>) attributes {dimension_semantics = [#tpu.dimension_semantics<arbitrary>, #tpu.dimension_semantics<arbitrary>], iteration_bounds = array<i64: 16, 2>, scalar_prefetch = 0 : i64, scratch_operands = 0 : i64, tpu.core_type = #tpu.core_type<tc>, window_params = [{transform_indices = @transform_0, window_bounds = array<i64: 16, 16>}, {transform_indices = @transform_1, window_bounds = array<i64: 16, 16>}, {transform_indices = @transform_2, window_bounds = array<i64: 1, 64, 2304>}, {transform_indices = @transform_3, window_bounds = array<i64: 1, 1, 18, 128>}]} {
    %get3A = arith.constant 0 : index
    %get3A_0 = arith.constant 0 : index
    %get3A_1 = arith.constant 0 : index
    %get3A_2 = vector.load %arg4[%get3A, %get3A_0, %get3A_1] : memref<1x64x2304xf32, #tpu.memory_space<vmem>>, vector<1x64x2304xf32>
    %get3A_3 = vector.shape_cast %get3A_2 : vector<1x64x2304xf32> to vector<64x2304xf32>
    %reshape3A = vector.shape_cast %get3A_3 : vector<64x2304xf32> to vector<64x18x128xf32>
    %slice3A = vector.extract_strided_slice %reshape3A {offsets = [0, 0, 0], sizes = [1, 18, 128], strides = [1, 1, 1]} : vector<64x18x128xf32> to vector<1x18x128xf32>
    %squeeze3A = vector.shape_cast %slice3A : vector<1x18x128xf32> to vector<18x128xf32>
    %slice3A_4 = vector.extract_strided_slice %reshape3A {offsets = [1, 0, 0], sizes = [1, 18, 128], strides = [1, 1, 1]} : vector<64x18x128xf32> to vector<1x18x128xf32>
    %squeeze3A_5 = vector.shape_cast %slice3A_4 : vector<1x18x128xf32> to vector<18x128xf32>
    %slice3A_6 = vector.extract_strided_slice %reshape3A {offsets = [2, 0, 0], sizes = [1, 18, 128], strides = [1, 1, 1]} : vector<64x18x128xf32> to vector<1x18x128xf32>
    %squeeze3A_7 = vector.shape_cast %slice3A_6 : vector<1x18x128xf32> to vector<18x128xf32>
    %slice3A_8 = vector.extract_strided_slice %reshape3A {offsets = [3, 0, 0], sizes = [1, 18, 128], strides = [1, 1, 1]} : vector<64x18x128xf32> to vector<1x18x128xf32>
    %squeeze3A_9 = vector.shape_cast %slice3A_8 : vector<1x18x128xf32> to vector<18x128xf32>
    %slice3A_10 = vector.extract_strided_slice %reshape3A {offsets = [4, 0, 0], sizes = [1, 18, 128], strides = [1, 1, 1]} : vector<64x18x128xf32> to vector<1x18x128xf32>
    %squeeze3A_11 = vector.shape_cast %slice3A_10 : vector<1x18x128xf32> to vector<18x128xf32>
    %slice3A_12 = vector.extract_strided_slice %reshape3A {offsets = [5, 0, 0], sizes = [1, 18, 128], strides = [1, 1, 1]} : vector<64x18x128xf32> to vector<1x18x128xf32>
    %squeeze3A_13 = vector.shape_cast %slice3A_12 : vector<1x18x128xf32> to vector<18x128xf32>
    %slice3A_14 = vector.extract_strided_slice %reshape3A {offsets = [6, 0, 0], sizes = [1, 18, 128], strides = [1, 1, 1]} : vector<64x18x128xf32> to vector<1x18x128xf32>
    %squeeze3A_15 = vector.shape_cast %slice3A_14 : vector<1x18x128xf32> to vector<18x128xf32>
    %slice3A_16 = vector.extract_strided_slice %reshape3A {offsets = [7, 0, 0], sizes = [1, 18, 128], strides = [1, 1, 1]} : vector<64x18x128xf32> to vector<1x18x128xf32>
    %squeeze3A_17 = vector.shape_cast %slice3A_16 : vector<1x18x128xf32> to vector<18x128xf32>
    %slice3A_18 = vector.extract_strided_slice %reshape3A {offsets = [8, 0, 0], sizes = [1, 18, 128], strides = [1, 1, 1]} : vector<64x18x128xf32> to vector<1x18x128xf32>
    %squeeze3A_19 = vector.shape_cast %slice3A_18 : vector<1x18x128xf32> to vector<18x128xf32>
    %slice3A_20 = vector.extract_strided_slice %reshape3A {offsets = [9, 0, 0], sizes = [1, 18, 128], strides = [1, 1, 1]} : vector<64x18x128xf32> to vector<1x18x128xf32>
    %squeeze3A_21 = vector.shape_cast %slice3A_20 : vector<1x18x128xf32> to vector<18x128xf32>
    %slice3A_22 = vector.extract_strided_slice %reshape3A {offsets = [10, 0, 0], sizes = [1, 18, 128], strides = [1, 1, 1]} : vector<64x18x128xf32> to vector<1x18x128xf32>
    %squeeze3A_23 = vector.shape_cast %slice3A_22 : vector<1x18x128xf32> to vector<18x128xf32>
    %slice3A_24 = vector.extract_strided_slice %reshape3A {offsets = [11, 0, 0], sizes = [1, 18, 128], strides = [1, 1, 1]} : vector<64x18x128xf32> to vector<1x18x128xf32>
    %squeeze3A_25 = vector.shape_cast %slice3A_24 : vector<1x18x128xf32> to vector<18x128xf32>
    %slice3A_26 = vector.extract_strided_slice %reshape3A {offsets = [12, 0, 0], sizes = [1, 18, 128], strides = [1, 1, 1]} : vector<64x18x128xf32> to vector<1x18x128xf32>
    %squeeze3A_27 = vector.shape_cast %slice3A_26 : vector<1x18x128xf32> to vector<18x128xf32>
    %slice3A_28 = vector.extract_strided_slice %reshape3A {offsets = [13, 0, 0], sizes = [1, 18, 128], strides = [1, 1, 1]} : vector<64x18x128xf32> to vector<1x18x128xf32>
    %squeeze3A_29 = vector.shape_cast %slice3A_28 : vector<1x18x128xf32> to vector<18x128xf32>
    %slice3A_30 = vector.extract_strided_slice %reshape3A {offsets = [14, 0, 0], sizes = [1, 18, 128], strides = [1, 1, 1]} : vector<64x18x128xf32> to vector<1x18x128xf32>
    %squeeze3A_31 = vector.shape_cast %slice3A_30 : vector<1x18x128xf32> to vector<18x128xf32>
    %slice3A_32 = vector.extract_strided_slice %reshape3A {offsets = [15, 0, 0], sizes = [1, 18, 128], strides = [1, 1, 1]} : vector<64x18x128xf32> to vector<1x18x128xf32>
    %squeeze3A_33 = vector.shape_cast %slice3A_32 : vector<1x18x128xf32> to vector<18x128xf32>
    %slice3A_34 = vector.extract_strided_slice %reshape3A {offsets = [16, 0, 0], sizes = [1, 18, 128], strides = [1, 1, 1]} : vector<64x18x128xf32> to vector<1x18x128xf32>
    %squeeze3A_35 = vector.shape_cast %slice3A_34 : vector<1x18x128xf32> to vector<18x128xf32>
    %slice3A_36 = vector.extract_strided_slice %reshape3A {offsets = [17, 0, 0], sizes = [1, 18, 128], strides = [1, 1, 1]} : vector<64x18x128xf32> to vector<1x18x128xf32>
    %squeeze3A_37 = vector.shape_cast %slice3A_36 : vector<1x18x128xf32> to vector<18x128xf32>
    %slice3A_38 = vector.extract_strided_slice %reshape3A {offsets = [18, 0, 0], sizes = [1, 18, 128], strides = [1, 1, 1]} : vector<64x18x128xf32> to vector<1x18x128xf32>
    %squeeze3A_39 = vector.shape_cast %slice3A_38 : vector<1x18x128xf32> to vector<18x128xf32>
    %slice3A_40 = vector.extract_strided_slice %reshape3A {offsets = [19, 0, 0], sizes = [1, 18, 128], strides = [1, 1, 1]} : vector<64x18x128xf32> to vector<1x18x128xf32>
    %squeeze3A_41 = vector.shape_cast %slice3A_40 : vector<1x18x128xf32> to vector<18x128xf32>
    %slice3A_42 = vector.extract_strided_slice %reshape3A {offsets = [20, 0, 0], sizes = [1, 18, 128], strides = [1, 1, 1]} : vector<64x18x128xf32> to vector<1x18x128xf32>
    %squeeze3A_43 = vector.shape_cast %slice3A_42 : vector<1x18x128xf32> to vector<18x128xf32>
    %slice3A_44 = vector.extract_strided_slice %reshape3A {offsets = [21, 0, 0], sizes = [1, 18, 128], strides = [1, 1, 1]} : vector<64x18x128xf32> to vector<1x18x128xf32>
    %squeeze3A_45 = vector.shape_cast %slice3A_44 : vector<1x18x128xf32> to vector<18x128xf32>
    %slice3A_46 = vector.extract_strided_slice %reshape3A {offsets = [22, 0, 0], sizes = [1, 18, 128], strides = [1, 1, 1]} : vector<64x18x128xf32> to vector<1x18x128xf32>
    %squeeze3A_47 = vector.shape_cast %slice3A_46 : vector<1x18x128xf32> to vector<18x128xf32>
    %slice3A_48 = vector.extract_strided_slice %reshape3A {offsets = [23, 0, 0], sizes = [1, 18, 128], strides = [1, 1, 1]} : vector<64x18x128xf32> to vector<1x18x128xf32>
    %squeeze3A_49 = vector.shape_cast %slice3A_48 : vector<1x18x128xf32> to vector<18x128xf32>
    %slice3A_50 = vector.extract_strided_slice %reshape3A {offsets = [24, 0, 0], sizes = [1, 18, 128], strides = [1, 1, 1]} : vector<64x18x128xf32> to vector<1x18x128xf32>
    %squeeze3A_51 = vector.shape_cast %slice3A_50 : vector<1x18x128xf32> to vector<18x128xf32>
    %slice3A_52 = vector.extract_strided_slice %reshape3A {offsets = [25, 0, 0], sizes = [1, 18, 128], strides = [1, 1, 1]} : vector<64x18x128xf32> to vector<1x18x128xf32>
    %squeeze3A_53 = vector.shape_cast %slice3A_52 : vector<1x18x128xf32> to vector<18x128xf32>
    %slice3A_54 = vector.extract_strided_slice %reshape3A {offsets = [26, 0, 0], sizes = [1, 18, 128], strides = [1, 1, 1]} : vector<64x18x128xf32> to vector<1x18x128xf32>
    %squeeze3A_55 = vector.shape_cast %slice3A_54 : vector<1x18x128xf32> to vector<18x128xf32>
    %slice3A_56 = vector.extract_strided_slice %reshape3A {offsets = [27, 0, 0], sizes = [1, 18, 128], strides = [1, 1, 1]} : vector<64x18x128xf32> to vector<1x18x128xf32>
    %squeeze3A_57 = vector.shape_cast %slice3A_56 : vector<1x18x128xf32> to vector<18x128xf32>
    %slice3A_58 = vector.extract_strided_slice %reshape3A {offsets = [28, 0, 0], sizes = [1, 18, 128], strides = [1, 1, 1]} : vector<64x18x128xf32> to vector<1x18x128xf32>
    %squeeze3A_59 = vector.shape_cast %slice3A_58 : vector<1x18x128xf32> to vector<18x128xf32>
    %slice3A_60 = vector.extract_strided_slice %reshape3A {offsets = [29, 0, 0], sizes = [1, 18, 128], strides = [1, 1, 1]} : vector<64x18x128xf32> to vector<1x18x128xf32>
    %squeeze3A_61 = vector.shape_cast %slice3A_60 : vector<1x18x128xf32> to vector<18x128xf32>
    %slice3A_62 = vector.extract_strided_slice %reshape3A {offsets = [30, 0, 0], sizes = [1, 18, 128], strides = [1, 1, 1]} : vector<64x18x128xf32> to vector<1x18x128xf32>
    %squeeze3A_63 = vector.shape_cast %slice3A_62 : vector<1x18x128xf32> to vector<18x128xf32>
    %slice3A_64 = vector.extract_strided_slice %reshape3A {offsets = [31, 0, 0], sizes = [1, 18, 128], strides = [1, 1, 1]} : vector<64x18x128xf32> to vector<1x18x128xf32>
    %squeeze3A_65 = vector.shape_cast %slice3A_64 : vector<1x18x128xf32> to vector<18x128xf32>
    %slice3A_66 = vector.extract_strided_slice %reshape3A {offsets = [32, 0, 0], sizes = [1, 18, 128], strides = [1, 1, 1]} : vector<64x18x128xf32> to vector<1x18x128xf32>
    %squeeze3A_67 = vector.shape_cast %slice3A_66 : vector<1x18x128xf32> to vector<18x128xf32>
    %slice3A_68 = vector.extract_strided_slice %reshape3A {offsets = [33, 0, 0], sizes = [1, 18, 128], strides = [1, 1, 1]} : vector<64x18x128xf32> to vector<1x18x128xf32>
    %squeeze3A_69 = vector.shape_cast %slice3A_68 : vector<1x18x128xf32> to vector<18x128xf32>
    %slice3A_70 = vector.extract_strided_slice %reshape3A {offsets = [34, 0, 0], sizes = [1, 18, 128], strides = [1, 1, 1]} : vector<64x18x128xf32> to vector<1x18x128xf32>
    %squeeze3A_71 = vector.shape_cast %slice3A_70 : vector<1x18x128xf32> to vector<18x128xf32>
    %slice3A_72 = vector.extract_strided_slice %reshape3A {offsets = [35, 0, 0], sizes = [1, 18, 128], strides = [1, 1, 1]} : vector<64x18x128xf32> to vector<1x18x128xf32>
    %squeeze3A_73 = vector.shape_cast %slice3A_72 : vector<1x18x128xf32> to vector<18x128xf32>
    %slice3A_74 = vector.extract_strided_slice %reshape3A {offsets = [36, 0, 0], sizes = [1, 18, 128], strides = [1, 1, 1]} : vector<64x18x128xf32> to vector<1x18x128xf32>
    %squeeze3A_75 = vector.shape_cast %slice3A_74 : vector<1x18x128xf32> to vector<18x128xf32>
    %slice3A_76 = vector.extract_strided_slice %reshape3A {offsets = [37, 0, 0], sizes = [1, 18, 128], strides = [1, 1, 1]} : vector<64x18x128xf32> to vector<1x18x128xf32>
    %squeeze3A_77 = vector.shape_cast %slice3A_76 : vector<1x18x128xf32> to vector<18x128xf32>
    %slice3A_78 = vector.extract_strided_slice %reshape3A {offsets = [38, 0, 0], sizes = [1, 18, 128], strides = [1, 1, 1]} : vector<64x18x128xf32> to vector<1x18x128xf32>
    %squeeze3A_79 = vector.shape_cast %slice3A_78 : vector<1x18x128xf32> to vector<18x128xf32>
    %slice3A_80 = vector.extract_strided_slice %reshape3A {offsets = [39, 0, 0], sizes = [1, 18, 128], strides = [1, 1, 1]} : vector<64x18x128xf32> to vector<1x18x128xf32>
    %squeeze3A_81 = vector.shape_cast %slice3A_80 : vector<1x18x128xf32> to vector<18x128xf32>
    %slice3A_82 = vector.extract_strided_slice %reshape3A {offsets = [40, 0, 0], sizes = [1, 18, 128], strides = [1, 1, 1]} : vector<64x18x128xf32> to vector<1x18x128xf32>
    %squeeze3A_83 = vector.shape_cast %slice3A_82 : vector<1x18x128xf32> to vector<18x128xf32>
    %slice3A_84 = vector.extract_strided_slice %reshape3A {offsets = [41, 0, 0], sizes = [1, 18, 128], strides = [1, 1, 1]} : vector<64x18x128xf32> to vector<1x18x128xf32>
    %squeeze3A_85 = vector.shape_cast %slice3A_84 : vector<1x18x128xf32> to vector<18x128xf32>
    %slice3A_86 = vector.extract_strided_slice %reshape3A {offsets = [42, 0, 0], sizes = [1, 18, 128], strides = [1, 1, 1]} : vector<64x18x128xf32> to vector<1x18x128xf32>
    %squeeze3A_87 = vector.shape_cast %slice3A_86 : vector<1x18x128xf32> to vector<18x128xf32>
    %slice3A_88 = vector.extract_strided_slice %reshape3A {offsets = [43, 0, 0], sizes = [1, 18, 128], strides = [1, 1, 1]} : vector<64x18x128xf32> to vector<1x18x128xf32>
    %squeeze3A_89 = vector.shape_cast %slice3A_88 : vector<1x18x128xf32> to vector<18x128xf32>
    %slice3A_90 = vector.extract_strided_slice %reshape3A {offsets = [44, 0, 0], sizes = [1, 18, 128], strides = [1, 1, 1]} : vector<64x18x128xf32> to vector<1x18x128xf32>
    %squeeze3A_91 = vector.shape_cast %slice3A_90 : vector<1x18x128xf32> to vector<18x128xf32>
    %slice3A_92 = vector.extract_strided_slice %reshape3A {offsets = [45, 0, 0], sizes = [1, 18, 128], strides = [1, 1, 1]} : vector<64x18x128xf32> to vector<1x18x128xf32>
    %squeeze3A_93 = vector.shape_cast %slice3A_92 : vector<1x18x128xf32> to vector<18x128xf32>
    %slice3A_94 = vector.extract_strided_slice %reshape3A {offsets = [46, 0, 0], sizes = [1, 18, 128], strides = [1, 1, 1]} : vector<64x18x128xf32> to vector<1x18x128xf32>
    %squeeze3A_95 = vector.shape_cast %slice3A_94 : vector<1x18x128xf32> to vector<18x128xf32>
    %slice3A_96 = vector.extract_strided_slice %reshape3A {offsets = [47, 0, 0], sizes = [1, 18, 128], strides = [1, 1, 1]} : vector<64x18x128xf32> to vector<1x18x128xf32>
    %squeeze3A_97 = vector.shape_cast %slice3A_96 : vector<1x18x128xf32> to vector<18x128xf32>
    %slice3A_98 = vector.extract_strided_slice %reshape3A {offsets = [48, 0, 0], sizes = [1, 18, 128], strides = [1, 1, 1]} : vector<64x18x128xf32> to vector<1x18x128xf32>
    %squeeze3A_99 = vector.shape_cast %slice3A_98 : vector<1x18x128xf32> to vector<18x128xf32>
    %slice3A_100 = vector.extract_strided_slice %reshape3A {offsets = [49, 0, 0], sizes = [1, 18, 128], strides = [1, 1, 1]} : vector<64x18x128xf32> to vector<1x18x128xf32>
    %squeeze3A_101 = vector.shape_cast %slice3A_100 : vector<1x18x128xf32> to vector<18x128xf32>
    %slice3A_102 = vector.extract_strided_slice %reshape3A {offsets = [50, 0, 0], sizes = [1, 18, 128], strides = [1, 1, 1]} : vector<64x18x128xf32> to vector<1x18x128xf32>
    %squeeze3A_103 = vector.shape_cast %slice3A_102 : vector<1x18x128xf32> to vector<18x128xf32>
    %slice3A_104 = vector.extract_strided_slice %reshape3A {offsets = [51, 0, 0], sizes = [1, 18, 128], strides = [1, 1, 1]} : vector<64x18x128xf32> to vector<1x18x128xf32>
    %squeeze3A_105 = vector.shape_cast %slice3A_104 : vector<1x18x128xf32> to vector<18x128xf32>
    %slice3A_106 = vector.extract_strided_slice %reshape3A {offsets = [52, 0, 0], sizes = [1, 18, 128], strides = [1, 1, 1]} : vector<64x18x128xf32> to vector<1x18x128xf32>
    %squeeze3A_107 = vector.shape_cast %slice3A_106 : vector<1x18x128xf32> to vector<18x128xf32>
    %slice3A_108 = vector.extract_strided_slice %reshape3A {offsets = [53, 0, 0], sizes = [1, 18, 128], strides = [1, 1, 1]} : vector<64x18x128xf32> to vector<1x18x128xf32>
    %squeeze3A_109 = vector.shape_cast %slice3A_108 : vector<1x18x128xf32> to vector<18x128xf32>
    %slice3A_110 = vector.extract_strided_slice %reshape3A {offsets = [54, 0, 0], sizes = [1, 18, 128], strides = [1, 1, 1]} : vector<64x18x128xf32> to vector<1x18x128xf32>
    %squeeze3A_111 = vector.shape_cast %slice3A_110 : vector<1x18x128xf32> to vector<18x128xf32>
    %slice3A_112 = vector.extract_strided_slice %reshape3A {offsets = [55, 0, 0], sizes = [1, 18, 128], strides = [1, 1, 1]} : vector<64x18x128xf32> to vector<1x18x128xf32>
    %squeeze3A_113 = vector.shape_cast %slice3A_112 : vector<1x18x128xf32> to vector<18x128xf32>
    %slice3A_114 = vector.extract_strided_slice %reshape3A {offsets = [56, 0, 0], sizes = [1, 18, 128], strides = [1, 1, 1]} : vector<64x18x128xf32> to vector<1x18x128xf32>
    %squeeze3A_115 = vector.shape_cast %slice3A_114 : vector<1x18x128xf32> to vector<18x128xf32>
    %slice3A_116 = vector.extract_strided_slice %reshape3A {offsets = [57, 0, 0], sizes = [1, 18, 128], strides = [1, 1, 1]} : vector<64x18x128xf32> to vector<1x18x128xf32>
    %squeeze3A_117 = vector.shape_cast %slice3A_116 : vector<1x18x128xf32> to vector<18x128xf32>
    %slice3A_118 = vector.extract_strided_slice %reshape3A {offsets = [58, 0, 0], sizes = [1, 18, 128], strides = [1, 1, 1]} : vector<64x18x128xf32> to vector<1x18x128xf32>
    %squeeze3A_119 = vector.shape_cast %slice3A_118 : vector<1x18x128xf32> to vector<18x128xf32>
    %slice3A_120 = vector.extract_strided_slice %reshape3A {offsets = [59, 0, 0], sizes = [1, 18, 128], strides = [1, 1, 1]} : vector<64x18x128xf32> to vector<1x18x128xf32>
    %squeeze3A_121 = vector.shape_cast %slice3A_120 : vector<1x18x128xf32> to vector<18x128xf32>
    %slice3A_122 = vector.extract_strided_slice %reshape3A {offsets = [60, 0, 0], sizes = [1, 18, 128], strides = [1, 1, 1]} : vector<64x18x128xf32> to vector<1x18x128xf32>
    %squeeze3A_123 = vector.shape_cast %slice3A_122 : vector<1x18x128xf32> to vector<18x128xf32>
    %slice3A_124 = vector.extract_strided_slice %reshape3A {offsets = [61, 0, 0], sizes = [1, 18, 128], strides = [1, 1, 1]} : vector<64x18x128xf32> to vector<1x18x128xf32>
    %squeeze3A_125 = vector.shape_cast %slice3A_124 : vector<1x18x128xf32> to vector<18x128xf32>
    %slice3A_126 = vector.extract_strided_slice %reshape3A {offsets = [62, 0, 0], sizes = [1, 18, 128], strides = [1, 1, 1]} : vector<64x18x128xf32> to vector<1x18x128xf32>
    %squeeze3A_127 = vector.shape_cast %slice3A_126 : vector<1x18x128xf32> to vector<18x128xf32>
    %slice3A_128 = vector.extract_strided_slice %reshape3A {offsets = [63, 0, 0], sizes = [1, 18, 128], strides = [1, 1, 1]} : vector<64x18x128xf32> to vector<1x18x128xf32>
    %squeeze3A_129 = vector.shape_cast %slice3A_128 : vector<1x18x128xf32> to vector<18x128xf32>
    %max3A = arith.maximumf %squeeze3A, %squeeze3A_5 : vector<18x128xf32>
    %min3A = arith.minimumf %squeeze3A, %squeeze3A_5 : vector<18x128xf32>
    %max3A_130 = arith.maximumf %squeeze3A_7, %squeeze3A_9 : vector<18x128xf32>
    %min3A_131 = arith.minimumf %squeeze3A_7, %squeeze3A_9 : vector<18x128xf32>
    %max3A_132 = arith.maximumf %max3A, %max3A_130 : vector<18x128xf32>
    %min3A_133 = arith.minimumf %max3A, %max3A_130 : vector<18x128xf32>
    %max3A_134 = arith.maximumf %min3A, %min3A_131 : vector<18x128xf32>
    %min3A_135 = arith.minimumf %min3A, %min3A_131 : vector<18x128xf32>
    %max3A_136 = arith.maximumf %max3A_134, %min3A_133 : vector<18x128xf32>
    %min3A_137 = arith.minimumf %max3A_134, %min3A_133 : vector<18x128xf32>
    %max3A_138 = arith.maximumf %squeeze3A_11, %squeeze3A_13 : vector<18x128xf32>
    %min3A_139 = arith.minimumf %squeeze3A_11, %squeeze3A_13 : vector<18x128xf32>
    %max3A_140 = arith.maximumf %squeeze3A_15, %squeeze3A_17 : vector<18x128xf32>
    %min3A_141 = arith.minimumf %squeeze3A_15, %squeeze3A_17 : vector<18x128xf32>
    %max3A_142 = arith.maximumf %max3A_138, %max3A_140 : vector<18x128xf32>
    %min3A_143 = arith.minimumf %max3A_138, %max3A_140 : vector<18x128xf32>
    %max3A_144 = arith.maximumf %min3A_139, %min3A_141 : vector<18x128xf32>
    %min3A_145 = arith.minimumf %min3A_139, %min3A_141 : vector<18x128xf32>
    %max3A_146 = arith.maximumf %max3A_144, %min3A_143 : vector<18x128xf32>
    %min3A_147 = arith.minimumf %max3A_144, %min3A_143 : vector<18x128xf32>
    %max3A_148 = arith.maximumf %max3A_132, %max3A_142 : vector<18x128xf32>
    %min3A_149 = arith.minimumf %max3A_132, %max3A_142 : vector<18x128xf32>
    %max3A_150 = arith.maximumf %min3A_137, %min3A_147 : vector<18x128xf32>
    %min3A_151 = arith.minimumf %min3A_137, %min3A_147 : vector<18x128xf32>
    %max3A_152 = arith.maximumf %max3A_150, %min3A_149 : vector<18x128xf32>
    %min3A_153 = arith.minimumf %max3A_150, %min3A_149 : vector<18x128xf32>
    %max3A_154 = arith.maximumf %max3A_136, %max3A_146 : vector<18x128xf32>
    %min3A_155 = arith.minimumf %max3A_136, %max3A_146 : vector<18x128xf32>
    %max3A_156 = arith.maximumf %min3A_135, %min3A_145 : vector<18x128xf32>
    %min3A_157 = arith.minimumf %min3A_135, %min3A_145 : vector<18x128xf32>
    %max3A_158 = arith.maximumf %max3A_156, %min3A_155 : vector<18x128xf32>
    %min3A_159 = arith.minimumf %max3A_156, %min3A_155 : vector<18x128xf32>
    %max3A_160 = arith.maximumf %max3A_154, %max3A_152 : vector<18x128xf32>
    %min3A_161 = arith.minimumf %max3A_154, %max3A_152 : vector<18x128xf32>
    %max3A_162 = arith.maximumf %max3A_158, %min3A_153 : vector<18x128xf32>
    %min3A_163 = arith.minimumf %max3A_158, %min3A_153 : vector<18x128xf32>
    %max3A_164 = arith.maximumf %min3A_159, %min3A_151 : vector<18x128xf32>
    %min3A_165 = arith.minimumf %min3A_159, %min3A_151 : vector<18x128xf32>
    %max3A_166 = arith.maximumf %squeeze3A_19, %squeeze3A_21 : vector<18x128xf32>
    %min3A_167 = arith.minimumf %squeeze3A_19, %squeeze3A_21 : vector<18x128xf32>
    %max3A_168 = arith.maximumf %squeeze3A_23, %squeeze3A_25 : vector<18x128xf32>
    %min3A_169 = arith.minimumf %squeeze3A_23, %squeeze3A_25 : vector<18x128xf32>
    %max3A_170 = arith.maximumf %max3A_166, %max3A_168 : vector<18x128xf32>
    %min3A_171 = arith.minimumf %max3A_166, %max3A_168 : vector<18x128xf32>
    %max3A_172 = arith.maximumf %min3A_167, %min3A_169 : vector<18x128xf32>
    %min3A_173 = arith.minimumf %min3A_167, %min3A_169 : vector<18x128xf32>
    %max3A_174 = arith.maximumf %max3A_172, %min3A_171 : vector<18x128xf32>
    %min3A_175 = arith.minimumf %max3A_172, %min3A_171 : vector<18x128xf32>
    %max3A_176 = arith.maximumf %squeeze3A_27, %squeeze3A_29 : vector<18x128xf32>
    %min3A_177 = arith.minimumf %squeeze3A_27, %squeeze3A_29 : vector<18x128xf32>
    %max3A_178 = arith.maximumf %squeeze3A_31, %squeeze3A_33 : vector<18x128xf32>
    %min3A_179 = arith.minimumf %squeeze3A_31, %squeeze3A_33 : vector<18x128xf32>
    %max3A_180 = arith.maximumf %max3A_176, %max3A_178 : vector<18x128xf32>
    %min3A_181 = arith.minimumf %max3A_176, %max3A_178 : vector<18x128xf32>
    %max3A_182 = arith.maximumf %min3A_177, %min3A_179 : vector<18x128xf32>
    %min3A_183 = arith.minimumf %min3A_177, %min3A_179 : vector<18x128xf32>
    %max3A_184 = arith.maximumf %max3A_182, %min3A_181 : vector<18x128xf32>
    %min3A_185 = arith.minimumf %max3A_182, %min3A_181 : vector<18x128xf32>
    %max3A_186 = arith.maximumf %max3A_170, %max3A_180 : vector<18x128xf32>
    %min3A_187 = arith.minimumf %max3A_170, %max3A_180 : vector<18x128xf32>
    %max3A_188 = arith.maximumf %min3A_175, %min3A_185 : vector<18x128xf32>
    %min3A_189 = arith.minimumf %min3A_175, %min3A_185 : vector<18x128xf32>
    %max3A_190 = arith.maximumf %max3A_188, %min3A_187 : vector<18x128xf32>
    %min3A_191 = arith.minimumf %max3A_188, %min3A_187 : vector<18x128xf32>
    %max3A_192 = arith.maximumf %max3A_174, %max3A_184 : vector<18x128xf32>
    %min3A_193 = arith.minimumf %max3A_174, %max3A_184 : vector<18x128xf32>
    %max3A_194 = arith.maximumf %min3A_173, %min3A_183 : vector<18x128xf32>
    %min3A_195 = arith.minimumf %min3A_173, %min3A_183 : vector<18x128xf32>
    %max3A_196 = arith.maximumf %max3A_194, %min3A_193 : vector<18x128xf32>
    %min3A_197 = arith.minimumf %max3A_194, %min3A_193 : vector<18x128xf32>
    %max3A_198 = arith.maximumf %max3A_192, %max3A_190 : vector<18x128xf32>
    %min3A_199 = arith.minimumf %max3A_192, %max3A_190 : vector<18x128xf32>
    %max3A_200 = arith.maximumf %max3A_196, %min3A_191 : vector<18x128xf32>
    %min3A_201 = arith.minimumf %max3A_196, %min3A_191 : vector<18x128xf32>
    %max3A_202 = arith.maximumf %min3A_197, %min3A_189 : vector<18x128xf32>
    %min3A_203 = arith.minimumf %min3A_197, %min3A_189 : vector<18x128xf32>
    %max3A_204 = arith.maximumf %max3A_148, %max3A_186 : vector<18x128xf32>
    %min3A_205 = arith.minimumf %max3A_148, %max3A_186 : vector<18x128xf32>
    %max3A_206 = arith.maximumf %min3A_163, %min3A_201 : vector<18x128xf32>
    %min3A_207 = arith.minimumf %min3A_163, %min3A_201 : vector<18x128xf32>
    %max3A_208 = arith.maximumf %max3A_206, %min3A_205 : vector<18x128xf32>
    %min3A_209 = arith.minimumf %max3A_206, %min3A_205 : vector<18x128xf32>
    %max3A_210 = arith.maximumf %min3A_161, %min3A_199 : vector<18x128xf32>
    %min3A_211 = arith.minimumf %min3A_161, %min3A_199 : vector<18x128xf32>
    %max3A_212 = arith.maximumf %min3A_165, %min3A_203 : vector<18x128xf32>
    %min3A_213 = arith.minimumf %min3A_165, %min3A_203 : vector<18x128xf32>
    %max3A_214 = arith.maximumf %max3A_212, %min3A_211 : vector<18x128xf32>
    %min3A_215 = arith.minimumf %max3A_212, %min3A_211 : vector<18x128xf32>
    %max3A_216 = arith.maximumf %max3A_210, %max3A_208 : vector<18x128xf32>
    %min3A_217 = arith.minimumf %max3A_210, %max3A_208 : vector<18x128xf32>
    %max3A_218 = arith.maximumf %max3A_214, %min3A_209 : vector<18x128xf32>
    %min3A_219 = arith.minimumf %max3A_214, %min3A_209 : vector<18x128xf32>
    %max3A_220 = arith.maximumf %min3A_215, %min3A_207 : vector<18x128xf32>
    %min3A_221 = arith.minimumf %min3A_215, %min3A_207 : vector<18x128xf32>
    %max3A_222 = arith.maximumf %max3A_160, %max3A_198 : vector<18x128xf32>
    %min3A_223 = arith.minimumf %max3A_160, %max3A_198 : vector<18x128xf32>
    %max3A_224 = arith.maximumf %max3A_164, %max3A_202 : vector<18x128xf32>
    %min3A_225 = arith.minimumf %max3A_164, %max3A_202 : vector<18x128xf32>
    %max3A_226 = arith.maximumf %max3A_224, %min3A_223 : vector<18x128xf32>
    %min3A_227 = arith.minimumf %max3A_224, %min3A_223 : vector<18x128xf32>
    %max3A_228 = arith.maximumf %max3A_162, %max3A_200 : vector<18x128xf32>
    %min3A_229 = arith.minimumf %max3A_162, %max3A_200 : vector<18x128xf32>
    %max3A_230 = arith.maximumf %min3A_157, %min3A_195 : vector<18x128xf32>
    %min3A_231 = arith.minimumf %min3A_157, %min3A_195 : vector<18x128xf32>
    %max3A_232 = arith.maximumf %max3A_230, %min3A_229 : vector<18x128xf32>
    %min3A_233 = arith.minimumf %max3A_230, %min3A_229 : vector<18x128xf32>
    %max3A_234 = arith.maximumf %max3A_228, %max3A_226 : vector<18x128xf32>
    %min3A_235 = arith.minimumf %max3A_228, %max3A_226 : vector<18x128xf32>
    %max3A_236 = arith.maximumf %max3A_232, %min3A_227 : vector<18x128xf32>
    %min3A_237 = arith.minimumf %max3A_232, %min3A_227 : vector<18x128xf32>
    %max3A_238 = arith.maximumf %min3A_233, %min3A_225 : vector<18x128xf32>
    %min3A_239 = arith.minimumf %min3A_233, %min3A_225 : vector<18x128xf32>
    %max3A_240 = arith.maximumf %max3A_222, %max3A_216 : vector<18x128xf32>
    %min3A_241 = arith.minimumf %max3A_222, %max3A_216 : vector<18x128xf32>
    %max3A_242 = arith.maximumf %max3A_234, %min3A_217 : vector<18x128xf32>
    %min3A_243 = arith.minimumf %max3A_234, %min3A_217 : vector<18x128xf32>
    %max3A_244 = arith.maximumf %min3A_235, %max3A_218 : vector<18x128xf32>
    %min3A_245 = arith.minimumf %min3A_235, %max3A_218 : vector<18x128xf32>
    %max3A_246 = arith.maximumf %max3A_236, %min3A_219 : vector<18x128xf32>
    %min3A_247 = arith.minimumf %max3A_236, %min3A_219 : vector<18x128xf32>
    %max3A_248 = arith.maximumf %min3A_237, %max3A_220 : vector<18x128xf32>
    %min3A_249 = arith.minimumf %min3A_237, %max3A_220 : vector<18x128xf32>
    %max3A_250 = arith.maximumf %max3A_238, %min3A_221 : vector<18x128xf32>
    %min3A_251 = arith.minimumf %max3A_238, %min3A_221 : vector<18x128xf32>
    %max3A_252 = arith.maximumf %min3A_239, %min3A_213 : vector<18x128xf32>
    %min3A_253 = arith.minimumf %min3A_239, %min3A_213 : vector<18x128xf32>
    %max3A_254 = arith.maximumf %squeeze3A_35, %squeeze3A_37 : vector<18x128xf32>
    %min3A_255 = arith.minimumf %squeeze3A_35, %squeeze3A_37 : vector<18x128xf32>
    %max3A_256 = arith.maximumf %squeeze3A_39, %squeeze3A_41 : vector<18x128xf32>
    %min3A_257 = arith.minimumf %squeeze3A_39, %squeeze3A_41 : vector<18x128xf32>
    %max3A_258 = arith.maximumf %max3A_254, %max3A_256 : vector<18x128xf32>
    %min3A_259 = arith.minimumf %max3A_254, %max3A_256 : vector<18x128xf32>
    %max3A_260 = arith.maximumf %min3A_255, %min3A_257 : vector<18x128xf32>
    %min3A_261 = arith.minimumf %min3A_255, %min3A_257 : vector<18x128xf32>
    %max3A_262 = arith.maximumf %max3A_260, %min3A_259 : vector<18x128xf32>
    %min3A_263 = arith.minimumf %max3A_260, %min3A_259 : vector<18x128xf32>
    %max3A_264 = arith.maximumf %squeeze3A_43, %squeeze3A_45 : vector<18x128xf32>
    %min3A_265 = arith.minimumf %squeeze3A_43, %squeeze3A_45 : vector<18x128xf32>
    %max3A_266 = arith.maximumf %squeeze3A_47, %squeeze3A_49 : vector<18x128xf32>
    %min3A_267 = arith.minimumf %squeeze3A_47, %squeeze3A_49 : vector<18x128xf32>
    %max3A_268 = arith.maximumf %max3A_264, %max3A_266 : vector<18x128xf32>
    %min3A_269 = arith.minimumf %max3A_264, %max3A_266 : vector<18x128xf32>
    %max3A_270 = arith.maximumf %min3A_265, %min3A_267 : vector<18x128xf32>
    %min3A_271 = arith.minimumf %min3A_265, %min3A_267 : vector<18x128xf32>
    %max3A_272 = arith.maximumf %max3A_270, %min3A_269 : vector<18x128xf32>
    %min3A_273 = arith.minimumf %max3A_270, %min3A_269 : vector<18x128xf32>
    %max3A_274 = arith.maximumf %max3A_258, %max3A_268 : vector<18x128xf32>
    %min3A_275 = arith.minimumf %max3A_258, %max3A_268 : vector<18x128xf32>
    %max3A_276 = arith.maximumf %min3A_263, %min3A_273 : vector<18x128xf32>
    %min3A_277 = arith.minimumf %min3A_263, %min3A_273 : vector<18x128xf32>
    %max3A_278 = arith.maximumf %max3A_276, %min3A_275 : vector<18x128xf32>
    %min3A_279 = arith.minimumf %max3A_276, %min3A_275 : vector<18x128xf32>
    %max3A_280 = arith.maximumf %max3A_262, %max3A_272 : vector<18x128xf32>
    %min3A_281 = arith.minimumf %max3A_262, %max3A_272 : vector<18x128xf32>
    %max3A_282 = arith.maximumf %min3A_261, %min3A_271 : vector<18x128xf32>
    %min3A_283 = arith.minimumf %min3A_261, %min3A_271 : vector<18x128xf32>
    %max3A_284 = arith.maximumf %max3A_282, %min3A_281 : vector<18x128xf32>
    %min3A_285 = arith.minimumf %max3A_282, %min3A_281 : vector<18x128xf32>
    %max3A_286 = arith.maximumf %max3A_280, %max3A_278 : vector<18x128xf32>
    %min3A_287 = arith.minimumf %max3A_280, %max3A_278 : vector<18x128xf32>
    %max3A_288 = arith.maximumf %max3A_284, %min3A_279 : vector<18x128xf32>
    %min3A_289 = arith.minimumf %max3A_284, %min3A_279 : vector<18x128xf32>
    %max3A_290 = arith.maximumf %min3A_285, %min3A_277 : vector<18x128xf32>
    %min3A_291 = arith.minimumf %min3A_285, %min3A_277 : vector<18x128xf32>
    %max3A_292 = arith.maximumf %squeeze3A_51, %squeeze3A_53 : vector<18x128xf32>
    %min3A_293 = arith.minimumf %squeeze3A_51, %squeeze3A_53 : vector<18x128xf32>
    %max3A_294 = arith.maximumf %squeeze3A_55, %squeeze3A_57 : vector<18x128xf32>
    %min3A_295 = arith.minimumf %squeeze3A_55, %squeeze3A_57 : vector<18x128xf32>
    %max3A_296 = arith.maximumf %max3A_292, %max3A_294 : vector<18x128xf32>
    %min3A_297 = arith.minimumf %max3A_292, %max3A_294 : vector<18x128xf32>
    %max3A_298 = arith.maximumf %min3A_293, %min3A_295 : vector<18x128xf32>
    %min3A_299 = arith.minimumf %min3A_293, %min3A_295 : vector<18x128xf32>
    %max3A_300 = arith.maximumf %max3A_298, %min3A_297 : vector<18x128xf32>
    %min3A_301 = arith.minimumf %max3A_298, %min3A_297 : vector<18x128xf32>
    %max3A_302 = arith.maximumf %squeeze3A_59, %squeeze3A_61 : vector<18x128xf32>
    %min3A_303 = arith.minimumf %squeeze3A_59, %squeeze3A_61 : vector<18x128xf32>
    %max3A_304 = arith.maximumf %squeeze3A_63, %squeeze3A_65 : vector<18x128xf32>
    %min3A_305 = arith.minimumf %squeeze3A_63, %squeeze3A_65 : vector<18x128xf32>
    %max3A_306 = arith.maximumf %max3A_302, %max3A_304 : vector<18x128xf32>
    %min3A_307 = arith.minimumf %max3A_302, %max3A_304 : vector<18x128xf32>
    %max3A_308 = arith.maximumf %min3A_303, %min3A_305 : vector<18x128xf32>
    %min3A_309 = arith.minimumf %min3A_303, %min3A_305 : vector<18x128xf32>
    %max3A_310 = arith.maximumf %max3A_308, %min3A_307 : vector<18x128xf32>
    %min3A_311 = arith.minimumf %max3A_308, %min3A_307 : vector<18x128xf32>
    %max3A_312 = arith.maximumf %max3A_296, %max3A_306 : vector<18x128xf32>
    %min3A_313 = arith.minimumf %max3A_296, %max3A_306 : vector<18x128xf32>
    %max3A_314 = arith.maximumf %min3A_301, %min3A_311 : vector<18x128xf32>
    %min3A_315 = arith.minimumf %min3A_301, %min3A_311 : vector<18x128xf32>
    %max3A_316 = arith.maximumf %max3A_314, %min3A_313 : vector<18x128xf32>
    %min3A_317 = arith.minimumf %max3A_314, %min3A_313 : vector<18x128xf32>
    %max3A_318 = arith.maximumf %max3A_300, %max3A_310 : vector<18x128xf32>
    %min3A_319 = arith.minimumf %max3A_300, %max3A_310 : vector<18x128xf32>
    %max3A_320 = arith.maximumf %min3A_299, %min3A_309 : vector<18x128xf32>
    %min3A_321 = arith.minimumf %min3A_299, %min3A_309 : vector<18x128xf32>
    %max3A_322 = arith.maximumf %max3A_320, %min3A_319 : vector<18x128xf32>
    %min3A_323 = arith.minimumf %max3A_320, %min3A_319 : vector<18x128xf32>
    %max3A_324 = arith.maximumf %max3A_318, %max3A_316 : vector<18x128xf32>
    %min3A_325 = arith.minimumf %max3A_318, %max3A_316 : vector<18x128xf32>
    %max3A_326 = arith.maximumf %max3A_322, %min3A_317 : vector<18x128xf32>
    %min3A_327 = arith.minimumf %max3A_322, %min3A_317 : vector<18x128xf32>
    %max3A_328 = arith.maximumf %min3A_323, %min3A_315 : vector<18x128xf32>
    %min3A_329 = arith.minimumf %min3A_323, %min3A_315 : vector<18x128xf32>
    %max3A_330 = arith.maximumf %max3A_274, %max3A_312 : vector<18x128xf32>
    %min3A_331 = arith.minimumf %max3A_274, %max3A_312 : vector<18x128xf32>
    %max3A_332 = arith.maximumf %min3A_289, %min3A_327 : vector<18x128xf32>
    %min3A_333 = arith.minimumf %min3A_289, %min3A_327 : vector<18x128xf32>
    %max3A_334 = arith.maximumf %max3A_332, %min3A_331 : vector<18x128xf32>
    %min3A_335 = arith.minimumf %max3A_332, %min3A_331 : vector<18x128xf32>
    %max3A_336 = arith.maximumf %min3A_287, %min3A_325 : vector<18x128xf32>
    %min3A_337 = arith.minimumf %min3A_287, %min3A_325 : vector<18x128xf32>
    %max3A_338 = arith.maximumf %min3A_291, %min3A_329 : vector<18x128xf32>
    %min3A_339 = arith.minimumf %min3A_291, %min3A_329 : vector<18x128xf32>
    %max3A_340 = arith.maximumf %max3A_338, %min3A_337 : vector<18x128xf32>
    %min3A_341 = arith.minimumf %max3A_338, %min3A_337 : vector<18x128xf32>
    %max3A_342 = arith.maximumf %max3A_336, %max3A_334 : vector<18x128xf32>
    %min3A_343 = arith.minimumf %max3A_336, %max3A_334 : vector<18x128xf32>
    %max3A_344 = arith.maximumf %max3A_340, %min3A_335 : vector<18x128xf32>
    %min3A_345 = arith.minimumf %max3A_340, %min3A_335 : vector<18x128xf32>
    %max3A_346 = arith.maximumf %min3A_341, %min3A_333 : vector<18x128xf32>
    %min3A_347 = arith.minimumf %min3A_341, %min3A_333 : vector<18x128xf32>
    %max3A_348 = arith.maximumf %max3A_286, %max3A_324 : vector<18x128xf32>
    %min3A_349 = arith.minimumf %max3A_286, %max3A_324 : vector<18x128xf32>
    %max3A_350 = arith.maximumf %max3A_290, %max3A_328 : vector<18x128xf32>
    %min3A_351 = arith.minimumf %max3A_290, %max3A_328 : vector<18x128xf32>
    %max3A_352 = arith.maximumf %max3A_350, %min3A_349 : vector<18x128xf32>
    %min3A_353 = arith.minimumf %max3A_350, %min3A_349 : vector<18x128xf32>
    %max3A_354 = arith.maximumf %max3A_288, %max3A_326 : vector<18x128xf32>
    %min3A_355 = arith.minimumf %max3A_288, %max3A_326 : vector<18x128xf32>
    %max3A_356 = arith.maximumf %min3A_283, %min3A_321 : vector<18x128xf32>
    %min3A_357 = arith.minimumf %min3A_283, %min3A_321 : vector<18x128xf32>
    %max3A_358 = arith.maximumf %max3A_356, %min3A_355 : vector<18x128xf32>
    %min3A_359 = arith.minimumf %max3A_356, %min3A_355 : vector<18x128xf32>
    %max3A_360 = arith.maximumf %max3A_354, %max3A_352 : vector<18x128xf32>
    %min3A_361 = arith.minimumf %max3A_354, %max3A_352 : vector<18x128xf32>
    %max3A_362 = arith.maximumf %max3A_358, %min3A_353 : vector<18x128xf32>
    %min3A_363 = arith.minimumf %max3A_358, %min3A_353 : vector<18x128xf32>
    %max3A_364 = arith.maximumf %min3A_359, %min3A_351 : vector<18x128xf32>
    %min3A_365 = arith.minimumf %min3A_359, %min3A_351 : vector<18x128xf32>
    %max3A_366 = arith.maximumf %max3A_348, %max3A_342 : vector<18x128xf32>
    %min3A_367 = arith.minimumf %max3A_348, %max3A_342 : vector<18x128xf32>
    %max3A_368 = arith.maximumf %max3A_360, %min3A_343 : vector<18x128xf32>
    %min3A_369 = arith.minimumf %max3A_360, %min3A_343 : vector<18x128xf32>
    %max3A_370 = arith.maximumf %min3A_361, %max3A_344 : vector<18x128xf32>
    %min3A_371 = arith.minimumf %min3A_361, %max3A_344 : vector<18x128xf32>
    %max3A_372 = arith.maximumf %max3A_362, %min3A_345 : vector<18x128xf32>
    %min3A_373 = arith.minimumf %max3A_362, %min3A_345 : vector<18x128xf32>
    %max3A_374 = arith.maximumf %min3A_363, %max3A_346 : vector<18x128xf32>
    %min3A_375 = arith.minimumf %min3A_363, %max3A_346 : vector<18x128xf32>
    %max3A_376 = arith.maximumf %max3A_364, %min3A_347 : vector<18x128xf32>
    %min3A_377 = arith.minimumf %max3A_364, %min3A_347 : vector<18x128xf32>
    %max3A_378 = arith.maximumf %min3A_365, %min3A_339 : vector<18x128xf32>
    %min3A_379 = arith.minimumf %min3A_365, %min3A_339 : vector<18x128xf32>
    %max3A_380 = arith.maximumf %max3A_204, %min3A_357 : vector<18x128xf32>
    %max3A_381 = arith.maximumf %max3A_240, %min3A_379 : vector<18x128xf32>
    %max3A_382 = arith.maximumf %min3A_241, %max3A_378 : vector<18x128xf32>
    %max3A_383 = arith.maximumf %max3A_242, %min3A_377 : vector<18x128xf32>
    %max3A_384 = arith.maximumf %min3A_243, %max3A_376 : vector<18x128xf32>
    %max3A_385 = arith.maximumf %max3A_244, %min3A_375 : vector<18x128xf32>
    %max3A_386 = arith.maximumf %min3A_245, %max3A_374 : vector<18x128xf32>
    %max3A_387 = arith.maximumf %max3A_246, %min3A_373 : vector<18x128xf32>
    %max3A_388 = arith.maximumf %min3A_247, %max3A_372 : vector<18x128xf32>
    %max3A_389 = arith.maximumf %max3A_248, %min3A_371 : vector<18x128xf32>
    %max3A_390 = arith.maximumf %min3A_249, %max3A_370 : vector<18x128xf32>
    %max3A_391 = arith.maximumf %max3A_250, %min3A_369 : vector<18x128xf32>
    %max3A_392 = arith.maximumf %min3A_251, %max3A_368 : vector<18x128xf32>
    %max3A_393 = arith.maximumf %max3A_252, %min3A_367 : vector<18x128xf32>
    %max3A_394 = arith.maximumf %min3A_253, %max3A_366 : vector<18x128xf32>
    %max3A_395 = arith.maximumf %min3A_231, %max3A_330 : vector<18x128xf32>
    %max3A_396 = arith.maximumf %max3A_380, %max3A_388 : vector<18x128xf32>
    %min3A_397 = arith.minimumf %max3A_380, %max3A_388 : vector<18x128xf32>
    %max3A_398 = arith.maximumf %max3A_381, %max3A_389 : vector<18x128xf32>
    %min3A_399 = arith.minimumf %max3A_381, %max3A_389 : vector<18x128xf32>
    %max3A_400 = arith.maximumf %max3A_382, %max3A_390 : vector<18x128xf32>
    %min3A_401 = arith.minimumf %max3A_382, %max3A_390 : vector<18x128xf32>
    %max3A_402 = arith.maximumf %max3A_383, %max3A_391 : vector<18x128xf32>
    %min3A_403 = arith.minimumf %max3A_383, %max3A_391 : vector<18x128xf32>
    %max3A_404 = arith.maximumf %max3A_384, %max3A_392 : vector<18x128xf32>
    %min3A_405 = arith.minimumf %max3A_384, %max3A_392 : vector<18x128xf32>
    %max3A_406 = arith.maximumf %max3A_385, %max3A_393 : vector<18x128xf32>
    %min3A_407 = arith.minimumf %max3A_385, %max3A_393 : vector<18x128xf32>
    %max3A_408 = arith.maximumf %max3A_386, %max3A_394 : vector<18x128xf32>
    %min3A_409 = arith.minimumf %max3A_386, %max3A_394 : vector<18x128xf32>
    %max3A_410 = arith.maximumf %max3A_387, %max3A_395 : vector<18x128xf32>
    %min3A_411 = arith.minimumf %max3A_387, %max3A_395 : vector<18x128xf32>
    %max3A_412 = arith.maximumf %max3A_396, %max3A_404 : vector<18x128xf32>
    %min3A_413 = arith.minimumf %max3A_396, %max3A_404 : vector<18x128xf32>
    %max3A_414 = arith.maximumf %max3A_398, %max3A_406 : vector<18x128xf32>
    %min3A_415 = arith.minimumf %max3A_398, %max3A_406 : vector<18x128xf32>
    %max3A_416 = arith.maximumf %max3A_400, %max3A_408 : vector<18x128xf32>
    %min3A_417 = arith.minimumf %max3A_400, %max3A_408 : vector<18x128xf32>
    %max3A_418 = arith.maximumf %max3A_402, %max3A_410 : vector<18x128xf32>
    %min3A_419 = arith.minimumf %max3A_402, %max3A_410 : vector<18x128xf32>
    %max3A_420 = arith.maximumf %min3A_397, %min3A_405 : vector<18x128xf32>
    %min3A_421 = arith.minimumf %min3A_397, %min3A_405 : vector<18x128xf32>
    %max3A_422 = arith.maximumf %min3A_399, %min3A_407 : vector<18x128xf32>
    %min3A_423 = arith.minimumf %min3A_399, %min3A_407 : vector<18x128xf32>
    %max3A_424 = arith.maximumf %min3A_401, %min3A_409 : vector<18x128xf32>
    %min3A_425 = arith.minimumf %min3A_401, %min3A_409 : vector<18x128xf32>
    %max3A_426 = arith.maximumf %min3A_403, %min3A_411 : vector<18x128xf32>
    %min3A_427 = arith.minimumf %min3A_403, %min3A_411 : vector<18x128xf32>
    %max3A_428 = arith.maximumf %max3A_412, %max3A_416 : vector<18x128xf32>
    %min3A_429 = arith.minimumf %max3A_412, %max3A_416 : vector<18x128xf32>
    %max3A_430 = arith.maximumf %max3A_414, %max3A_418 : vector<18x128xf32>
    %min3A_431 = arith.minimumf %max3A_414, %max3A_418 : vector<18x128xf32>
    %max3A_432 = arith.maximumf %min3A_413, %min3A_417 : vector<18x128xf32>
    %min3A_433 = arith.minimumf %min3A_413, %min3A_417 : vector<18x128xf32>
    %max3A_434 = arith.maximumf %min3A_415, %min3A_419 : vector<18x128xf32>
    %min3A_435 = arith.minimumf %min3A_415, %min3A_419 : vector<18x128xf32>
    %max3A_436 = arith.maximumf %max3A_420, %max3A_424 : vector<18x128xf32>
    %min3A_437 = arith.minimumf %max3A_420, %max3A_424 : vector<18x128xf32>
    %max3A_438 = arith.maximumf %max3A_422, %max3A_426 : vector<18x128xf32>
    %min3A_439 = arith.minimumf %max3A_422, %max3A_426 : vector<18x128xf32>
    %max3A_440 = arith.maximumf %min3A_421, %min3A_425 : vector<18x128xf32>
    %min3A_441 = arith.minimumf %min3A_421, %min3A_425 : vector<18x128xf32>
    %max3A_442 = arith.maximumf %min3A_423, %min3A_427 : vector<18x128xf32>
    %min3A_443 = arith.minimumf %min3A_423, %min3A_427 : vector<18x128xf32>
    %max3A_444 = arith.maximumf %max3A_428, %max3A_430 : vector<18x128xf32>
    %min3A_445 = arith.minimumf %max3A_428, %max3A_430 : vector<18x128xf32>
    %max3A_446 = arith.maximumf %min3A_429, %min3A_431 : vector<18x128xf32>
    %min3A_447 = arith.minimumf %min3A_429, %min3A_431 : vector<18x128xf32>
    %max3A_448 = arith.maximumf %max3A_432, %max3A_434 : vector<18x128xf32>
    %min3A_449 = arith.minimumf %max3A_432, %max3A_434 : vector<18x128xf32>
    %max3A_450 = arith.maximumf %min3A_433, %min3A_435 : vector<18x128xf32>
    %min3A_451 = arith.minimumf %min3A_433, %min3A_435 : vector<18x128xf32>
    %max3A_452 = arith.maximumf %max3A_436, %max3A_438 : vector<18x128xf32>
    %min3A_453 = arith.minimumf %max3A_436, %max3A_438 : vector<18x128xf32>
    %max3A_454 = arith.maximumf %min3A_437, %min3A_439 : vector<18x128xf32>
    %min3A_455 = arith.minimumf %min3A_437, %min3A_439 : vector<18x128xf32>
    %max3A_456 = arith.maximumf %max3A_440, %max3A_442 : vector<18x128xf32>
    %min3A_457 = arith.minimumf %max3A_440, %max3A_442 : vector<18x128xf32>
    %max3A_458 = arith.maximumf %min3A_441, %min3A_443 : vector<18x128xf32>
    %min3A_459 = arith.minimumf %min3A_441, %min3A_443 : vector<18x128xf32>
    %max3A_460 = arith.maximumf %squeeze3A_67, %squeeze3A_69 : vector<18x128xf32>
    %min3A_461 = arith.minimumf %squeeze3A_67, %squeeze3A_69 : vector<18x128xf32>
    %max3A_462 = arith.maximumf %squeeze3A_71, %squeeze3A_73 : vector<18x128xf32>
    %min3A_463 = arith.minimumf %squeeze3A_71, %squeeze3A_73 : vector<18x128xf32>
    %max3A_464 = arith.maximumf %max3A_460, %max3A_462 : vector<18x128xf32>
    %min3A_465 = arith.minimumf %max3A_460, %max3A_462 : vector<18x128xf32>
    %max3A_466 = arith.maximumf %min3A_461, %min3A_463 : vector<18x128xf32>
    %min3A_467 = arith.minimumf %min3A_461, %min3A_463 : vector<18x128xf32>
    %max3A_468 = arith.maximumf %max3A_466, %min3A_465 : vector<18x128xf32>
    %min3A_469 = arith.minimumf %max3A_466, %min3A_465 : vector<18x128xf32>
    %max3A_470 = arith.maximumf %squeeze3A_75, %squeeze3A_77 : vector<18x128xf32>
    %min3A_471 = arith.minimumf %squeeze3A_75, %squeeze3A_77 : vector<18x128xf32>
    %max3A_472 = arith.maximumf %squeeze3A_79, %squeeze3A_81 : vector<18x128xf32>
    %min3A_473 = arith.minimumf %squeeze3A_79, %squeeze3A_81 : vector<18x128xf32>
    %max3A_474 = arith.maximumf %max3A_470, %max3A_472 : vector<18x128xf32>
    %min3A_475 = arith.minimumf %max3A_470, %max3A_472 : vector<18x128xf32>
    %max3A_476 = arith.maximumf %min3A_471, %min3A_473 : vector<18x128xf32>
    %min3A_477 = arith.minimumf %min3A_471, %min3A_473 : vector<18x128xf32>
    %max3A_478 = arith.maximumf %max3A_476, %min3A_475 : vector<18x128xf32>
    %min3A_479 = arith.minimumf %max3A_476, %min3A_475 : vector<18x128xf32>
    %max3A_480 = arith.maximumf %max3A_464, %max3A_474 : vector<18x128xf32>
    %min3A_481 = arith.minimumf %max3A_464, %max3A_474 : vector<18x128xf32>
    %max3A_482 = arith.maximumf %min3A_469, %min3A_479 : vector<18x128xf32>
    %min3A_483 = arith.minimumf %min3A_469, %min3A_479 : vector<18x128xf32>
    %max3A_484 = arith.maximumf %max3A_482, %min3A_481 : vector<18x128xf32>
    %min3A_485 = arith.minimumf %max3A_482, %min3A_481 : vector<18x128xf32>
    %max3A_486 = arith.maximumf %max3A_468, %max3A_478 : vector<18x128xf32>
    %min3A_487 = arith.minimumf %max3A_468, %max3A_478 : vector<18x128xf32>
    %max3A_488 = arith.maximumf %min3A_467, %min3A_477 : vector<18x128xf32>
    %min3A_489 = arith.minimumf %min3A_467, %min3A_477 : vector<18x128xf32>
    %max3A_490 = arith.maximumf %max3A_488, %min3A_487 : vector<18x128xf32>
    %min3A_491 = arith.minimumf %max3A_488, %min3A_487 : vector<18x128xf32>
    %max3A_492 = arith.maximumf %max3A_486, %max3A_484 : vector<18x128xf32>
    %min3A_493 = arith.minimumf %max3A_486, %max3A_484 : vector<18x128xf32>
    %max3A_494 = arith.maximumf %max3A_490, %min3A_485 : vector<18x128xf32>
    %min3A_495 = arith.minimumf %max3A_490, %min3A_485 : vector<18x128xf32>
    %max3A_496 = arith.maximumf %min3A_491, %min3A_483 : vector<18x128xf32>
    %min3A_497 = arith.minimumf %min3A_491, %min3A_483 : vector<18x128xf32>
    %max3A_498 = arith.maximumf %squeeze3A_83, %squeeze3A_85 : vector<18x128xf32>
    %min3A_499 = arith.minimumf %squeeze3A_83, %squeeze3A_85 : vector<18x128xf32>
    %max3A_500 = arith.maximumf %squeeze3A_87, %squeeze3A_89 : vector<18x128xf32>
    %min3A_501 = arith.minimumf %squeeze3A_87, %squeeze3A_89 : vector<18x128xf32>
    %max3A_502 = arith.maximumf %max3A_498, %max3A_500 : vector<18x128xf32>
    %min3A_503 = arith.minimumf %max3A_498, %max3A_500 : vector<18x128xf32>
    %max3A_504 = arith.maximumf %min3A_499, %min3A_501 : vector<18x128xf32>
    %min3A_505 = arith.minimumf %min3A_499, %min3A_501 : vector<18x128xf32>
    %max3A_506 = arith.maximumf %max3A_504, %min3A_503 : vector<18x128xf32>
    %min3A_507 = arith.minimumf %max3A_504, %min3A_503 : vector<18x128xf32>
    %max3A_508 = arith.maximumf %squeeze3A_91, %squeeze3A_93 : vector<18x128xf32>
    %min3A_509 = arith.minimumf %squeeze3A_91, %squeeze3A_93 : vector<18x128xf32>
    %max3A_510 = arith.maximumf %squeeze3A_95, %squeeze3A_97 : vector<18x128xf32>
    %min3A_511 = arith.minimumf %squeeze3A_95, %squeeze3A_97 : vector<18x128xf32>
    %max3A_512 = arith.maximumf %max3A_508, %max3A_510 : vector<18x128xf32>
    %min3A_513 = arith.minimumf %max3A_508, %max3A_510 : vector<18x128xf32>
    %max3A_514 = arith.maximumf %min3A_509, %min3A_511 : vector<18x128xf32>
    %min3A_515 = arith.minimumf %min3A_509, %min3A_511 : vector<18x128xf32>
    %max3A_516 = arith.maximumf %max3A_514, %min3A_513 : vector<18x128xf32>
    %min3A_517 = arith.minimumf %max3A_514, %min3A_513 : vector<18x128xf32>
    %max3A_518 = arith.maximumf %max3A_502, %max3A_512 : vector<18x128xf32>
    %min3A_519 = arith.minimumf %max3A_502, %max3A_512 : vector<18x128xf32>
    %max3A_520 = arith.maximumf %min3A_507, %min3A_517 : vector<18x128xf32>
    %min3A_521 = arith.minimumf %min3A_507, %min3A_517 : vector<18x128xf32>
    %max3A_522 = arith.maximumf %max3A_520, %min3A_519 : vector<18x128xf32>
    %min3A_523 = arith.minimumf %max3A_520, %min3A_519 : vector<18x128xf32>
    %max3A_524 = arith.maximumf %max3A_506, %max3A_516 : vector<18x128xf32>
    %min3A_525 = arith.minimumf %max3A_506, %max3A_516 : vector<18x128xf32>
    %max3A_526 = arith.maximumf %min3A_505, %min3A_515 : vector<18x128xf32>
    %min3A_527 = arith.minimumf %min3A_505, %min3A_515 : vector<18x128xf32>
    %max3A_528 = arith.maximumf %max3A_526, %min3A_525 : vector<18x128xf32>
    %min3A_529 = arith.minimumf %max3A_526, %min3A_525 : vector<18x128xf32>
    %max3A_530 = arith.maximumf %max3A_524, %max3A_522 : vector<18x128xf32>
    %min3A_531 = arith.minimumf %max3A_524, %max3A_522 : vector<18x128xf32>
    %max3A_532 = arith.maximumf %max3A_528, %min3A_523 : vector<18x128xf32>
    %min3A_533 = arith.minimumf %max3A_528, %min3A_523 : vector<18x128xf32>
    %max3A_534 = arith.maximumf %min3A_529, %min3A_521 : vector<18x128xf32>
    %min3A_535 = arith.minimumf %min3A_529, %min3A_521 : vector<18x128xf32>
    %max3A_536 = arith.maximumf %max3A_480, %max3A_518 : vector<18x128xf32>
    %min3A_537 = arith.minimumf %max3A_480, %max3A_518 : vector<18x128xf32>
    %max3A_538 = arith.maximumf %min3A_495, %min3A_533 : vector<18x128xf32>
    %min3A_539 = arith.minimumf %min3A_495, %min3A_533 : vector<18x128xf32>
    %max3A_540 = arith.maximumf %max3A_538, %min3A_537 : vector<18x128xf32>
    %min3A_541 = arith.minimumf %max3A_538, %min3A_537 : vector<18x128xf32>
    %max3A_542 = arith.maximumf %min3A_493, %min3A_531 : vector<18x128xf32>
    %min3A_543 = arith.minimumf %min3A_493, %min3A_531 : vector<18x128xf32>
    %max3A_544 = arith.maximumf %min3A_497, %min3A_535 : vector<18x128xf32>
    %min3A_545 = arith.minimumf %min3A_497, %min3A_535 : vector<18x128xf32>
    %max3A_546 = arith.maximumf %max3A_544, %min3A_543 : vector<18x128xf32>
    %min3A_547 = arith.minimumf %max3A_544, %min3A_543 : vector<18x128xf32>
    %max3A_548 = arith.maximumf %max3A_542, %max3A_540 : vector<18x128xf32>
    %min3A_549 = arith.minimumf %max3A_542, %max3A_540 : vector<18x128xf32>
    %max3A_550 = arith.maximumf %max3A_546, %min3A_541 : vector<18x128xf32>
    %min3A_551 = arith.minimumf %max3A_546, %min3A_541 : vector<18x128xf32>
    %max3A_552 = arith.maximumf %min3A_547, %min3A_539 : vector<18x128xf32>
    %min3A_553 = arith.minimumf %min3A_547, %min3A_539 : vector<18x128xf32>
    %max3A_554 = arith.maximumf %max3A_492, %max3A_530 : vector<18x128xf32>
    %min3A_555 = arith.minimumf %max3A_492, %max3A_530 : vector<18x128xf32>
    %max3A_556 = arith.maximumf %max3A_496, %max3A_534 : vector<18x128xf32>
    %min3A_557 = arith.minimumf %max3A_496, %max3A_534 : vector<18x128xf32>
    %max3A_558 = arith.maximumf %max3A_556, %min3A_555 : vector<18x128xf32>
    %min3A_559 = arith.minimumf %max3A_556, %min3A_555 : vector<18x128xf32>
    %max3A_560 = arith.maximumf %max3A_494, %max3A_532 : vector<18x128xf32>
    %min3A_561 = arith.minimumf %max3A_494, %max3A_532 : vector<18x128xf32>
    %max3A_562 = arith.maximumf %min3A_489, %min3A_527 : vector<18x128xf32>
    %min3A_563 = arith.minimumf %min3A_489, %min3A_527 : vector<18x128xf32>
    %max3A_564 = arith.maximumf %max3A_562, %min3A_561 : vector<18x128xf32>
    %min3A_565 = arith.minimumf %max3A_562, %min3A_561 : vector<18x128xf32>
    %max3A_566 = arith.maximumf %max3A_560, %max3A_558 : vector<18x128xf32>
    %min3A_567 = arith.minimumf %max3A_560, %max3A_558 : vector<18x128xf32>
    %max3A_568 = arith.maximumf %max3A_564, %min3A_559 : vector<18x128xf32>
    %min3A_569 = arith.minimumf %max3A_564, %min3A_559 : vector<18x128xf32>
    %max3A_570 = arith.maximumf %min3A_565, %min3A_557 : vector<18x128xf32>
    %min3A_571 = arith.minimumf %min3A_565, %min3A_557 : vector<18x128xf32>
    %max3A_572 = arith.maximumf %max3A_554, %max3A_548 : vector<18x128xf32>
    %min3A_573 = arith.minimumf %max3A_554, %max3A_548 : vector<18x128xf32>
    %max3A_574 = arith.maximumf %max3A_566, %min3A_549 : vector<18x128xf32>
    %min3A_575 = arith.minimumf %max3A_566, %min3A_549 : vector<18x128xf32>
    %max3A_576 = arith.maximumf %min3A_567, %max3A_550 : vector<18x128xf32>
    %min3A_577 = arith.minimumf %min3A_567, %max3A_550 : vector<18x128xf32>
    %max3A_578 = arith.maximumf %max3A_568, %min3A_551 : vector<18x128xf32>
    %min3A_579 = arith.minimumf %max3A_568, %min3A_551 : vector<18x128xf32>
    %max3A_580 = arith.maximumf %min3A_569, %max3A_552 : vector<18x128xf32>
    %min3A_581 = arith.minimumf %min3A_569, %max3A_552 : vector<18x128xf32>
    %max3A_582 = arith.maximumf %max3A_570, %min3A_553 : vector<18x128xf32>
    %min3A_583 = arith.minimumf %max3A_570, %min3A_553 : vector<18x128xf32>
    %max3A_584 = arith.maximumf %min3A_571, %min3A_545 : vector<18x128xf32>
    %min3A_585 = arith.minimumf %min3A_571, %min3A_545 : vector<18x128xf32>
    %max3A_586 = arith.maximumf %squeeze3A_99, %squeeze3A_101 : vector<18x128xf32>
    %min3A_587 = arith.minimumf %squeeze3A_99, %squeeze3A_101 : vector<18x128xf32>
    %max3A_588 = arith.maximumf %squeeze3A_103, %squeeze3A_105 : vector<18x128xf32>
    %min3A_589 = arith.minimumf %squeeze3A_103, %squeeze3A_105 : vector<18x128xf32>
    %max3A_590 = arith.maximumf %max3A_586, %max3A_588 : vector<18x128xf32>
    %min3A_591 = arith.minimumf %max3A_586, %max3A_588 : vector<18x128xf32>
    %max3A_592 = arith.maximumf %min3A_587, %min3A_589 : vector<18x128xf32>
    %min3A_593 = arith.minimumf %min3A_587, %min3A_589 : vector<18x128xf32>
    %max3A_594 = arith.maximumf %max3A_592, %min3A_591 : vector<18x128xf32>
    %min3A_595 = arith.minimumf %max3A_592, %min3A_591 : vector<18x128xf32>
    %max3A_596 = arith.maximumf %squeeze3A_107, %squeeze3A_109 : vector<18x128xf32>
    %min3A_597 = arith.minimumf %squeeze3A_107, %squeeze3A_109 : vector<18x128xf32>
    %max3A_598 = arith.maximumf %squeeze3A_111, %squeeze3A_113 : vector<18x128xf32>
    %min3A_599 = arith.minimumf %squeeze3A_111, %squeeze3A_113 : vector<18x128xf32>
    %max3A_600 = arith.maximumf %max3A_596, %max3A_598 : vector<18x128xf32>
    %min3A_601 = arith.minimumf %max3A_596, %max3A_598 : vector<18x128xf32>
    %max3A_602 = arith.maximumf %min3A_597, %min3A_599 : vector<18x128xf32>
    %min3A_603 = arith.minimumf %min3A_597, %min3A_599 : vector<18x128xf32>
    %max3A_604 = arith.maximumf %max3A_602, %min3A_601 : vector<18x128xf32>
    %min3A_605 = arith.minimumf %max3A_602, %min3A_601 : vector<18x128xf32>
    %max3A_606 = arith.maximumf %max3A_590, %max3A_600 : vector<18x128xf32>
    %min3A_607 = arith.minimumf %max3A_590, %max3A_600 : vector<18x128xf32>
    %max3A_608 = arith.maximumf %min3A_595, %min3A_605 : vector<18x128xf32>
    %min3A_609 = arith.minimumf %min3A_595, %min3A_605 : vector<18x128xf32>
    %max3A_610 = arith.maximumf %max3A_608, %min3A_607 : vector<18x128xf32>
    %min3A_611 = arith.minimumf %max3A_608, %min3A_607 : vector<18x128xf32>
    %max3A_612 = arith.maximumf %max3A_594, %max3A_604 : vector<18x128xf32>
    %min3A_613 = arith.minimumf %max3A_594, %max3A_604 : vector<18x128xf32>
    %max3A_614 = arith.maximumf %min3A_593, %min3A_603 : vector<18x128xf32>
    %min3A_615 = arith.minimumf %min3A_593, %min3A_603 : vector<18x128xf32>
    %max3A_616 = arith.maximumf %max3A_614, %min3A_613 : vector<18x128xf32>
    %min3A_617 = arith.minimumf %max3A_614, %min3A_613 : vector<18x128xf32>
    %max3A_618 = arith.maximumf %max3A_612, %max3A_610 : vector<18x128xf32>
    %min3A_619 = arith.minimumf %max3A_612, %max3A_610 : vector<18x128xf32>
    %max3A_620 = arith.maximumf %max3A_616, %min3A_611 : vector<18x128xf32>
    %min3A_621 = arith.minimumf %max3A_616, %min3A_611 : vector<18x128xf32>
    %max3A_622 = arith.maximumf %min3A_617, %min3A_609 : vector<18x128xf32>
    %min3A_623 = arith.minimumf %min3A_617, %min3A_609 : vector<18x128xf32>
    %max3A_624 = arith.maximumf %squeeze3A_115, %squeeze3A_117 : vector<18x128xf32>
    %min3A_625 = arith.minimumf %squeeze3A_115, %squeeze3A_117 : vector<18x128xf32>
    %max3A_626 = arith.maximumf %squeeze3A_119, %squeeze3A_121 : vector<18x128xf32>
    %min3A_627 = arith.minimumf %squeeze3A_119, %squeeze3A_121 : vector<18x128xf32>
    %max3A_628 = arith.maximumf %max3A_624, %max3A_626 : vector<18x128xf32>
    %min3A_629 = arith.minimumf %max3A_624, %max3A_626 : vector<18x128xf32>
    %max3A_630 = arith.maximumf %min3A_625, %min3A_627 : vector<18x128xf32>
    %min3A_631 = arith.minimumf %min3A_625, %min3A_627 : vector<18x128xf32>
    %max3A_632 = arith.maximumf %max3A_630, %min3A_629 : vector<18x128xf32>
    %min3A_633 = arith.minimumf %max3A_630, %min3A_629 : vector<18x128xf32>
    %max3A_634 = arith.maximumf %squeeze3A_123, %squeeze3A_125 : vector<18x128xf32>
    %min3A_635 = arith.minimumf %squeeze3A_123, %squeeze3A_125 : vector<18x128xf32>
    %max3A_636 = arith.maximumf %squeeze3A_127, %squeeze3A_129 : vector<18x128xf32>
    %min3A_637 = arith.minimumf %squeeze3A_127, %squeeze3A_129 : vector<18x128xf32>
    %max3A_638 = arith.maximumf %max3A_634, %max3A_636 : vector<18x128xf32>
    %min3A_639 = arith.minimumf %max3A_634, %max3A_636 : vector<18x128xf32>
    %max3A_640 = arith.maximumf %min3A_635, %min3A_637 : vector<18x128xf32>
    %min3A_641 = arith.minimumf %min3A_635, %min3A_637 : vector<18x128xf32>
    %max3A_642 = arith.maximumf %max3A_640, %min3A_639 : vector<18x128xf32>
    %min3A_643 = arith.minimumf %max3A_640, %min3A_639 : vector<18x128xf32>
    %max3A_644 = arith.maximumf %max3A_628, %max3A_638 : vector<18x128xf32>
    %min3A_645 = arith.minimumf %max3A_628, %max3A_638 : vector<18x128xf32>
    %max3A_646 = arith.maximumf %min3A_633, %min3A_643 : vector<18x128xf32>
    %min3A_647 = arith.minimumf %min3A_633, %min3A_643 : vector<18x128xf32>
    %max3A_648 = arith.maximumf %max3A_646, %min3A_645 : vector<18x128xf32>
    %min3A_649 = arith.minimumf %max3A_646, %min3A_645 : vector<18x128xf32>
    %max3A_650 = arith.maximumf %max3A_632, %max3A_642 : vector<18x128xf32>
    %min3A_651 = arith.minimumf %max3A_632, %max3A_642 : vector<18x128xf32>
    %max3A_652 = arith.maximumf %min3A_631, %min3A_641 : vector<18x128xf32>
    %min3A_653 = arith.minimumf %min3A_631, %min3A_641 : vector<18x128xf32>
    %max3A_654 = arith.maximumf %max3A_652, %min3A_651 : vector<18x128xf32>
    %min3A_655 = arith.minimumf %max3A_652, %min3A_651 : vector<18x128xf32>
    %max3A_656 = arith.maximumf %max3A_650, %max3A_648 : vector<18x128xf32>
    %min3A_657 = arith.minimumf %max3A_650, %max3A_648 : vector<18x128xf32>
    %max3A_658 = arith.maximumf %max3A_654, %min3A_649 : vector<18x128xf32>
    %min3A_659 = arith.minimumf %max3A_654, %min3A_649 : vector<18x128xf32>
    %max3A_660 = arith.maximumf %min3A_655, %min3A_647 : vector<18x128xf32>
    %min3A_661 = arith.minimumf %min3A_655, %min3A_647 : vector<18x128xf32>
    %max3A_662 = arith.maximumf %max3A_606, %max3A_644 : vector<18x128xf32>
    %min3A_663 = arith.minimumf %max3A_606, %max3A_644 : vector<18x128xf32>
    %max3A_664 = arith.maximumf %min3A_621, %min3A_659 : vector<18x128xf32>
    %min3A_665 = arith.minimumf %min3A_621, %min3A_659 : vector<18x128xf32>
    %max3A_666 = arith.maximumf %max3A_664, %min3A_663 : vector<18x128xf32>
    %min3A_667 = arith.minimumf %max3A_664, %min3A_663 : vector<18x128xf32>
    %max3A_668 = arith.maximumf %min3A_619, %min3A_657 : vector<18x128xf32>
    %min3A_669 = arith.minimumf %min3A_619, %min3A_657 : vector<18x128xf32>
    %max3A_670 = arith.maximumf %min3A_623, %min3A_661 : vector<18x128xf32>
    %min3A_671 = arith.minimumf %min3A_623, %min3A_661 : vector<18x128xf32>
    %max3A_672 = arith.maximumf %max3A_670, %min3A_669 : vector<18x128xf32>
    %min3A_673 = arith.minimumf %max3A_670, %min3A_669 : vector<18x128xf32>
    %max3A_674 = arith.maximumf %max3A_668, %max3A_666 : vector<18x128xf32>
    %min3A_675 = arith.minimumf %max3A_668, %max3A_666 : vector<18x128xf32>
    %max3A_676 = arith.maximumf %max3A_672, %min3A_667 : vector<18x128xf32>
    %min3A_677 = arith.minimumf %max3A_672, %min3A_667 : vector<18x128xf32>
    %max3A_678 = arith.maximumf %min3A_673, %min3A_665 : vector<18x128xf32>
    %min3A_679 = arith.minimumf %min3A_673, %min3A_665 : vector<18x128xf32>
    %max3A_680 = arith.maximumf %max3A_618, %max3A_656 : vector<18x128xf32>
    %min3A_681 = arith.minimumf %max3A_618, %max3A_656 : vector<18x128xf32>
    %max3A_682 = arith.maximumf %max3A_622, %max3A_660 : vector<18x128xf32>
    %min3A_683 = arith.minimumf %max3A_622, %max3A_660 : vector<18x128xf32>
    %max3A_684 = arith.maximumf %max3A_682, %min3A_681 : vector<18x128xf32>
    %min3A_685 = arith.minimumf %max3A_682, %min3A_681 : vector<18x128xf32>
    %max3A_686 = arith.maximumf %max3A_620, %max3A_658 : vector<18x128xf32>
    %min3A_687 = arith.minimumf %max3A_620, %max3A_658 : vector<18x128xf32>
    %max3A_688 = arith.maximumf %min3A_615, %min3A_653 : vector<18x128xf32>
    %min3A_689 = arith.minimumf %min3A_615, %min3A_653 : vector<18x128xf32>
    %max3A_690 = arith.maximumf %max3A_688, %min3A_687 : vector<18x128xf32>
    %min3A_691 = arith.minimumf %max3A_688, %min3A_687 : vector<18x128xf32>
    %max3A_692 = arith.maximumf %max3A_686, %max3A_684 : vector<18x128xf32>
    %min3A_693 = arith.minimumf %max3A_686, %max3A_684 : vector<18x128xf32>
    %max3A_694 = arith.maximumf %max3A_690, %min3A_685 : vector<18x128xf32>
    %min3A_695 = arith.minimumf %max3A_690, %min3A_685 : vector<18x128xf32>
    %max3A_696 = arith.maximumf %min3A_691, %min3A_683 : vector<18x128xf32>
    %min3A_697 = arith.minimumf %min3A_691, %min3A_683 : vector<18x128xf32>
    %max3A_698 = arith.maximumf %max3A_680, %max3A_674 : vector<18x128xf32>
    %min3A_699 = arith.minimumf %max3A_680, %max3A_674 : vector<18x128xf32>
    %max3A_700 = arith.maximumf %max3A_692, %min3A_675 : vector<18x128xf32>
    %min3A_701 = arith.minimumf %max3A_692, %min3A_675 : vector<18x128xf32>
    %max3A_702 = arith.maximumf %min3A_693, %max3A_676 : vector<18x128xf32>
    %min3A_703 = arith.minimumf %min3A_693, %max3A_676 : vector<18x128xf32>
    %max3A_704 = arith.maximumf %max3A_694, %min3A_677 : vector<18x128xf32>
    %min3A_705 = arith.minimumf %max3A_694, %min3A_677 : vector<18x128xf32>
    %max3A_706 = arith.maximumf %min3A_695, %max3A_678 : vector<18x128xf32>
    %min3A_707 = arith.minimumf %min3A_695, %max3A_678 : vector<18x128xf32>
    %max3A_708 = arith.maximumf %max3A_696, %min3A_679 : vector<18x128xf32>
    %min3A_709 = arith.minimumf %max3A_696, %min3A_679 : vector<18x128xf32>
    %max3A_710 = arith.maximumf %min3A_697, %min3A_671 : vector<18x128xf32>
    %min3A_711 = arith.minimumf %min3A_697, %min3A_671 : vector<18x128xf32>
    %max3A_712 = arith.maximumf %max3A_536, %min3A_689 : vector<18x128xf32>
    %max3A_713 = arith.maximumf %max3A_572, %min3A_711 : vector<18x128xf32>
    %max3A_714 = arith.maximumf %min3A_573, %max3A_710 : vector<18x128xf32>
    %max3A_715 = arith.maximumf %max3A_574, %min3A_709 : vector<18x128xf32>
    %max3A_716 = arith.maximumf %min3A_575, %max3A_708 : vector<18x128xf32>
    %max3A_717 = arith.maximumf %max3A_576, %min3A_707 : vector<18x128xf32>
    %max3A_718 = arith.maximumf %min3A_577, %max3A_706 : vector<18x128xf32>
    %max3A_719 = arith.maximumf %max3A_578, %min3A_705 : vector<18x128xf32>
    %max3A_720 = arith.maximumf %min3A_579, %max3A_704 : vector<18x128xf32>
    %max3A_721 = arith.maximumf %max3A_580, %min3A_703 : vector<18x128xf32>
    %max3A_722 = arith.maximumf %min3A_581, %max3A_702 : vector<18x128xf32>
    %max3A_723 = arith.maximumf %max3A_582, %min3A_701 : vector<18x128xf32>
    %max3A_724 = arith.maximumf %min3A_583, %max3A_700 : vector<18x128xf32>
    %max3A_725 = arith.maximumf %max3A_584, %min3A_699 : vector<18x128xf32>
    %max3A_726 = arith.maximumf %min3A_585, %max3A_698 : vector<18x128xf32>
    %max3A_727 = arith.maximumf %min3A_563, %max3A_662 : vector<18x128xf32>
    %max3A_728 = arith.maximumf %max3A_712, %max3A_720 : vector<18x128xf32>
    %min3A_729 = arith.minimumf %max3A_712, %max3A_720 : vector<18x128xf32>
    %max3A_730 = arith.maximumf %max3A_713, %max3A_721 : vector<18x128xf32>
    %min3A_731 = arith.minimumf %max3A_713, %max3A_721 : vector<18x128xf32>
    %max3A_732 = arith.maximumf %max3A_714, %max3A_722 : vector<18x128xf32>
    %min3A_733 = arith.minimumf %max3A_714, %max3A_722 : vector<18x128xf32>
    %max3A_734 = arith.maximumf %max3A_715, %max3A_723 : vector<18x128xf32>
    %min3A_735 = arith.minimumf %max3A_715, %max3A_723 : vector<18x128xf32>
    %max3A_736 = arith.maximumf %max3A_716, %max3A_724 : vector<18x128xf32>
    %min3A_737 = arith.minimumf %max3A_716, %max3A_724 : vector<18x128xf32>
    %max3A_738 = arith.maximumf %max3A_717, %max3A_725 : vector<18x128xf32>
    %min3A_739 = arith.minimumf %max3A_717, %max3A_725 : vector<18x128xf32>
    %max3A_740 = arith.maximumf %max3A_718, %max3A_726 : vector<18x128xf32>
    %min3A_741 = arith.minimumf %max3A_718, %max3A_726 : vector<18x128xf32>
    %max3A_742 = arith.maximumf %max3A_719, %max3A_727 : vector<18x128xf32>
    %min3A_743 = arith.minimumf %max3A_719, %max3A_727 : vector<18x128xf32>
    %max3A_744 = arith.maximumf %max3A_728, %max3A_736 : vector<18x128xf32>
    %min3A_745 = arith.minimumf %max3A_728, %max3A_736 : vector<18x128xf32>
    %max3A_746 = arith.maximumf %max3A_730, %max3A_738 : vector<18x128xf32>
    %min3A_747 = arith.minimumf %max3A_730, %max3A_738 : vector<18x128xf32>
    %max3A_748 = arith.maximumf %max3A_732, %max3A_740 : vector<18x128xf32>
    %min3A_749 = arith.minimumf %max3A_732, %max3A_740 : vector<18x128xf32>
    %max3A_750 = arith.maximumf %max3A_734, %max3A_742 : vector<18x128xf32>
    %min3A_751 = arith.minimumf %max3A_734, %max3A_742 : vector<18x128xf32>
    %max3A_752 = arith.maximumf %min3A_729, %min3A_737 : vector<18x128xf32>
    %min3A_753 = arith.minimumf %min3A_729, %min3A_737 : vector<18x128xf32>
    %max3A_754 = arith.maximumf %min3A_731, %min3A_739 : vector<18x128xf32>
    %min3A_755 = arith.minimumf %min3A_731, %min3A_739 : vector<18x128xf32>
    %max3A_756 = arith.maximumf %min3A_733, %min3A_741 : vector<18x128xf32>
    %min3A_757 = arith.minimumf %min3A_733, %min3A_741 : vector<18x128xf32>
    %max3A_758 = arith.maximumf %min3A_735, %min3A_743 : vector<18x128xf32>
    %min3A_759 = arith.minimumf %min3A_735, %min3A_743 : vector<18x128xf32>
    %max3A_760 = arith.maximumf %max3A_744, %max3A_748 : vector<18x128xf32>
    %min3A_761 = arith.minimumf %max3A_744, %max3A_748 : vector<18x128xf32>
    %max3A_762 = arith.maximumf %max3A_746, %max3A_750 : vector<18x128xf32>
    %min3A_763 = arith.minimumf %max3A_746, %max3A_750 : vector<18x128xf32>
    %max3A_764 = arith.maximumf %min3A_745, %min3A_749 : vector<18x128xf32>
    %min3A_765 = arith.minimumf %min3A_745, %min3A_749 : vector<18x128xf32>
    %max3A_766 = arith.maximumf %min3A_747, %min3A_751 : vector<18x128xf32>
    %min3A_767 = arith.minimumf %min3A_747, %min3A_751 : vector<18x128xf32>
    %max3A_768 = arith.maximumf %max3A_752, %max3A_756 : vector<18x128xf32>
    %min3A_769 = arith.minimumf %max3A_752, %max3A_756 : vector<18x128xf32>
    %max3A_770 = arith.maximumf %max3A_754, %max3A_758 : vector<18x128xf32>
    %min3A_771 = arith.minimumf %max3A_754, %max3A_758 : vector<18x128xf32>
    %max3A_772 = arith.maximumf %min3A_753, %min3A_757 : vector<18x128xf32>
    %min3A_773 = arith.minimumf %min3A_753, %min3A_757 : vector<18x128xf32>
    %max3A_774 = arith.maximumf %min3A_755, %min3A_759 : vector<18x128xf32>
    %min3A_775 = arith.minimumf %min3A_755, %min3A_759 : vector<18x128xf32>
    %max3A_776 = arith.maximumf %max3A_760, %max3A_762 : vector<18x128xf32>
    %min3A_777 = arith.minimumf %max3A_760, %max3A_762 : vector<18x128xf32>
    %max3A_778 = arith.maximumf %min3A_761, %min3A_763 : vector<18x128xf32>
    %min3A_779 = arith.minimumf %min3A_761, %min3A_763 : vector<18x128xf32>
    %max3A_780 = arith.maximumf %max3A_764, %max3A_766 : vector<18x128xf32>
    %min3A_781 = arith.minimumf %max3A_764, %max3A_766 : vector<18x128xf32>
    %max3A_782 = arith.maximumf %min3A_765, %min3A_767 : vector<18x128xf32>
    %min3A_783 = arith.minimumf %min3A_765, %min3A_767 : vector<18x128xf32>
    %max3A_784 = arith.maximumf %max3A_768, %max3A_770 : vector<18x128xf32>
    %min3A_785 = arith.minimumf %max3A_768, %max3A_770 : vector<18x128xf32>
    %max3A_786 = arith.maximumf %min3A_769, %min3A_771 : vector<18x128xf32>
    %min3A_787 = arith.minimumf %min3A_769, %min3A_771 : vector<18x128xf32>
    %max3A_788 = arith.maximumf %max3A_772, %max3A_774 : vector<18x128xf32>
    %min3A_789 = arith.minimumf %max3A_772, %max3A_774 : vector<18x128xf32>
    %max3A_790 = arith.maximumf %min3A_773, %min3A_775 : vector<18x128xf32>
    %min3A_791 = arith.minimumf %min3A_773, %min3A_775 : vector<18x128xf32>
    %max3A_792 = arith.maximumf %max3A_444, %min3A_791 : vector<18x128xf32>
    %max3A_793 = arith.maximumf %min3A_445, %max3A_790 : vector<18x128xf32>
    %max3A_794 = arith.maximumf %max3A_446, %min3A_789 : vector<18x128xf32>
    %max3A_795 = arith.maximumf %min3A_447, %max3A_788 : vector<18x128xf32>
    %max3A_796 = arith.maximumf %max3A_448, %min3A_787 : vector<18x128xf32>
    %max3A_797 = arith.maximumf %min3A_449, %max3A_786 : vector<18x128xf32>
    %max3A_798 = arith.maximumf %max3A_450, %min3A_785 : vector<18x128xf32>
    %max3A_799 = arith.maximumf %min3A_451, %max3A_784 : vector<18x128xf32>
    %max3A_800 = arith.maximumf %max3A_452, %min3A_783 : vector<18x128xf32>
    %max3A_801 = arith.maximumf %min3A_453, %max3A_782 : vector<18x128xf32>
    %max3A_802 = arith.maximumf %max3A_454, %min3A_781 : vector<18x128xf32>
    %max3A_803 = arith.maximumf %min3A_455, %max3A_780 : vector<18x128xf32>
    %max3A_804 = arith.maximumf %max3A_456, %min3A_779 : vector<18x128xf32>
    %max3A_805 = arith.maximumf %min3A_457, %max3A_778 : vector<18x128xf32>
    %max3A_806 = arith.maximumf %max3A_458, %min3A_777 : vector<18x128xf32>
    %max3A_807 = arith.maximumf %min3A_459, %max3A_776 : vector<18x128xf32>
    %max3A_808 = arith.maximumf %max3A_792, %max3A_800 : vector<18x128xf32>
    %min3A_809 = arith.minimumf %max3A_792, %max3A_800 : vector<18x128xf32>
    %max3A_810 = arith.maximumf %max3A_793, %max3A_801 : vector<18x128xf32>
    %min3A_811 = arith.minimumf %max3A_793, %max3A_801 : vector<18x128xf32>
    %max3A_812 = arith.maximumf %max3A_794, %max3A_802 : vector<18x128xf32>
    %min3A_813 = arith.minimumf %max3A_794, %max3A_802 : vector<18x128xf32>
    %max3A_814 = arith.maximumf %max3A_795, %max3A_803 : vector<18x128xf32>
    %min3A_815 = arith.minimumf %max3A_795, %max3A_803 : vector<18x128xf32>
    %max3A_816 = arith.maximumf %max3A_796, %max3A_804 : vector<18x128xf32>
    %min3A_817 = arith.minimumf %max3A_796, %max3A_804 : vector<18x128xf32>
    %max3A_818 = arith.maximumf %max3A_797, %max3A_805 : vector<18x128xf32>
    %min3A_819 = arith.minimumf %max3A_797, %max3A_805 : vector<18x128xf32>
    %max3A_820 = arith.maximumf %max3A_798, %max3A_806 : vector<18x128xf32>
    %min3A_821 = arith.minimumf %max3A_798, %max3A_806 : vector<18x128xf32>
    %max3A_822 = arith.maximumf %max3A_799, %max3A_807 : vector<18x128xf32>
    %min3A_823 = arith.minimumf %max3A_799, %max3A_807 : vector<18x128xf32>
    %max3A_824 = arith.maximumf %max3A_808, %max3A_816 : vector<18x128xf32>
    %min3A_825 = arith.minimumf %max3A_808, %max3A_816 : vector<18x128xf32>
    %max3A_826 = arith.maximumf %max3A_810, %max3A_818 : vector<18x128xf32>
    %min3A_827 = arith.minimumf %max3A_810, %max3A_818 : vector<18x128xf32>
    %max3A_828 = arith.maximumf %max3A_812, %max3A_820 : vector<18x128xf32>
    %min3A_829 = arith.minimumf %max3A_812, %max3A_820 : vector<18x128xf32>
    %max3A_830 = arith.maximumf %max3A_814, %max3A_822 : vector<18x128xf32>
    %min3A_831 = arith.minimumf %max3A_814, %max3A_822 : vector<18x128xf32>
    %max3A_832 = arith.maximumf %min3A_809, %min3A_817 : vector<18x128xf32>
    %min3A_833 = arith.minimumf %min3A_809, %min3A_817 : vector<18x128xf32>
    %max3A_834 = arith.maximumf %min3A_811, %min3A_819 : vector<18x128xf32>
    %min3A_835 = arith.minimumf %min3A_811, %min3A_819 : vector<18x128xf32>
    %max3A_836 = arith.maximumf %min3A_813, %min3A_821 : vector<18x128xf32>
    %min3A_837 = arith.minimumf %min3A_813, %min3A_821 : vector<18x128xf32>
    %max3A_838 = arith.maximumf %min3A_815, %min3A_823 : vector<18x128xf32>
    %min3A_839 = arith.minimumf %min3A_815, %min3A_823 : vector<18x128xf32>
    %max3A_840 = arith.maximumf %max3A_824, %max3A_828 : vector<18x128xf32>
    %min3A_841 = arith.minimumf %max3A_824, %max3A_828 : vector<18x128xf32>
    %max3A_842 = arith.maximumf %max3A_826, %max3A_830 : vector<18x128xf32>
    %min3A_843 = arith.minimumf %max3A_826, %max3A_830 : vector<18x128xf32>
    %max3A_844 = arith.maximumf %min3A_825, %min3A_829 : vector<18x128xf32>
    %min3A_845 = arith.minimumf %min3A_825, %min3A_829 : vector<18x128xf32>
    %max3A_846 = arith.maximumf %min3A_827, %min3A_831 : vector<18x128xf32>
    %min3A_847 = arith.minimumf %min3A_827, %min3A_831 : vector<18x128xf32>
    %max3A_848 = arith.maximumf %max3A_832, %max3A_836 : vector<18x128xf32>
    %min3A_849 = arith.minimumf %max3A_832, %max3A_836 : vector<18x128xf32>
    %max3A_850 = arith.maximumf %max3A_834, %max3A_838 : vector<18x128xf32>
    %min3A_851 = arith.minimumf %max3A_834, %max3A_838 : vector<18x128xf32>
    %max3A_852 = arith.maximumf %min3A_833, %min3A_837 : vector<18x128xf32>
    %min3A_853 = arith.minimumf %min3A_833, %min3A_837 : vector<18x128xf32>
    %max3A_854 = arith.maximumf %min3A_835, %min3A_839 : vector<18x128xf32>
    %min3A_855 = arith.minimumf %min3A_835, %min3A_839 : vector<18x128xf32>
    %max3A_856 = arith.maximumf %max3A_840, %max3A_842 : vector<18x128xf32>
    %min3A_857 = arith.minimumf %max3A_840, %max3A_842 : vector<18x128xf32>
    %max3A_858 = arith.maximumf %min3A_841, %min3A_843 : vector<18x128xf32>
    %min3A_859 = arith.minimumf %min3A_841, %min3A_843 : vector<18x128xf32>
    %max3A_860 = arith.maximumf %max3A_844, %max3A_846 : vector<18x128xf32>
    %min3A_861 = arith.minimumf %max3A_844, %max3A_846 : vector<18x128xf32>
    %max3A_862 = arith.maximumf %min3A_845, %min3A_847 : vector<18x128xf32>
    %min3A_863 = arith.minimumf %min3A_845, %min3A_847 : vector<18x128xf32>
    %max3A_864 = arith.maximumf %max3A_848, %max3A_850 : vector<18x128xf32>
    %min3A_865 = arith.minimumf %max3A_848, %max3A_850 : vector<18x128xf32>
    %max3A_866 = arith.maximumf %min3A_849, %min3A_851 : vector<18x128xf32>
    %min3A_867 = arith.minimumf %min3A_849, %min3A_851 : vector<18x128xf32>
    %max3A_868 = arith.maximumf %max3A_852, %max3A_854 : vector<18x128xf32>
    %min3A_869 = arith.minimumf %max3A_852, %max3A_854 : vector<18x128xf32>
    %max3A_870 = arith.maximumf %min3A_853, %min3A_855 : vector<18x128xf32>
    %min3A_871 = arith.minimumf %min3A_853, %min3A_855 : vector<18x128xf32>
    %get3A_872 = arith.index_cast %arg0 : i32 to index
    %get3A_873 = arith.constant 0 : index
    %get3A_874 = memref.load %arg3[%get3A_872, %get3A_873] : memref<16x16xf32, #tpu.memory_space<smem>>
    %get3A_875 = arith.index_cast %arg0 : i32 to index
    %get3A_876 = arith.constant 0 : index
    %get3A_877 = memref.load %arg2[%get3A_875, %get3A_876] : memref<16x16xf32, #tpu.memory_space<smem>>
    %add3A = arith.constant 1.000000e-16 : f32
    %add3A_878 = vector.broadcast %add3A : f32 to vector<18x128xf32>
    %add3A_879 = arith.addf %max3A_856, %add3A_878 : vector<18x128xf32>
    %log3A = math.log %add3A_879 : vector<18x128xf32>
    %mul3A = vector.broadcast %get3A_877 : f32 to vector<18x128xf32>
    %mul3A_880 = arith.mulf %mul3A, %log3A : vector<18x128xf32>
    %sub3A = vector.broadcast %get3A_874 : f32 to vector<18x128xf32>
    %sub3A_881 = arith.subf %sub3A, %mul3A_880 : vector<18x128xf32>
    %abs3A = math.absf %sub3A_881 : vector<18x128xf32>
    %get3A_882 = arith.index_cast %arg0 : i32 to index
    %get3A_883 = arith.constant 1 : index
    %get3A_884 = memref.load %arg3[%get3A_882, %get3A_883] : memref<16x16xf32, #tpu.memory_space<smem>>
    %get3A_885 = arith.index_cast %arg0 : i32 to index
    %get3A_886 = arith.constant 1 : index
    %get3A_887 = memref.load %arg2[%get3A_885, %get3A_886] : memref<16x16xf32, #tpu.memory_space<smem>>
    %add3A_888 = arith.constant 1.000000e-16 : f32
    %add3A_889 = vector.broadcast %add3A_888 : f32 to vector<18x128xf32>
    %add3A_890 = arith.addf %min3A_857, %add3A_889 : vector<18x128xf32>
    %log3A_891 = math.log %add3A_890 : vector<18x128xf32>
    %mul3A_892 = vector.broadcast %get3A_887 : f32 to vector<18x128xf32>
    %mul3A_893 = arith.mulf %mul3A_892, %log3A_891 : vector<18x128xf32>
    %sub3A_894 = vector.broadcast %get3A_884 : f32 to vector<18x128xf32>
    %sub3A_895 = arith.subf %sub3A_894, %mul3A_893 : vector<18x128xf32>
    %abs3A_896 = math.absf %sub3A_895 : vector<18x128xf32>
    %get3A_897 = arith.index_cast %arg0 : i32 to index
    %get3A_898 = arith.constant 2 : index
    %get3A_899 = memref.load %arg3[%get3A_897, %get3A_898] : memref<16x16xf32, #tpu.memory_space<smem>>
    %get3A_900 = arith.index_cast %arg0 : i32 to index
    %get3A_901 = arith.constant 2 : index
    %get3A_902 = memref.load %arg2[%get3A_900, %get3A_901] : memref<16x16xf32, #tpu.memory_space<smem>>
    %add3A_903 = arith.constant 1.000000e-16 : f32
    %add3A_904 = vector.broadcast %add3A_903 : f32 to vector<18x128xf32>
    %add3A_905 = arith.addf %max3A_858, %add3A_904 : vector<18x128xf32>
    %log3A_906 = math.log %add3A_905 : vector<18x128xf32>
    %mul3A_907 = vector.broadcast %get3A_902 : f32 to vector<18x128xf32>
    %mul3A_908 = arith.mulf %mul3A_907, %log3A_906 : vector<18x128xf32>
    %sub3A_909 = vector.broadcast %get3A_899 : f32 to vector<18x128xf32>
    %sub3A_910 = arith.subf %sub3A_909, %mul3A_908 : vector<18x128xf32>
    %abs3A_911 = math.absf %sub3A_910 : vector<18x128xf32>
    %get3A_912 = arith.index_cast %arg0 : i32 to index
    %get3A_913 = arith.constant 3 : index
    %get3A_914 = memref.load %arg3[%get3A_912, %get3A_913] : memref<16x16xf32, #tpu.memory_space<smem>>
    %get3A_915 = arith.index_cast %arg0 : i32 to index
    %get3A_916 = arith.constant 3 : index
    %get3A_917 = memref.load %arg2[%get3A_915, %get3A_916] : memref<16x16xf32, #tpu.memory_space<smem>>
    %add3A_918 = arith.constant 1.000000e-16 : f32
    %add3A_919 = vector.broadcast %add3A_918 : f32 to vector<18x128xf32>
    %add3A_920 = arith.addf %min3A_859, %add3A_919 : vector<18x128xf32>
    %log3A_921 = math.log %add3A_920 : vector<18x128xf32>
    %mul3A_922 = vector.broadcast %get3A_917 : f32 to vector<18x128xf32>
    %mul3A_923 = arith.mulf %mul3A_922, %log3A_921 : vector<18x128xf32>
    %sub3A_924 = vector.broadcast %get3A_914 : f32 to vector<18x128xf32>
    %sub3A_925 = arith.subf %sub3A_924, %mul3A_923 : vector<18x128xf32>
    %abs3A_926 = math.absf %sub3A_925 : vector<18x128xf32>
    %get3A_927 = arith.index_cast %arg0 : i32 to index
    %get3A_928 = arith.constant 4 : index
    %get3A_929 = memref.load %arg3[%get3A_927, %get3A_928] : memref<16x16xf32, #tpu.memory_space<smem>>
    %get3A_930 = arith.index_cast %arg0 : i32 to index
    %get3A_931 = arith.constant 4 : index
    %get3A_932 = memref.load %arg2[%get3A_930, %get3A_931] : memref<16x16xf32, #tpu.memory_space<smem>>
    %add3A_933 = arith.constant 1.000000e-16 : f32
    %add3A_934 = vector.broadcast %add3A_933 : f32 to vector<18x128xf32>
    %add3A_935 = arith.addf %max3A_860, %add3A_934 : vector<18x128xf32>
    %log3A_936 = math.log %add3A_935 : vector<18x128xf32>
    %mul3A_937 = vector.broadcast %get3A_932 : f32 to vector<18x128xf32>
    %mul3A_938 = arith.mulf %mul3A_937, %log3A_936 : vector<18x128xf32>
    %sub3A_939 = vector.broadcast %get3A_929 : f32 to vector<18x128xf32>
    %sub3A_940 = arith.subf %sub3A_939, %mul3A_938 : vector<18x128xf32>
    %abs3A_941 = math.absf %sub3A_940 : vector<18x128xf32>
    %get3A_942 = arith.index_cast %arg0 : i32 to index
    %get3A_943 = arith.constant 5 : index
    %get3A_944 = memref.load %arg3[%get3A_942, %get3A_943] : memref<16x16xf32, #tpu.memory_space<smem>>
    %get3A_945 = arith.index_cast %arg0 : i32 to index
    %get3A_946 = arith.constant 5 : index
    %get3A_947 = memref.load %arg2[%get3A_945, %get3A_946] : memref<16x16xf32, #tpu.memory_space<smem>>
    %add3A_948 = arith.constant 1.000000e-16 : f32
    %add3A_949 = vector.broadcast %add3A_948 : f32 to vector<18x128xf32>
    %add3A_950 = arith.addf %min3A_861, %add3A_949 : vector<18x128xf32>
    %log3A_951 = math.log %add3A_950 : vector<18x128xf32>
    %mul3A_952 = vector.broadcast %get3A_947 : f32 to vector<18x128xf32>
    %mul3A_953 = arith.mulf %mul3A_952, %log3A_951 : vector<18x128xf32>
    %sub3A_954 = vector.broadcast %get3A_944 : f32 to vector<18x128xf32>
    %sub3A_955 = arith.subf %sub3A_954, %mul3A_953 : vector<18x128xf32>
    %abs3A_956 = math.absf %sub3A_955 : vector<18x128xf32>
    %get3A_957 = arith.index_cast %arg0 : i32 to index
    %get3A_958 = arith.constant 6 : index
    %get3A_959 = memref.load %arg3[%get3A_957, %get3A_958] : memref<16x16xf32, #tpu.memory_space<smem>>
    %get3A_960 = arith.index_cast %arg0 : i32 to index
    %get3A_961 = arith.constant 6 : index
    %get3A_962 = memref.load %arg2[%get3A_960, %get3A_961] : memref<16x16xf32, #tpu.memory_space<smem>>
    %add3A_963 = arith.constant 1.000000e-16 : f32
    %add3A_964 = vector.broadcast %add3A_963 : f32 to vector<18x128xf32>
    %add3A_965 = arith.addf %max3A_862, %add3A_964 : vector<18x128xf32>
    %log3A_966 = math.log %add3A_965 : vector<18x128xf32>
    %mul3A_967 = vector.broadcast %get3A_962 : f32 to vector<18x128xf32>
    %mul3A_968 = arith.mulf %mul3A_967, %log3A_966 : vector<18x128xf32>
    %sub3A_969 = vector.broadcast %get3A_959 : f32 to vector<18x128xf32>
    %sub3A_970 = arith.subf %sub3A_969, %mul3A_968 : vector<18x128xf32>
    %abs3A_971 = math.absf %sub3A_970 : vector<18x128xf32>
    %get3A_972 = arith.index_cast %arg0 : i32 to index
    %get3A_973 = arith.constant 7 : index
    %get3A_974 = memref.load %arg3[%get3A_972, %get3A_973] : memref<16x16xf32, #tpu.memory_space<smem>>
    %get3A_975 = arith.index_cast %arg0 : i32 to index
    %get3A_976 = arith.constant 7 : index
    %get3A_977 = memref.load %arg2[%get3A_975, %get3A_976] : memref<16x16xf32, #tpu.memory_space<smem>>
    %add3A_978 = arith.constant 1.000000e-16 : f32
    %add3A_979 = vector.broadcast %add3A_978 : f32 to vector<18x128xf32>
    %add3A_980 = arith.addf %min3A_863, %add3A_979 : vector<18x128xf32>
    %log3A_981 = math.log %add3A_980 : vector<18x128xf32>
    %mul3A_982 = vector.broadcast %get3A_977 : f32 to vector<18x128xf32>
    %mul3A_983 = arith.mulf %mul3A_982, %log3A_981 : vector<18x128xf32>
    %sub3A_984 = vector.broadcast %get3A_974 : f32 to vector<18x128xf32>
    %sub3A_985 = arith.subf %sub3A_984, %mul3A_983 : vector<18x128xf32>
    %abs3A_986 = math.absf %sub3A_985 : vector<18x128xf32>
    %get3A_987 = arith.index_cast %arg0 : i32 to index
    %get3A_988 = arith.constant 8 : index
    %get3A_989 = memref.load %arg3[%get3A_987, %get3A_988] : memref<16x16xf32, #tpu.memory_space<smem>>
    %get3A_990 = arith.index_cast %arg0 : i32 to index
    %get3A_991 = arith.constant 8 : index
    %get3A_992 = memref.load %arg2[%get3A_990, %get3A_991] : memref<16x16xf32, #tpu.memory_space<smem>>
    %add3A_993 = arith.constant 1.000000e-16 : f32
    %add3A_994 = vector.broadcast %add3A_993 : f32 to vector<18x128xf32>
    %add3A_995 = arith.addf %max3A_864, %add3A_994 : vector<18x128xf32>
    %log3A_996 = math.log %add3A_995 : vector<18x128xf32>
    %mul3A_997 = vector.broadcast %get3A_992 : f32 to vector<18x128xf32>
    %mul3A_998 = arith.mulf %mul3A_997, %log3A_996 : vector<18x128xf32>
    %sub3A_999 = vector.broadcast %get3A_989 : f32 to vector<18x128xf32>
    %sub3A_1000 = arith.subf %sub3A_999, %mul3A_998 : vector<18x128xf32>
    %abs3A_1001 = math.absf %sub3A_1000 : vector<18x128xf32>
    %get3A_1002 = arith.index_cast %arg0 : i32 to index
    %get3A_1003 = arith.constant 9 : index
    %get3A_1004 = memref.load %arg3[%get3A_1002, %get3A_1003] : memref<16x16xf32, #tpu.memory_space<smem>>
    %get3A_1005 = arith.index_cast %arg0 : i32 to index
    %get3A_1006 = arith.constant 9 : index
    %get3A_1007 = memref.load %arg2[%get3A_1005, %get3A_1006] : memref<16x16xf32, #tpu.memory_space<smem>>
    %add3A_1008 = arith.constant 1.000000e-16 : f32
    %add3A_1009 = vector.broadcast %add3A_1008 : f32 to vector<18x128xf32>
    %add3A_1010 = arith.addf %min3A_865, %add3A_1009 : vector<18x128xf32>
    %log3A_1011 = math.log %add3A_1010 : vector<18x128xf32>
    %mul3A_1012 = vector.broadcast %get3A_1007 : f32 to vector<18x128xf32>
    %mul3A_1013 = arith.mulf %mul3A_1012, %log3A_1011 : vector<18x128xf32>
    %sub3A_1014 = vector.broadcast %get3A_1004 : f32 to vector<18x128xf32>
    %sub3A_1015 = arith.subf %sub3A_1014, %mul3A_1013 : vector<18x128xf32>
    %abs3A_1016 = math.absf %sub3A_1015 : vector<18x128xf32>
    %get3A_1017 = arith.index_cast %arg0 : i32 to index
    %get3A_1018 = arith.constant 10 : index
    %get3A_1019 = memref.load %arg3[%get3A_1017, %get3A_1018] : memref<16x16xf32, #tpu.memory_space<smem>>
    %get3A_1020 = arith.index_cast %arg0 : i32 to index
    %get3A_1021 = arith.constant 10 : index
    %get3A_1022 = memref.load %arg2[%get3A_1020, %get3A_1021] : memref<16x16xf32, #tpu.memory_space<smem>>
    %add3A_1023 = arith.constant 1.000000e-16 : f32
    %add3A_1024 = vector.broadcast %add3A_1023 : f32 to vector<18x128xf32>
    %add3A_1025 = arith.addf %max3A_866, %add3A_1024 : vector<18x128xf32>
    %log3A_1026 = math.log %add3A_1025 : vector<18x128xf32>
    %mul3A_1027 = vector.broadcast %get3A_1022 : f32 to vector<18x128xf32>
    %mul3A_1028 = arith.mulf %mul3A_1027, %log3A_1026 : vector<18x128xf32>
    %sub3A_1029 = vector.broadcast %get3A_1019 : f32 to vector<18x128xf32>
    %sub3A_1030 = arith.subf %sub3A_1029, %mul3A_1028 : vector<18x128xf32>
    %abs3A_1031 = math.absf %sub3A_1030 : vector<18x128xf32>
    %get3A_1032 = arith.index_cast %arg0 : i32 to index
    %get3A_1033 = arith.constant 11 : index
    %get3A_1034 = memref.load %arg3[%get3A_1032, %get3A_1033] : memref<16x16xf32, #tpu.memory_space<smem>>
    %get3A_1035 = arith.index_cast %arg0 : i32 to index
    %get3A_1036 = arith.constant 11 : index
    %get3A_1037 = memref.load %arg2[%get3A_1035, %get3A_1036] : memref<16x16xf32, #tpu.memory_space<smem>>
    %add3A_1038 = arith.constant 1.000000e-16 : f32
    %add3A_1039 = vector.broadcast %add3A_1038 : f32 to vector<18x128xf32>
    %add3A_1040 = arith.addf %min3A_867, %add3A_1039 : vector<18x128xf32>
    %log3A_1041 = math.log %add3A_1040 : vector<18x128xf32>
    %mul3A_1042 = vector.broadcast %get3A_1037 : f32 to vector<18x128xf32>
    %mul3A_1043 = arith.mulf %mul3A_1042, %log3A_1041 : vector<18x128xf32>
    %sub3A_1044 = vector.broadcast %get3A_1034 : f32 to vector<18x128xf32>
    %sub3A_1045 = arith.subf %sub3A_1044, %mul3A_1043 : vector<18x128xf32>
    %abs3A_1046 = math.absf %sub3A_1045 : vector<18x128xf32>
    %get3A_1047 = arith.index_cast %arg0 : i32 to index
    %get3A_1048 = arith.constant 12 : index
    %get3A_1049 = memref.load %arg3[%get3A_1047, %get3A_1048] : memref<16x16xf32, #tpu.memory_space<smem>>
    %get3A_1050 = arith.index_cast %arg0 : i32 to index
    %get3A_1051 = arith.constant 12 : index
    %get3A_1052 = memref.load %arg2[%get3A_1050, %get3A_1051] : memref<16x16xf32, #tpu.memory_space<smem>>
    %add3A_1053 = arith.constant 1.000000e-16 : f32
    %add3A_1054 = vector.broadcast %add3A_1053 : f32 to vector<18x128xf32>
    %add3A_1055 = arith.addf %max3A_868, %add3A_1054 : vector<18x128xf32>
    %log3A_1056 = math.log %add3A_1055 : vector<18x128xf32>
    %mul3A_1057 = vector.broadcast %get3A_1052 : f32 to vector<18x128xf32>
    %mul3A_1058 = arith.mulf %mul3A_1057, %log3A_1056 : vector<18x128xf32>
    %sub3A_1059 = vector.broadcast %get3A_1049 : f32 to vector<18x128xf32>
    %sub3A_1060 = arith.subf %sub3A_1059, %mul3A_1058 : vector<18x128xf32>
    %abs3A_1061 = math.absf %sub3A_1060 : vector<18x128xf32>
    %get3A_1062 = arith.index_cast %arg0 : i32 to index
    %get3A_1063 = arith.constant 13 : index
    %get3A_1064 = memref.load %arg3[%get3A_1062, %get3A_1063] : memref<16x16xf32, #tpu.memory_space<smem>>
    %get3A_1065 = arith.index_cast %arg0 : i32 to index
    %get3A_1066 = arith.constant 13 : index
    %get3A_1067 = memref.load %arg2[%get3A_1065, %get3A_1066] : memref<16x16xf32, #tpu.memory_space<smem>>
    %add3A_1068 = arith.constant 1.000000e-16 : f32
    %add3A_1069 = vector.broadcast %add3A_1068 : f32 to vector<18x128xf32>
    %add3A_1070 = arith.addf %min3A_869, %add3A_1069 : vector<18x128xf32>
    %log3A_1071 = math.log %add3A_1070 : vector<18x128xf32>
    %mul3A_1072 = vector.broadcast %get3A_1067 : f32 to vector<18x128xf32>
    %mul3A_1073 = arith.mulf %mul3A_1072, %log3A_1071 : vector<18x128xf32>
    %sub3A_1074 = vector.broadcast %get3A_1064 : f32 to vector<18x128xf32>
    %sub3A_1075 = arith.subf %sub3A_1074, %mul3A_1073 : vector<18x128xf32>
    %abs3A_1076 = math.absf %sub3A_1075 : vector<18x128xf32>
    %get3A_1077 = arith.index_cast %arg0 : i32 to index
    %get3A_1078 = arith.constant 14 : index
    %get3A_1079 = memref.load %arg3[%get3A_1077, %get3A_1078] : memref<16x16xf32, #tpu.memory_space<smem>>
    %get3A_1080 = arith.index_cast %arg0 : i32 to index
    %get3A_1081 = arith.constant 14 : index
    %get3A_1082 = memref.load %arg2[%get3A_1080, %get3A_1081] : memref<16x16xf32, #tpu.memory_space<smem>>
    %add3A_1083 = arith.constant 1.000000e-16 : f32
    %add3A_1084 = vector.broadcast %add3A_1083 : f32 to vector<18x128xf32>
    %add3A_1085 = arith.addf %max3A_870, %add3A_1084 : vector<18x128xf32>
    %log3A_1086 = math.log %add3A_1085 : vector<18x128xf32>
    %mul3A_1087 = vector.broadcast %get3A_1082 : f32 to vector<18x128xf32>
    %mul3A_1088 = arith.mulf %mul3A_1087, %log3A_1086 : vector<18x128xf32>
    %sub3A_1089 = vector.broadcast %get3A_1079 : f32 to vector<18x128xf32>
    %sub3A_1090 = arith.subf %sub3A_1089, %mul3A_1088 : vector<18x128xf32>
    %abs3A_1091 = math.absf %sub3A_1090 : vector<18x128xf32>
    %get3A_1092 = arith.index_cast %arg0 : i32 to index
    %get3A_1093 = arith.constant 15 : index
    %get3A_1094 = memref.load %arg3[%get3A_1092, %get3A_1093] : memref<16x16xf32, #tpu.memory_space<smem>>
    %get3A_1095 = arith.index_cast %arg0 : i32 to index
    %get3A_1096 = arith.constant 15 : index
    %get3A_1097 = memref.load %arg2[%get3A_1095, %get3A_1096] : memref<16x16xf32, #tpu.memory_space<smem>>
    %add3A_1098 = arith.constant 1.000000e-16 : f32
    %add3A_1099 = vector.broadcast %add3A_1098 : f32 to vector<18x128xf32>
    %add3A_1100 = arith.addf %min3A_871, %add3A_1099 : vector<18x128xf32>
    %log3A_1101 = math.log %add3A_1100 : vector<18x128xf32>
    %mul3A_1102 = vector.broadcast %get3A_1097 : f32 to vector<18x128xf32>
    %mul3A_1103 = arith.mulf %mul3A_1102, %log3A_1101 : vector<18x128xf32>
    %sub3A_1104 = vector.broadcast %get3A_1094 : f32 to vector<18x128xf32>
    %sub3A_1105 = arith.subf %sub3A_1104, %mul3A_1103 : vector<18x128xf32>
    %abs3A_1106 = math.absf %sub3A_1105 : vector<18x128xf32>
    %add3A_1107 = arith.addf %abs3A, %abs3A_896 : vector<18x128xf32>
    %add3A_1108 = arith.addf %abs3A_911, %abs3A_926 : vector<18x128xf32>
    %add3A_1109 = arith.addf %abs3A_941, %abs3A_956 : vector<18x128xf32>
    %add3A_1110 = arith.addf %abs3A_971, %abs3A_986 : vector<18x128xf32>
    %add3A_1111 = arith.addf %abs3A_1001, %abs3A_1016 : vector<18x128xf32>
    %add3A_1112 = arith.addf %abs3A_1031, %abs3A_1046 : vector<18x128xf32>
    %add3A_1113 = arith.addf %abs3A_1061, %abs3A_1076 : vector<18x128xf32>
    %add3A_1114 = arith.addf %abs3A_1091, %abs3A_1106 : vector<18x128xf32>
    %add3A_1115 = arith.addf %add3A_1107, %add3A_1108 : vector<18x128xf32>
    %add3A_1116 = arith.addf %add3A_1109, %add3A_1110 : vector<18x128xf32>
    %add3A_1117 = arith.addf %add3A_1111, %add3A_1112 : vector<18x128xf32>
    %add3A_1118 = arith.addf %add3A_1113, %add3A_1114 : vector<18x128xf32>
    %add3A_1119 = arith.addf %add3A_1115, %add3A_1116 : vector<18x128xf32>
    %add3A_1120 = arith.addf %add3A_1117, %add3A_1118 : vector<18x128xf32>
    %add3A_1121 = arith.addf %add3A_1119, %add3A_1120 : vector<18x128xf32>
    %swap3A = arith.constant 0 : index
    %swap3A_1122 = arith.constant 0 : index
    %swap3A_1123 = arith.constant 0 : index
    %swap3A_1124 = arith.constant 0 : index
    %swap3A_1125 = vector.load %arg5[%swap3A, %swap3A_1122, %swap3A_1123, %swap3A_1124] : memref<1x1x18x128xf32, #tpu.memory_space<vmem>>, vector<1x1x18x128xf32>
    %swap3A_1126 = vector.shape_cast %swap3A_1125 : vector<1x1x18x128xf32> to vector<18x128xf32>
    %swap3A_1127 = vector.shape_cast %add3A_1121 : vector<18x128xf32> to vector<1x1x18x128xf32>
    tpu.vector_store %arg5[%swap3A, %swap3A_1122, %swap3A_1123, %swap3A_1124], %swap3A_1127 {strides = array<i32>} : memref<1x1x18x128xf32, #tpu.memory_space<vmem>>, vector<1x1x18x128xf32>,
    return
  }
  func.func @transform_0(%arg0: i32, %arg1: i32) -> (i32, i32) {
    %c0_i32 = arith.constant 0 : i32
    %c0_i32_0 = arith.constant 0 : i32
    %c0_i32_1 = arith.constant 0 : i32
    return %c0_i32, %c0_i32_0 : i32, i32
  }
  func.func @transform_1(%arg0: i32, %arg1: i32) -> (i32, i32) {
    %c0_i32 = arith.constant 0 : i32
    %c0_i32_0 = arith.constant 0 : i32
    %c0_i32_1 = arith.constant 0 : i32
    return %c0_i32, %c0_i32_0 : i32, i32
  }
  func.func @transform_2(%arg0: i32, %arg1: i32) -> (i32, i32, i32) {
    %c0_i32 = arith.constant 0 : i32
    %c0_i32_0 = arith.constant 0 : i32
    return %arg0, %c0_i32, %arg1 : i32, i32, i32
  }
  func.func @transform_3(%arg0: i32, %arg1: i32) -> (i32, i32, i32, i32) {
    %c0_i32 = arith.constant 0 : i32
    %c0_i32_0 = arith.constant 0 : i32
    %c0_i32_1 = arith.constant 0 : i32
    return %arg0, %arg1, %c0_i32, %c0_i32_0 : i32, i32, i32, i32
  }
}

module attributes {stable_mosaic.version = 14 : i64} {
  func.func @_final_body(%arg0: memref<16x64xf32, #tpu.memory_space<vmem>>, %arg1: memref<16x64xf32, #tpu.memory_space<vmem>>, %arg2: memref<32x16xf32, #tpu.memory_space<vmem>>, %arg3: memref<16x2x18x128xf32, #tpu.memory_space<vmem>>, %arg4: memref<1x1xf32, #tpu.memory_space<vmem>>) attributes {dimension_semantics = [], scalar_prefetch = 0 : i64, scratch_operands = 0 : i64, tpu.core_type = #tpu.core_type<tc>} {
    %get3A = arith.constant 0 : index
    %get3A_0 = arith.constant 0 : index
    %get3A_1 = vector.load %arg0[%get3A, %get3A_0] : memref<16x64xf32, #tpu.memory_space<vmem>>, vector<16x64xf32>
    %get3A_2 = arith.constant 0 : index
    %get3A_3 = arith.constant 0 : index
    %get3A_4 = vector.load %arg1[%get3A_2, %get3A_3] : memref<16x64xf32, #tpu.memory_space<vmem>>, vector<16x64xf32>
    %iota3A = tpu.iota {dimensions = array<i32: 1>} : vector<16x64xi32>
    %convert_element_type3A = arith.sitofp %iota3A : vector<16x64xi32> to vector<16x64xf32>
    %sub3A = arith.constant 3.200000e+01 : f32
    %sub3A_5 = vector.broadcast %sub3A : f32 to vector<16x64xf32>
    %sub3A_6 = arith.subf %convert_element_type3A, %sub3A_5 : vector<16x64xf32>
    %div3A = arith.divf %sub3A_6, %get3A_4 : vector<16x64xf32>
    %integer_pow3A = arith.mulf %div3A, %div3A : vector<16x64xf32>
    %mul3A = arith.constant -5.000000e-01 : f32
    %mul3A_7 = vector.broadcast %mul3A : f32 to vector<16x64xf32>
    %mul3A_8 = arith.mulf %mul3A_7, %integer_pow3A : vector<16x64xf32>
    %log3A = math.log %get3A_4 : vector<16x64xf32>
    %sub3A_9 = arith.subf %mul3A_8, %log3A : vector<16x64xf32>
    %sub3A_10 = arith.constant 0.918938517 : f32
    %sub3A_11 = vector.broadcast %sub3A_10 : f32 to vector<16x64xf32>
    %sub3A_12 = arith.subf %sub3A_9, %sub3A_11 : vector<16x64xf32>
    %exp3A = math.exp %sub3A_12 : vector<16x64xf32>
    %reduce_sum3A = vector.shape_cast %exp3A : vector<16x64xf32> to vector<1x16x64xf32>
    %reduce_sum3A_13 = arith.constant dense<0.000000e+00> : vector<1xf32>
    %reduce_sum3A_14 = vector.multi_reduction <add>, %reduce_sum3A, %reduce_sum3A_13 [1, 2] : vector<1x16x64xf32> to vector<1xf32>
    %reduce_sum3A_15 = vector.shape_cast %reduce_sum3A_14 : vector<1xf32> to vector<1x1x1xf32>
    %reduce_sum3A_16 = vector.extract %reduce_sum3A_15[0, 0, 0] : f32 from vector<1x1x1xf32>
    %div3A_17 = vector.broadcast %reduce_sum3A_16 : f32 to vector<16x64xf32>
    %div3A_18 = arith.divf %exp3A, %div3A_17 : vector<16x64xf32>
    %broadcast_in_dim3A = vector.shape_cast %get3A_1 : vector<16x64xf32> to vector<16x64x1xf32>
    %broadcast_in_dim3A_19 = vector.shape_cast %get3A_1 : vector<16x64xf32> to vector<16x1x64xf32>
    %iota3A_20 = tpu.iota {dimensions = array<i32: 1>} : vector<16x64x64xi32>
    %iota3A_21 = tpu.iota {dimensions = array<i32: 2>} : vector<16x64x64xi32>
    %gt3A = vector.broadcast %broadcast_in_dim3A_19 : vector<16x1x64xf32> to vector<16x64x64xf32>
    %gt3A_22 = vector.broadcast %broadcast_in_dim3A : vector<16x64x1xf32> to vector<16x64x64xf32>
    %gt3A_23 = arith.cmpf ogt, %gt3A, %gt3A_22 : vector<16x64x64xf32>
    %eq3A = vector.broadcast %broadcast_in_dim3A_19 : vector<16x1x64xf32> to vector<16x64x64xf32>
    %eq3A_24 = vector.broadcast %broadcast_in_dim3A : vector<16x64x1xf32> to vector<16x64x64xf32>
    %eq3A_25 = arith.cmpf oeq, %eq3A, %eq3A_24 : vector<16x64x64xf32>
    %lt3A = arith.cmpi slt, %iota3A_21, %iota3A_20 : vector<16x64x64xi32>
    %and3A = arith.andi %eq3A_25, %lt3A : vector<16x64x64xi1>
    %or3A = arith.ori %gt3A_23, %and3A : vector<16x64x64xi1>
    %convert_element_type3A_26 = arith.extui %or3A : vector<16x64x64xi1> to vector<16x64x64xi32>
    %reduce_sum3A_27 = arith.constant dense<0> : vector<16x64xi32>
    %reduce_sum3A_28 = vector.multi_reduction <add>, %convert_element_type3A_26, %reduce_sum3A_27 [2] : vector<16x64x64xi32> to vector<16x64xi32>
    %iota3A_29 = tpu.iota {dimensions = array<i32: 2>} : vector<16x64x64xi32>
    %broadcast_in_dim3A_30 = vector.shape_cast %reduce_sum3A_28 : vector<16x64xi32> to vector<16x64x1xi32>
    %eq3A_31 = vector.broadcast %broadcast_in_dim3A_30 : vector<16x64x1xi32> to vector<16x64x64xi32>
    %eq3A_32 = arith.cmpi eq, %eq3A_31, %iota3A_29 : vector<16x64x64xi32>
    %jit3A = arith.constant 0.000000e+00 : f32
    %broadcast_in_dim3A_33 = vector.shape_cast %broadcast_in_dim3A : vector<16x64x1xf32> to vector<16x64x1xf32>
    %broadcast_in_dim3A_34 = vector.broadcast %broadcast_in_dim3A_33 : vector<16x64x1xf32> to vector<16x64x64xf32>
    %broadcast_in_dim3A_35 = vector.broadcast %jit3A : f32 to vector<16x64x64xf32>
    %select_n3A = arith.select %eq3A_32, %broadcast_in_dim3A_34, %broadcast_in_dim3A_35 : vector<16x64x64xi1>, vector<16x64x64xf32>
    %reduce_sum3A_36 = arith.constant dense<0.000000e+00> : vector<16x64xf32>
    %reduce_sum3A_37 = vector.multi_reduction <add>, %select_n3A, %reduce_sum3A_36 [1] : vector<16x64x64xf32> to vector<16x64xf32>
    %broadcast_in_dim3A_38 = vector.shape_cast %div3A_18 : vector<16x64xf32> to vector<16x64x1xf32>
    %broadcast_in_dim3A_39 = vector.shape_cast %div3A_18 : vector<16x64xf32> to vector<16x1x64xf32>
    %iota3A_40 = tpu.iota {dimensions = array<i32: 1>} : vector<16x64x64xi32>
    %iota3A_41 = tpu.iota {dimensions = array<i32: 2>} : vector<16x64x64xi32>
    %gt3A_42 = vector.broadcast %broadcast_in_dim3A_39 : vector<16x1x64xf32> to vector<16x64x64xf32>
    %gt3A_43 = vector.broadcast %broadcast_in_dim3A_38 : vector<16x64x1xf32> to vector<16x64x64xf32>
    %gt3A_44 = arith.cmpf ogt, %gt3A_42, %gt3A_43 : vector<16x64x64xf32>
    %eq3A_45 = vector.broadcast %broadcast_in_dim3A_39 : vector<16x1x64xf32> to vector<16x64x64xf32>
    %eq3A_46 = vector.broadcast %broadcast_in_dim3A_38 : vector<16x64x1xf32> to vector<16x64x64xf32>
    %eq3A_47 = arith.cmpf oeq, %eq3A_45, %eq3A_46 : vector<16x64x64xf32>
    %lt3A_48 = arith.cmpi slt, %iota3A_41, %iota3A_40 : vector<16x64x64xi32>
    %and3A_49 = arith.andi %eq3A_47, %lt3A_48 : vector<16x64x64xi1>
    %or3A_50 = arith.ori %gt3A_44, %and3A_49 : vector<16x64x64xi1>
    %convert_element_type3A_51 = arith.extui %or3A_50 : vector<16x64x64xi1> to vector<16x64x64xi32>
    %reduce_sum3A_52 = arith.constant dense<0> : vector<16x64xi32>
    %reduce_sum3A_53 = vector.multi_reduction <add>, %convert_element_type3A_51, %reduce_sum3A_52 [2] : vector<16x64x64xi32> to vector<16x64xi32>
    %iota3A_54 = tpu.iota {dimensions = array<i32: 2>} : vector<16x64x64xi32>
    %broadcast_in_dim3A_55 = vector.shape_cast %reduce_sum3A_53 : vector<16x64xi32> to vector<16x64x1xi32>
    %eq3A_56 = vector.broadcast %broadcast_in_dim3A_55 : vector<16x64x1xi32> to vector<16x64x64xi32>
    %eq3A_57 = arith.cmpi eq, %eq3A_56, %iota3A_54 : vector<16x64x64xi32>
    %jit3A_58 = arith.constant 0.000000e+00 : f32
    %broadcast_in_dim3A_59 = vector.shape_cast %broadcast_in_dim3A_38 : vector<16x64x1xf32> to vector<16x64x1xf32>
    %broadcast_in_dim3A_60 = vector.broadcast %broadcast_in_dim3A_59 : vector<16x64x1xf32> to vector<16x64x64xf32>
    %broadcast_in_dim3A_61 = vector.broadcast %jit3A_58 : f32 to vector<16x64x64xf32>
    %select_n3A_62 = arith.select %eq3A_57, %broadcast_in_dim3A_60, %broadcast_in_dim3A_61 : vector<16x64x64xi1>, vector<16x64x64xf32>
    %reduce_sum3A_63 = arith.constant dense<0.000000e+00> : vector<16x64xf32>
    %reduce_sum3A_64 = vector.multi_reduction <add>, %select_n3A_62, %reduce_sum3A_63 [1] : vector<16x64x64xf32> to vector<16x64xf32>
    %reduce_sum3A_65 = arith.constant dense<0.000000e+00> : vector<16xf32>
    %reduce_sum3A_66 = vector.multi_reduction <add>, %reduce_sum3A_37, %reduce_sum3A_65 [1] : vector<16x64xf32> to vector<16xf32>
    %broadcast_in_dim3A_67 = vector.shape_cast %reduce_sum3A_66 : vector<16xf32> to vector<16x1xf32>
    %div3A_68 = vector.broadcast %broadcast_in_dim3A_67 : vector<16x1xf32> to vector<16x64xf32>
    %div3A_69 = arith.divf %reduce_sum3A_37, %div3A_68 : vector<16x64xf32>
    %add3A = arith.constant 9.99999993E-9 : f32
    %add3A_70 = vector.broadcast %add3A : f32 to vector<16x64xf32>
    %add3A_71 = arith.addf %div3A_69, %add3A_70 : vector<16x64xf32>
    %div3A_72 = arith.divf %reduce_sum3A_64, %add3A_71 : vector<16x64xf32>
    %log3A_73 = math.log %div3A_72 : vector<16x64xf32>
    %abs3A = math.absf %log3A_73 : vector<16x64xf32>
    %mul3A_74 = arith.mulf %reduce_sum3A_64, %abs3A : vector<16x64xf32>
    %reduce_sum3A_75 = vector.shape_cast %mul3A_74 : vector<16x64xf32> to vector<1x16x64xf32>
    %reduce_sum3A_76 = arith.constant dense<0.000000e+00> : vector<1xf32>
    %reduce_sum3A_77 = vector.multi_reduction <add>, %reduce_sum3A_75, %reduce_sum3A_76 [1, 2] : vector<1x16x64xf32> to vector<1xf32>
    %reduce_sum3A_78 = vector.shape_cast %reduce_sum3A_77 : vector<1xf32> to vector<1x1x1xf32>
    %reduce_sum3A_79 = vector.extract %reduce_sum3A_78[0, 0, 0] : f32 from vector<1x1x1xf32>
    %div3A_80 = arith.constant 1.600000e+01 : f32
    %div3A_81 = arith.divf %reduce_sum3A_79, %div3A_80 : f32
    %get3A_82 = arith.constant 0 : index
    %get3A_83 = arith.constant 0 : index
    %get3A_84 = vector.load %arg2[%get3A_82, %get3A_83] : memref<32x16xf32, #tpu.memory_space<vmem>>, vector<32x16xf32>
    %reduce_sum3A_85 = vector.shape_cast %get3A_84 : vector<32x16xf32> to vector<1x32x16xf32>
    %reduce_sum3A_86 = arith.constant dense<0.000000e+00> : vector<1xf32>
    %reduce_sum3A_87 = vector.multi_reduction <add>, %reduce_sum3A_85, %reduce_sum3A_86 [1, 2] : vector<1x32x16xf32> to vector<1xf32>
    %reduce_sum3A_88 = vector.shape_cast %reduce_sum3A_87 : vector<1xf32> to vector<1x1x1xf32>
    %reduce_sum3A_89 = vector.extract %reduce_sum3A_88[0, 0, 0] : f32 from vector<1x1x1xf32>
    %get3A_90 = arith.constant 0 : index
    %get3A_91 = arith.constant 0 : index
    %get3A_92 = arith.constant 0 : index
    %get3A_93 = arith.constant 0 : index
    %get3A_94 = vector.load %arg3[%get3A_90, %get3A_91, %get3A_92, %get3A_93] : memref<16x2x18x128xf32, #tpu.memory_space<vmem>>, vector<16x2x18x128xf32>
    %reduce_sum3A_95 = vector.shape_cast %get3A_94 : vector<16x2x18x128xf32> to vector<1x16x2x18x128xf32>
    %reduce_sum3A_96 = arith.constant dense<0.000000e+00> : vector<1xf32>
    %reduce_sum3A_97 = vector.multi_reduction <add>, %reduce_sum3A_95, %reduce_sum3A_96 [1, 2, 3, 4] : vector<1x16x2x18x128xf32> to vector<1xf32>
    %reduce_sum3A_98 = vector.shape_cast %reduce_sum3A_97 : vector<1xf32> to vector<1x1x1x1x1xf32>
    %reduce_sum3A_99 = vector.extract %reduce_sum3A_98[0, 0, 0, 0, 0] : f32 from vector<1x1x1x1x1xf32>
    %add3A_100 = arith.addf %reduce_sum3A_89, %reduce_sum3A_99 : f32
    %div3A_101 = arith.constant 1.310720e+05 : f32
    %div3A_102 = arith.divf %add3A_100, %div3A_101 : f32
    %mul3A_103 = arith.constant 1.000000e-03 : f32
    %mul3A_104 = arith.mulf %mul3A_103, %div3A_102 : f32
    %mul3A_105 = arith.constant 9.99999974E-5 : f32
    %mul3A_106 = arith.mulf %mul3A_105, %div3A_81 : f32
    %add3A_107 = arith.addf %mul3A_104, %mul3A_106 : f32
    %broadcast_in_dim3A_108 = vector.broadcast %add3A_107 : f32 to vector<1x1xf32>
    %swap3A = arith.constant 0 : index
    %swap3A_109 = arith.constant 0 : index
    %swap3A_110 = vector.load %arg4[%swap3A, %swap3A_109] : memref<1x1xf32, #tpu.memory_space<vmem>>, vector<1x1xf32>
    tpu.vector_store %arg4[%swap3A, %swap3A_109], %broadcast_in_dim3A_108 {strides = array<i32>} : memref<1x1xf32, #tpu.memory_space<vmem>>, vector<1x1xf32>,
    return
  }
}

</mosaic_0001>

<sc_bundles>
// kernel: kernel.6.cloned.1.call-start
scs
__scs_entry_jumppad:
0x0: {  	(pc) =	sbr.rel $0x88, $3  }
0x1: {  	(tag) =	ssettag $0x0;
	lr =	simm.s32 $0x1  }
0x2: {  	[smem:$0x3FA0] =	sst lr;
	_ =	strace $0xD0000000  }
0x3: {  	_ = 	snop  }
0x4: {  	_ = 	snop  }
0x5: {  	_ = 	snop  }
0x6: {  	_ = 	snop  }
0x7: {  	_ = 	snop  }
__scs_overlays_trampoline_lowered:
0x8: {  	[smem:$0x3FAF] =	sst s0  }
0x9: {  	[smem:$0x3FB0] =	sst s1  }
0xa: {  	[smem:$0x3FB1] =	sst s2  }
0xb: {  	[smem:$0x3FB2] =	sst s3  }
0xc: {  	[smem:$0x3FB3] =	sst s4  }
0xd: {  	[smem:$0x3FB4] =	sst s5  }
0xe: {  	[smem:$0x3FB5] =	sst s6  }
0xf: {  	[smem:$0x3FB6] =	sst s7  }
0x10: {  	[smem:$0x3FB7] =	sst s8  }
0x11: {  	[smem:$0x3FB8] =	sst s9;
	s0 =	simm.s32 @!p0 $0x0  }
0x12: {  	s1 =	sld [smem:$0x3F9E];
	s0 =	simm.s32 @p0 $0x1  }
0x13: {  	[smem:$0x3FB9] =	sst s0;
	s0 =	simm.s32 @!p1 $0x0  }
0x14: {  	s2 =	sld [smem:$0x3F9D];
	s0 =	simm.s32 @p1 $0x1  }
0x15: {  	[smem:$0x3FBA] =	sst s0;
	s0 =	simm.s32 @!p2 $0x0  }
0x16: {  	s3 =	sld [smem:$0x3FDB];
	s0 =	simm.s32 @p2 $0x1  }
0x17: {  	s4 =	simm.s32 $0x1BF5;
	[smem:$0x3FBC] =	sst s0  }
0x18: {  	s0 =	sld [smem:$0x3F9F];
	_ =	swait.ge [sflag:s4], $0x0  }
0x19: {  	s7 =	sld [smem:$0x3FA0]  }
0x1a: {  	s8 =	sadd.s32 $0xFFFFE003, lr  }
0x1b: {  	s9 =	sadd.s32 $0xFFFFFEF7, lr;
	s5 =	simm.s32 $0xFFFFFFFF;
	p2 =	slt.u32 s8, $0xFFFFF086  }
0x1c: {  	p1 =	slt.u32 s9, $0xF7A;
	s5 =	simm.s32 @!p2 $0x0  }
0x1d: {  	s5 =	simm.s32 @p1 $0x1;
	p0 =	seq.s32 s7, s2  }
0x1e: {  	s7 =	smul.u32 @!p0 $0xF7A, s2;
	p2 =	seq.s32 @!p0 s5, $0x0  }
0x1f: {  	s9 =	smul.u32 $0xF7A, s1;
	s8 =	simm.s32 @!p0 $0x1BF5;
	p2 =	por !p2, p0  }
0x20: {  	[sflag:s8] =	ssyncset.s32 @!p0 $0xFFFFF086;
	s6 =	sadd.s32 @!p0 s3, s7;
	s7 =	simm.s32 @!p0 $0x108  }
0x21: {  	s3 =	sadd.s32 s3, s9;
	s6 =	sadd.s32 @!p0 $0x88, s6;
	s7 =	simm.s32 @p2 $0x1082  }
0x22: {  	[simem:s7], [sflag:s8] =	dma.local @!p0 [hbm:s6], $0xF7A  }
0x23: {  	s9 =	sor.u32 $0xD0000000, s2;
	s6 =	simm.s32 $0x108;
	_ =	swait.ge @!p0 [sflag:s8], $0x0  }
0x24: {  	s3 =	sadd.s32 $0x88, s3;
	s6 =	simm.s32 @!p1 $0x1082;
	[sflag:s4] =	ssyncset.s32 $0xFFFFF086  }
0x25: {  	[simem:s6], [sflag:s4] =	dma.local [hbm:s3], $0xF7A  }
0x26: {  	[smem:$0x3FA0] =	sst s1;
	(tag) =	ssettag s2;
	_ =	strace s9  }
0x27: {  	s1 =	sld [smem:$0x3FB0]  }
0x28: {  	s2 =	sld [smem:$0x3FB1]  }
0x29: {  	s4 =	sld [smem:$0x3FB3]  }
0x2a: {  	p0 =	seq.s32 s5, $0x0;
	s5 =	sld [smem:$0x3FB4]  }
0x2b: {  	s6 =	sld [smem:$0x3FB5]  }
0x2c: {  	s7 =	sld [smem:$0x3FB6]  }
0x2d: {  	s3 =	simm.s32 $0x108;
	s8 =	sld [smem:$0x3FB7]  }
0x2e: {  	s3 =	simm.s32 @!p0 $0x1082;
	s9 =	sld [smem:$0x3FB8]  }
0x2f: {  	lr =	sadd.s32 s0, s3;
	s0 =	sld [smem:$0x3FAF]  }
0x30: {  	s3 =	sld [smem:$0x3FB2]  }
0x31: {  	[smem:$0x3FBB] =	sst s10  }
0x32: {  	s10 =	sld [smem:$0x3FB9];
	_ =	sdelay $0x3  }
0x33: {  	p0 =	seq.s32 s10, $0x1;
	s10 =	sld [smem:$0x3FBB];
	_ =	sdelay $0x3  }
0x34: {  	[smem:$0x3FBB] =	sst s10  }
0x35: {  	s10 =	sld [smem:$0x3FBA];
	_ =	sdelay $0x3  }
0x36: {  	p1 =	seq.s32 s10, $0x1;
	s10 =	sld [smem:$0x3FBB];
	_ =	sdelay $0x3  }
0x37: {  	[smem:$0x3FBB] =	sst s10  }
0x38: {  	s10 =	sld [smem:$0x3FBC]  }
0x39: {  	_ = 	snop;
	(pc) =	sbr.ind lr, $3  }
0x3a: {  	_ = 	snop  }
0x3b: {  	_ = 	snop  }
0x3c: {  	p2 =	seq.s32 s10, $0x1;
	s10 =	sld [smem:$0x3FBB]  }
0x3d: {  	_ =	shalt  }
0x3e: {  	_ =	shalt  }
0x3f: {  	_ =	shalt  }
0x40: {  	_ =	shalt  }
0x41: {  	_ =	shalt  }
0x42: {  	_ =	shalt  }
0x43: {  	_ =	shalt  }
0x44: {  	_ =	shalt  }
0x45: {  	_ =	shalt  }
0x46: {  	_ =	shalt  }
0x47: {  	_ =	shalt  }
0x48: {  	_ =	shalt  }
0x49: {  	_ =	shalt  }
0x4a: {  	_ =	shalt  }
0x4b: {  	_ =	shalt  }
0x4c: {  	_ =	shalt  }
0x4d: {  	_ =	shalt  }
0x4e: {  	_ =	shalt  }
0x4f: {  	_ =	shalt  }
0x50: {  	_ =	shalt  }
0x51: {  	_ =	shalt  }
0x52: {  	_ =	shalt  }
0x53: {  	_ =	shalt  }
0x54: {  	_ =	shalt  }
0x55: {  	_ =	shalt  }
0x56: {  	_ =	shalt  }
0x57: {  	_ =	shalt  }
0x58: {  	_ =	shalt  }
0x59: {  	_ =	shalt  }
0x5a: {  	_ =	shalt  }
0x5b: {  	_ =	shalt  }
0x5c: {  	_ =	shalt  }
0x5d: {  	_ =	shalt  }
0x5e: {  	_ =	shalt  }
0x5f: {  	_ =	shalt  }
0x60: {  	_ =	shalt  }
0x61: {  	_ =	shalt  }
0x62: {  	_ =	shalt  }
0x63: {  	_ =	shalt  }
0x64: {  	_ =	shalt  }
0x65: {  	_ =	shalt  }
0x66: {  	_ =	shalt  }
0x67: {  	_ =	shalt  }
0x68: {  	_ =	shalt  }
0x69: {  	_ =	shalt  }
0x6a: {  	_ =	shalt  }
0x6b: {  	_ =	shalt  }
0x6c: {  	_ =	shalt  }
0x6d: {  	_ =	shalt  }
0x6e: {  	_ =	shalt  }
0x6f: {  	_ =	shalt  }
0x70: {  	_ =	shalt  }
0x71: {  	_ =	shalt  }
0x72: {  	_ =	shalt  }
0x73: {  	_ =	shalt  }
0x74: {  	_ =	shalt  }
0x75: {  	_ =	shalt  }
0x76: {  	_ =	shalt  }
0x77: {  	_ =	shalt  }
0x78: {  	_ =	shalt  }
0x79: {  	_ =	shalt  }
0x7a: {  	_ =	shalt  }
0x7b: {  	_ =	shalt  }
0x7c: {  	_ =	shalt  }
0x7d: {  	_ =	shalt  }
0x7e: {  	_ =	shalt  }
0x7f: {  	_ =	shalt  }
0x80: {  	_ =	shalt  }
0x81: {  	_ =	shalt  }
0x82: {  	_ =	shalt  }
0x83: {  	_ =	shalt  }
0x84: {  	_ =	shalt  }
0x85: {  	_ =	shalt  }
0x86: {  	_ =	shalt  }
0x87: {  	_ =	shalt  }
.Lfunc_end0:
.L_simem_size_0:
called_computation_lowered:
.L_overlay_start_0:
0x88: {  	s2 =	sld [smem:$0x3FD9]  }
0x89: {  	s3 =	sld [smem:$0x3FFE];
	_ =	sdelay $0x1  }
0x8a: {  	s1 =	srdreg.scid  }
0x8b: {  	s0 =	sand.u32 $0x1, s1  }
0x8c: {  	s17 =	sshll.u32 s0, $0xA;
	s2 =	sadd.s32 s3, s2  }
0x8d: {  	s2 =	sadd.s32 s2, s17  }
0x8e: {  	[smem:$0x3FC7] =	sst s2  }
0x8f: {  	_ = 	snop  }
0x90: {  	s2 =	sld [smem:$0x3FC9];
	(tm) =	ssettm $0x1  }
0x91: {  	s18 =	sld [smem:$0x3FFB];
	_ =	sdelay $0x3  }
0x92: {  	_ =	strace s18  }
0x93: {  	s3 =	sld [smem:$0x3FFC];
	_ =	sdelay $0x3  }
0x94: {  	_ =	strace s3  }
0x95: {  	s3 =	sld [smem:$0x3FFD];
	_ =	sdelay $0x3  }
0x96: {  	_ =	strace s3  }
0x97: {  	_ =	strace $0x8FFFFFFF  }
0x98: {  	s19 =	sld [smem:$0x3FDB];
	_ =	sdelay $0x1  }
0x99: {  	s4 =	simm.s32 $_scs_section_size  }
0x9a: {  	s5 =	simm.s32 $_size__tile_overlayer_lowered;
	s6 =	simm.s32 $_tile_overlayer_lowered  }
0x9b: {  	s22 =	simm.s32 $0x1BFF;
	s21 =	sshll.u32 s6, $0x1;
	s3 =	sadd.s32 s4, s19  }
0x9c: {  	s7 =	simm.s32 $0x0;
	s20 =	sshll.u32 s5, $0x1;
	s5 =	sadd.s32 s21, s3  }
0x9d: {  	[timem:s7], [sflag:s22] =	dma.local [hbm:s5], s20  }
0x9e: {  	_ =	swait.ge [sflag:s22], s20  }
0x9f: {  	s4 =	ssub.s32 $0x0, s20;
	[sflag:s22] =	ssyncset.done $0x0  }
0xa0: {  	[sflag:s22] =	ssyncadd.s32 s4;
	_ =	sdelay $0x1  }
0xa1: {  	s23 =	simm.s32 $0x1B8B  }
0xa2: {  	_ =	swait.ge [sflag:s23], $0x1  }
0xa3: {  	[sflag:s23] =	ssyncset.done $0x0  }
0xa4: {  	s25 =	simm.s32 $0x1B8E;
	s24 =	sld [smem:$0x3FFE];
	[sflag:s23] =	ssyncadd.s32 $0xFFFFFFFF  }
0xa5: {  	s26 =	simm.s32 $execute0_lowered;
	[smem:$0x3FD2] =	sst s25  }
0xa6: {  	s5 =	sshll.u32 s26, $0x1;
	_ =	strace $0x80000046;
	[dreg:$0x1] =	wrdreg $0xFFFFFFFF  }
0xa7: {  	s28 =	simm.s32 $_size_execute0_lowered;
	s3 =	sadd.s32 s3, s5;
	[dreg:$0x0] =	wrdreg $0x0  }
0xa8: {  	s5 =	sshll.u32 s28, $0x1;
	[dreg:$0x2] =	wrdreg s3  }
0xa9: {  	[dreg:$0x3] =	wrdreg s5  }
0xaa: {  	[dreg:$0x4] =	wrdreg $0xC0  }
0xab: {  	_ =	task [dreg:s7], $0x5FFFF  }
0xac: {  	[dreg:$0x1] =	wrdreg $0xFFFFFFFF  }
0xad: {  	[dreg:$0x0] =	wrdreg $0x60  }
0xae: {  	[dreg:$0x2] =	wrdreg s2  }
0xaf: {  	[dreg:$0x3] =	wrdreg s24  }
0xb0: {  	[dreg:$0x4] =	wrdreg $0x9  }
0xb1: {  	_ =	task.clear_ibuf [dreg:s7], $0x5FFFF;
	_ =	strace $0x90000046  }
0xb2: {  	s29 =	simm.s32 $0x9;
	_ =	strace $0x80000048  }
0xb3: {  	_ =	swait.ge [sflag:s29], $0x1  }
0xb4: {  	[sflag:s29] =	ssyncadd.s32 $0xFFFFFFFF  }
0xb5: {  	_ =	strace $0x90000048  }
0xb6: {  	_ =	sfence  }
0xb7: {  	s30 =	sld [smem:$0x0];
	_ =	sdelay $0x2  }
0xb8: {  	s31 =	sshll.u32 s1, $0xD;
	s1 =	sshrl.u32 s1, $0x2  }
0xb9: {  	s3 =	sand.u32 $0x4000, s31;
	s1 =	sadd.s32 s1, s30  }
0xba: {  	s0 =	sor.u32 s3, s0;
	s1 =	sshll.u32 s1, $0x11  }
0xbb: {  	s0 =	sor.u32 s1, s0  }
0xbc: {  	s0 =	sadd.s32 $0x8F2B, s0  }
0xbd: {  	[sflag:s0] =	ssyncadd.remote.s32 $0x1  }
0xbe: {  	_ =	sfence.sel $0xFFFF  }
0xbf: {  	[dreg:$0x0] =	wrdreg $0xFFFFFFFF;
	(pc) =	sbr.abs _section_cstart, $3  }
0xc0: {  	[dreg:$0x1] =	wrdreg $0xFFFFFFFF  }
0xc1: {  	_ =	task.clear_ibuf [dreg:s7], $0x2FFFF;
	_ =	strace $0x9FFFFFFF  }
0xc2: {  	(tm) =	ssettm $0x7FFFFFFF  }
0xc3: {  	_ =	shalt  }
tec
execute0_lowered:
.L_overlay_start_1:
0x0: {  	(tag) =	ssettag $0x1  }
0x1: {  	v0 =	vimm.s32 $0x1F80;
	vm14 =	vcmask $0x300  }
0x2: {  	vm13 =	vcmask $0x704;
	vm12 =	vcmask $0xB08;
	vm11 =	vcmask $0xF0C  }
0x3: {  	vm10 =	vcmask $0x1310;
	vm9 =	vcmask $0x1714;
	vm8 =	vcmask $0x1B18  }
0x4: {  	vm7 =	vcmask $0x1F1C;
	vm6 =	vcmask $0x2320;
	vm5 =	vcmask $0x2724  }
0x5: {  	vm4 =	vcmask $0x2B28;
	vm3 =	vcmask $0x2F2C;
	vm2 =	vcmask $0x3330  }
0x6: {  	vm0 =	vcmask $0x3734;
	vm1 =	vcmask $0x3B38;
	v1 =	vimm.s32 $0x5780  }
0x7: {  	v2 =	vimm.s32 $0x8F80;
	v3 =	vimm.s32 $0xC780;
	v4 =	vimm.f32 $0.0e+00  }
0x8: {  	v0 =	vsel vm14, $0x0, v0;
	v1 =	vsel vm14, $0x3800, v1;
	v2 =	vsel vm14, $0x7000, v2  }
0x9: {  	v3 =	vsel vm14, $0xA800, v3;
	v0 =	vsel vm13, $0x80, v0;
	v1 =	vsel vm13, $0x3880, v1  }
0xa: {  	v2 =	vsel vm13, $0x7080, v2;
	v3 =	vsel vm13, $0xA880, v3;
	v0 =	vsel vm12, $0x100, v0  }
0xb: {  	s1 =	srdreg.scid;
	s7 =	rddreg [dreg:$0x0];
	v1 =	vsel vm12, $0x3900, v1;
	v2 =	vsel vm12, $0x7100, v2;
	v3 =	vsel vm12, $0xA900, v3  }
0xc: {  	s0 =	stileid.u32;
	s6 =	rddreg [dreg:$0x1];
	s3 =	simm.s32 $0x1;
	v0 =	vsel vm11, $0x180, v0;
	v1 =	vsel vm11, $0x3980, v1;
	v2 =	vsel vm11, $0x7180, v2  }
0xd: {  	s2 =	simm.s32 $0x0;
	s10 =	simm.s32 $0x3800;
	s12 =	simm.s32 $0x1C080;
	v3 =	vsel vm11, $0xA980, v3;
	v0 =	vsel vm10, $0x200, v0;
	v1 =	vsel vm10, $0x3A00, v1  }
0xe: {  	s13 =	simm.s32 $0x1C00;
	s4 =	sand.u32 $0x1, s1;
	s28 =	sshll.u32 s0, $0x1;
	v2 =	vsel vm10, $0x7200, v2;
	v3 =	vsel vm10, $0xAA00, v3;
	v0 =	vsel vm9, $0x280, v0  }
0xf: {  	s14 =	simm.s32 $0x10400;
	s15 =	simm.s32 $0xE000;
	s5 =	sor.u32 s4, s28;
	v1 =	vsel vm9, $0x3A80, v1;
	v2 =	vsel vm9, $0x7280, v2;
	v3 =	vsel vm9, $0xAA80, v3  }
0x10: {  	s16 =	simm.s32 $0x2;
	p0 =	seq.s32 s4, $0x1;
	p1 =	seq.s32 s5, $0x0;
	v0 =	vsel vm8, $0x300, v0;
	v1 =	vsel vm8, $0x3B00, v1;
	v2 =	vsel vm8, $0x7300, v2  }
0x11: {  	s17 =	simm.s32 $0x1C100;
	s1 =	rddreg [dreg:$0x2];
	p1 =	por !p1, !p0;
	v3 =	vsel vm8, $0xAB00, v3;
	v0 =	vsel vm7, $0x380, v0;
	v1 =	vsel vm7, $0x3B80, v1  }
0x12: {  	s18 =	simm.s32 $0x0;
	[smem:$0x7FF] =	sst s2;
	p1 =	por !p1, !p1;
	v2 =	vsel vm7, $0x7380, v2;
	v3 =	vsel vm7, $0xAB80, v3;
	v0 =	vsel vm6, $0x1C00, v0  }
0x13: {  	_ =	strace $0x80000047;
	s4 =	ssub.s32 $0x2, s4;
	s3 =	simm.s32 @!p1 $0x0;
	v1 =	vsel vm6, $0x5400, v1;
	v2 =	vsel vm6, $0x8C00, v2;
	v3 =	vsel vm6, $0xC400, v3  }
0x14: {  	s10 =	simm.s32 @!p0 $0x0;
	s5 =	sshll.u32 s5, $0x4;
	s8 =	ssub.s32 s0, s3;
	v0 =	vsel vm5, $0x1C80, v0;
	v1 =	vsel vm5, $0x5480, v1;
	v2 =	vsel vm5, $0x8C80, v2  }
0x15: {  	s11 =	sshrl.u32 s4, $0x1;
	s3 =	sshll.u32 s8, $0x4;
	s8 =	smul.u32 $0x82000, s8;
	v3 =	vsel vm5, $0xC480, v3;
	v0 =	vsel vm4, $0x1D00, v0;
	v1 =	vsel vm4, $0x5500, v1  }
0x16: {  	s29 =	sadd.s32 s5, s6;
	s11 =	ssub.s32 s4, s11;
	s9 =	sand.u32 $0x1FFFFFF0, s3;
	v2 =	vsel vm4, $0x8D00, v2;
	v3 =	vsel vm4, $0xC500, v3;
	v0 =	vsel vm3, $0x1D80, v0  }
0x17: {  	s3 =	simm.s32 $0x1;
	s9 =	sadd.s32 s9, s6;
	s8 =	sadd.s32 s10, s8;
	v1 =	vsel vm3, $0x5580, v1;
	v2 =	vsel vm3, $0x8D80, v2;
	v3 =	vsel vm3, $0xC580, v3  }
0x18: {  	s10 =	simm.s32 $0x1C000;
	s30 =	sadd.s32 $0x9000, s8;
	s4 =	sadd.s32 $0x1400, s9;
	v0 =	vsel vm2, $0x1E00, v0;
	v1 =	vsel vm2, $0x5600, v1;
	v2 =	vsel vm2, $0x8E00, v2  }
0x19: {  	s8 =	sadd.s32 $0xAC00, s8;
	s5 =	sadd.s32 $0x1600, s9;
	s9 =	smax.u32 s11, $0x1;
	v3 =	vsel vm2, $0xC600, v3;
	v0 =	vsel vm0, $0x1E80, v0;
	v1 =	vsel vm0, $0x5680, v1  }
0x1a: {  	s11 =	simm.s32 $0x3;
	s31 =	sshrl.u32 s30, $0x3;
	s8 =	sshrl.u32 s8, $0x3;
	v2 =	vsel vm0, $0x8E80, v2;
	v3 =	vsel vm0, $0xC680, v3;
	v0 =	vsel vm1, $0x1F00, v0  }
0x1b: {  	s6 =	sadd.s32 s7, s31;
	s7 =	sadd.s32 s7, s8;
	s8 =	sadd.s32 $0x1800, s29;
	v1 =	vsel vm1, $0x5700, v1;
	v2 =	vsel vm1, $0x8F00, v2;
	v3 =	vsel vm1, $0xC700, v3  }
.LBB2_1:
0x1c: {  	[tilespmem:s10], [sflag:$0x3] =	stream.linear.gather [hbm4b:s4+s2], $0x80, $0x38;
	[tilespmem:$0x1C180] =	vst v63  }
0x1d: {  	_ =	swait.ge [sflag:s11], $0x80  }
0x1e: {  	[sflag:s11] =	ssyncset.done $0x0  }
0x1f: {  	[sflag:s11] =	ssyncadd.s32 $0xFFFFFF80  }
0x20: {  	[tilespmem:s12], [sflag:$0x3] =	stream.linear.gather [hbm4b:s5+s2], $0x80, $0x38;
	[tilespmem:$0x1C180] =	vst v63  }
0x21: {  	s19 =	simm.s32 $0x0;
	_ =	swait.ge [sflag:s11], $0x80  }
0x22: {  	v5 =	vmov s19;
	[sflag:s11] =	ssyncset.done $0x0  }
0x23: {  	v6 =	vshll.u32 v5, $0x3;
	[sflag:s11] =	ssyncadd.s32 $0xFFFFFF80  }
0x24: {  	v5 =	vand.u32 $0x7E, v5;
	v6 =	vand.u32 $0x1C00, v6;
	[tilespmem:s2], [sflag:$0x1] =	stream.strided.gather [hbm4b:s6+s13], $0xE000, s14, s13, $0x38;
	[tilespmem:$0x1C180] =	vst v63  }
0x25: {  	v7 =	vor.u32 v5, v6  }
0x26: {  	v9 =	vmov s3;
	v8 =	vadd.s32 v0, v7;
	[tilespmem:s15], [sflag:$0x2] =	stream.strided.gather [hbm4b:s7+s13], $0xE000, s14, s13, $0x38;
	[tilespmem:$0x1C180] =	vst v63  }
0x27: {  	v11 =	vshll.u32 v9, $0x3;
	v10 =	vadd.s32 v1, v7;
	v6 =	vld [tilespmem:$0x1C000]  }
0x28: {  	v9 =	vand.u32 $0x7F, v9;
	v11 =	vand.u32 $0x1C00, v11;
	v12 =	vadd.s32 v2, v7;
	v5 =	vld [tilespmem:$0x1C080];
	_ =	swait.ge [sflag:s3], $0xE000  }
0x29: {  	v9 =	vor.u32 v9, v11;
	v7 =	vadd.s32 v3, v7;
	[sflag:s3] =	ssyncset.done $0x0  }
0x2a: {  	v11 =	vadd.s32 v0, v9;
	[sflag:s3] =	ssyncadd.s32 $0xFFFF2000  }
0x2b: {  	v13 =	vadd.s32 v1, v9;
	v8 =	vld.idx.msk [tilespmem:v8+s2+$0x0], $0xffff  }
0x2c: {  	v14 =	vadd.s32 v2, v9;
	v10 =	vld.idx.msk [tilespmem:v10+s2+$0x0], $0xffff  }
0x2d: {  	v9 =	vadd.s32 v3, v9;
	v12 =	vld.idx.msk [tilespmem:v12+s2+$0x0], $0xffff  }
0x2e: {  	v7 =	vld.idx.msk [tilespmem:v7+s2+$0x0], $0xffff  }
0x2f: {  	v11 =	vld.idx.msk [tilespmem:v11+s2+$0x0], $0xffff  }
0x30: {  	v13 =	vld.idx.msk [tilespmem:v13+s2+$0x0], $0xffff;
	(xrf1) =	vsort.dscd.msk.f32 $0xffff, v8, v8  }
0x31: {  	v14 =	vld.idx.msk [tilespmem:v14+s2+$0x0], $0xffff;
	(xrf1) =	vsort.ascd.msk.f32 $0xffff, v10, v10  }
0x32: {  	v9 =	vld.idx.msk [tilespmem:v9+s2+$0x0], $0xffff;
	(xrf1) =	vsort.dscd.msk.f32 $0xffff, v12, v12  }
0x33: {  	(xrf1) =	vsort.ascd.msk.f32 $0xffff, v7, v7  }
0x34: {  	(xrf1) =	vsort.dscd.msk.f32 $0xffff, v11, v11  }
0x35: {  	(xrf1) =	vsort.ascd.msk.f32 $0xffff, v13, v13  }
0x36: {  	(xrf1) =	vsort.dscd.msk.f32 $0xffff, v14, v14  }
0x37: {  	(xrf1) =	vsort.ascd.msk.f32 $0xffff, v9, v9;
	_ =	sdelay $0x3  }
0x38: {  	s25 =	simm.s32 $0x2  }
0x39: {  	v7 =	vmov s25  }
0x3a: {  	v10 =	vshll.u32 v7, $0x3  }
0x3b: {  	v10 =	vand.u32 $0x1C00, v10;
	v9, _, _ =	vpop (xrf1)  }
0x3c: {  	v12, _, _ =	vpop (xrf1)  }
0x3d: {  	s26 =	simm.s32 $0x3;
	v7 =	vand.u32 $0x7E, v7;
	v13, _, _ =	vpop (xrf1)  }
0x3e: {  	v18 =	vmov s26;
	v7 =	vor.u32 v7, v10;
	v10, _, _ =	vpop (xrf1)  }
0x3f: {  	v19 =	vshll.u32 v18, $0x3;
	v14 =	vadd.s32 v0, v7;
	v16, _, _ =	vpop (xrf1)  }
0x40: {  	v15 =	vadd.s32 v1, v7;
	v17 =	vadd.s32 v2, v7;
	v10 =	vmax.f32 v13, v10;
	v13, _, _ =	vpop (xrf1)  }
0x41: {  	v7 =	vadd.s32 v3, v7;
	(xrf1) =	vsort.ascd.msk.f32 $0xffff, v10, v8;
	v10 =	vmax.f32 v16, v13;
	v13, _, _ =	vpop (xrf1)  }
0x42: {  	v9 =	vmax.f32 v9, v12;
	v16 =	vand.u32 $0x7F, v18;
	v18 =	vand.u32 $0x1C00, v19;
	v19, _, _ =	vpop (xrf1);
	(xrf1) =	vsort.dscd.msk.f32 $0xffff, v10, v11  }
0x43: {  	v10 =	vor.u32 v16, v18;
	v12 =	vmax.f32 v13, v19;
	(xrf1) =	vsort.dscd.msk.f32 $0xffff, v9, v8  }
0x44: {  	v9 =	vadd.s32 v0, v10;
	(xrf1) =	vsort.ascd.msk.f32 $0xffff, v12, v11  }
0x45: {  	v13 =	vadd.s32 v1, v10;
	v12 =	vld.idx.msk [tilespmem:v14+s2+$0x0], $0xffff  }
0x46: {  	v14 =	vld.idx.msk [tilespmem:v15+s2+$0x0], $0xffff;
	v15 =	vadd.s32 v2, v10  }
0x47: {  	v16 =	vld.idx.msk [tilespmem:v17+s2+$0x0], $0xffff;
	v10 =	vadd.s32 v3, v10  }
0x48: {  	v7 =	vld.idx.msk [tilespmem:v7+s2+$0x0], $0xffff  }
0x49: {  	v17 =	vld.idx.msk [tilespmem:v9+s2+$0x0], $0xffff  }
0x4a: {  	v9 =	vld.idx.msk [tilespmem:v13+s2+$0x0], $0xffff;
	(xrf1) =	vsort.dscd.msk.f32 $0xffff, v12, v12  }
0x4b: {  	v13 =	vld.idx.msk [tilespmem:v15+s2+$0x0], $0xffff;
	(xrf1) =	vsort.ascd.msk.f32 $0xffff, v14, v14  }
0x4c: {  	v10 =	vld.idx.msk [tilespmem:v10+s2+$0x0], $0xffff;
	(xrf1) =	vsort.dscd.msk.f32 $0xffff, v16, v16  }
0x4d: {  	(xrf1) =	vsort.ascd.msk.f32 $0xffff, v7, v7  }
0x4e: {  	(xrf1) =	vsort.dscd.msk.f32 $0xffff, v17, v17  }
0x4f: {  	v7, _, _ =	vpop (xrf1);
	(xrf1) =	vsort.ascd.msk.f32 $0xffff, v9, v9  }
0x50: {  	(xrf1) =	vsort.dscd.msk.f32 $0xffff, v13, v13;
	v9, _, _ =	vpop (xrf1)  }
0x51: {  	(xrf1) =	vsort.ascd.msk.f32 $0xffff, v10, v10;
	v10, _, _ =	vpop (xrf1)  }
0x52: {  	v7 =	vmax.f32 v10, v7;
	v10, _, _ =	vpop (xrf1)  }
0x53: {  	v9 =	vmax.f32 v9, v10;
	(xrf1) =	vsort.dscd.msk.f32 $0xffff, v7, v8  }
0x54: {  	(xrf1) =	vsort.dscd.msk.f32 $0xffff, v9, v11  }
0x55: {  	s28 =	simm.s32 $0x4  }
0x56: {  	v7 =	vmov s28  }
0x57: {  	v9 =	vshll.u32 v7, $0x3  }
0x58: {  	v9 =	vand.u32 $0x1C00, v9  }
0x59: {  	v8, _, _ =	vpop (xrf1)  }
0x5a: {  	v7 =	vand.u32 $0x7E, v7;
	v10, _, _ =	vpop (xrf1)  }
0x5b: {  	s29 =	simm.s32 $0x5;
	v7 =	vor.u32 v7, v9;
	v9, _, _ =	vpop (xrf1)  }
0x5c: {  	v18 =	vmov s29;
	v11 =	vadd.s32 v0, v7;
	v13, _, _ =	vpop (xrf1)  }
0x5d: {  	v19 =	vshll.u32 v18, $0x3;
	v14 =	vadd.s32 v1, v7;
	v15, _, _ =	vpop (xrf1)  }
0x5e: {  	v16 =	vadd.s32 v2, v7;
	v7 =	vadd.s32 v3, v7;
	v9 =	vmax.f32 v9, v13;
	v13, _, _ =	vpop (xrf1)  }
0x5f: {  	(xrf1) =	vsort.ascd.msk.f32 $0xffff, v9, v12;
	v9 =	vmax.f32 v15, v13;
	v13, _, _ =	vpop (xrf1);
	v15 =	vand.u32 $0x7F, v18;
	v18 =	vand.u32 $0x1C00, v19  }
0x60: {  	v8 =	vmax.f32 v8, v10;
	v19, _, _ =	vpop (xrf1);
	(xrf1) =	vsort.dscd.msk.f32 $0xffff, v9, v17;
	v9 =	vor.u32 v15, v18  }
0x61: {  	v11 =	vld.idx.msk [tilespmem:v11+s2+$0x0], $0xffff;
	v10 =	vmax.f32 v13, v19;
	(xrf1) =	vsort.dscd.msk.f32 $0xffff, v8, v12;
	v8 =	vadd.s32 v0, v9;
	v13, _, _ =	vpop (xrf1)  }
0x62: {  	v14 =	vld.idx.msk [tilespmem:v14+s2+$0x0], $0xffff;
	v13 =	vadd.f32 $1.000000020e-16, v13;
	v15, _, _ =	vpop (xrf1)  }
0x63: {  	(xrf1) =	vsort.ascd.msk.f32 $0xffff, v10, v17;
	v10 =	vadd.s32 v1, v9;
	v15 =	vadd.f32 $1.000000020e-16, v15  }
0x64: {  	v16 =	vld.idx.msk [tilespmem:v16+s2+$0x0], $0xffff;
	v18 =	vadd.s32 v2, v9;
	v19 =	vand.u32 $0x7FFFFF, v13  }
0x65: {  	v7 =	vld.idx.msk [tilespmem:v7+s2+$0x0], $0xffff;
	v20 =	vadd.s32 v3, v9;
	v19 =	vor.u32 $0x3F800000, v19;
	v21 =	vand.u32 $0x7FFFFF, v15  }
0x66: {  	(xrf1) =	vsort.dscd.msk.f32 $0xffff, v11, v11;
	v9 =	vld.idx.msk [tilespmem:v8+s2+$0x0], $0xffff;
	v8 =	vmul.f32 $5.000000000e-01, v19;
	v21 =	vor.u32 $0x3F800000, v21  }
0x67: {  	(xrf1) =	vsort.ascd.msk.f32 $0xffff, v14, v14;
	vm0 =	vgt.f32 v19, $1.500000000e+00;
	v22 =	vmul.f32 $5.000000000e-01, v21  }
0x68: {  	v10 =	vld.idx.msk [tilespmem:v10+s2+$0x0], $0xffff;
	vm1 =	vgt.f32 v21, $1.500000000e+00;
	v8 =	vsel vm0, v8, v19  }
0x69: {  	v14 =	vld.idx.msk [tilespmem:v18+s2+$0x0], $0xffff;
	(xrf1) =	vsort.dscd.msk.f32 $0xffff, v16, v16;
	v16 =	vadd.f32 $1.000000000e+00, v8;
	v18 =	vsel vm1, v22, v21  }
0x6a: {  	(xrf1) =	vsort.ascd.msk.f32 $0xffff, v7, v7;
	v19 =	vld.idx.msk [tilespmem:v20+s2+$0x0], $0xffff;
	v7 =	vadd.f32 $1.000000000e+00, v18;
	_ =	sdelay $0x1  }
0x6b: {  	(xrf1) =	vsort.dscd.msk.f32 $0xffff, v9, v9  }
0x6c: {  	(erf) = vrcp.f32 v16;
	v16, _, _ =	vpop (xrf1);
	(xrf1) =	vsort.ascd.msk.f32 $0xffff, v10, v10  }
0x6d: {  	(erf) = vrcp.f32 v7;
	v7, _, _ =	vpop (xrf1);
	(xrf1) =	vsort.dscd.msk.f32 $0xffff, v14, v14  }
0x6e: {  	v10, _, _ =	vpop (xrf1);
	(xrf1) =	vsort.ascd.msk.f32 $0xffff, v19, v19;
	_ =	sdelay $0x1  }
0x6f: {  	v10 =	vmax.f32 v10, v16;
	v14, _, _ =	vpop (xrf1)  }
0x70: {  	v7 =	vmax.f32 v7, v14;
	(xrf1) =	vsort.dscd.msk.f32 $0xffff, v10, v12  }
0x71: {  	s31 =	simm.s32 $0x7;
	(xrf1) =	vsort.dscd.msk.f32 $0xffff, v7, v17;
	v7 =	vshrl.u32 v15, $0x17  }
0x72: {  	v22 =	vmov s31;
	v12, _, _ =	vpop (xrf1);
	v7 =	vand.u32 $0xFF, v7  }
0x73: {  	s30 =	simm.s32 $0x6;
	v18 =	vadd.f32 $-1.000000000e+00, v18;
	v15 =	vsel vm1, $0x3F800000, v4;
	v19, _, _ =	vpop (xrf1);
	v7 =	vadd.s32 $0xFFFFFF81, v7  }
0x74: {  	v10 =	vshrl.u32 v13, $0x17;
	v13 =	vmov s30;
	v14 =	vpop (erf);
	v7 =	vcvt.s32.f32 v7  }
0x75: {  	v10 =	vand.u32 $0xFF, v10;
	v16 =	vshll.u32 v13, $0x3;
	v13 =	vand.u32 $0x7E, v13;
	v17 =	vpop (erf)  }
0x76: {  	v16 =	vand.u32 $0x1C00, v16;
	v10 =	vadd.s32 $0xFFFFFF81, v10;
	v7 =	vadd.f32 v7, v15;
	v15, _, _ =	vpop (xrf1)  }
0x77: {  	v13 =	vor.u32 v13, v16;
	v16 =	vadd.f32 $-1.000000000e+00, v8;
	v8 =	vmul.f32 v17, v18;
	v18, _, _ =	vpop (xrf1)  }
0x78: {  	v12 =	vmax.f32 v12, v19;
	v23, _, _ =	vpop (xrf1);
	v15 =	vmax.f32 v15, v18;
	v18 =	vshll.u32 v22, $0x3  }
0x79: {  	v20 =	vadd.s32 v1, v13;
	v22 =	vand.u32 $0x7F, v22;
	(xrf1) =	vsort.ascd.msk.f32 $0xffff, v15, v11;
	v15 =	vand.u32 $0x1C00, v18;
	v24, _, _ =	vpop (xrf1)  }
0x7a: {  	v18 =	vmax.f32 v23, v24;
	v23 =	vcvt.s32.f32 v10;
	v10 =	vmul.f32 v14, v16;
	v14, _, _ =	vpop (xrf1)  }
0x7b: {  	v17 =	vadd.s32 v0, v13;
	v15 =	vor.u32 v22, v15;
	v22 =	vmul.f32 v8, v8;
	v16, _, _ =	vpop (xrf1)  }
0x7c: {  	v21 =	vadd.s32 v2, v13;
	v13 =	vadd.s32 v3, v13;
	v14 =	vmax.f32 v14, v16  }
0x7d: {  	v19 =	vsel vm0, $0x3F800000, v4;
	v26 =	vadd.s32 v2, v15;
	(xrf1) =	vsort.dscd.msk.f32 $0xffff, v18, v9;
	v25 =	vmul.f32 $2.222222240e-01, v22  }
0x7e: {  	v20 =	vld.idx.msk [tilespmem:v20+s2+$0x0], $0xffff;
	v29 =	vadd.s32 v3, v15;
	v55 =	vmul.f32 v10, v10;
	(xrf1) =	vsort.dscd.msk.f32 $0xffff, v12, v11;
	v12, _, _ =	vpop (xrf1)  }
0x7f: {  	v18 =	vadd.s32 v0, v15;
	v16 =	vadd.s32 v1, v15;
	(xrf1) =	vsort.ascd.msk.f32 $0xffff, v14, v9;
	v15 =	vadd.f32 $2.857142980e-01, v25;
	v14, _, _ =	vpop (xrf1)  }
0x80: {  	v12 =	vadd.f32 $1.000000020e-16, v12;
	v27 =	vmul.f32 $2.222222240e-01, v55;
	v28 =	vadd.f32 $1.000000020e-16, v14;
	v14 =	vld.idx.msk [tilespmem:v17+s2+$0x0], $0xffff  }
0x81: {  	v31 =	vld.idx.msk [tilespmem:v13+s2+$0x0], $0xffff;
	v13 =	vadd.f32 v23, v19;
	v30 =	vmul.f32 v15, v22  }
0x82: {  	v21 =	vld.idx.msk [tilespmem:v21+s2+$0x0], $0xffff;
	v17 =	vand.u32 $0x7FFFFF, v12;
	v56 =	vadd.f32 $2.857142980e-01, v27;
	v12 =	vshrl.u32 v12, $0x17  }
0x83: {  	v17 =	vor.u32 $0x3F800000, v17;
	v23 =	vadd.f32 $4.000000060e-01, v30;
	v57 =	vand.u32 $0x7FFFFF, v28  }
0x84: {  	v18 =	vld.idx.msk [tilespmem:v18+s2+$0x0], $0xffff;
	v15 =	vmul.f32 $5.000000000e-01, v17;
	v25 =	vmul.f32 v56, v55;
	v27 =	vor.u32 $0x3F800000, v57  }
0x85: {  	v16 =	vld.idx.msk [tilespmem:v16+s2+$0x0], $0xffff;
	vm14 =	vgt.f32 v17, $1.500000000e+00;
	v59 =	vshrl.u32 v28, $0x17;
	v32 =	vmul.f32 $5.000000000e-01, v27;
	(xrf1) =	vsort.dscd.msk.f32 $0xffff, v14, v14  }
0x86: {  	vm15 =	vgt.f32 v27, $1.500000000e+00;
	v15 =	vsel vm14, v15, v17;
	v19 =	vadd.f32 $4.000000060e-01, v25;
	(xrf1) =	vsort.ascd.msk.f32 $0xffff, v20, v20  }
0x87: {  	v20 =	vadd.f32 $1.000000000e+00, v15;
	(xrf1) =	vsort.dscd.msk.f32 $0xffff, v21, v21;
	v21 =	vmul.f32 v23, v22;
	v23 =	vand.u32 $0xFF, v59  }
0x88: {  	v58 =	vld.idx.msk [tilespmem:v26+s2+$0x0], $0xffff;
	v12 =	vand.u32 $0xFF, v12;
	v17 =	vsel vm15, v32, v27;
	(xrf1) =	vsort.ascd.msk.f32 $0xffff, v31, v31  }
0x89: {  	v60 =	vld.idx.msk [tilespmem:v29+s2+$0x0], $0xffff;
	v19 =	vmul.f32 v19, v55;
	(erf) = vrcp.f32 v20;
	v20 =	vadd.s32 $0xFFFFFF81, v23;
	(xrf1) =	vsort.dscd.msk.f32 $0xffff, v18, v18  }
0x8a: {  	v27 =	vadd.f32 $1.000000000e+00, v17;
	v23, _, _ =	vpop (xrf1);
	(xrf1) =	vsort.ascd.msk.f32 $0xffff, v16, v16;
	v16 =	vcvt.s32.f32 v20;
	v20 =	vadd.f32 $6.666666860e-01, v21  }
0x8b: {  	v12 =	vadd.s32 $0xFFFFFF81, v12;
	v19 =	vadd.f32 $6.666666860e-01, v19  }
0x8c: {  	v12 =	vcvt.s32.f32 v12;
	(erf) = vrcp.f32 v27;
	v61, _, _ =	vpop (xrf1)  }
0x8d: {  	v63 =	vsel vm14, $0x3F800000, v4;
	v19 =	vmul.f32 v19, v55;
	(xrf1) =	vsort.dscd.msk.f32 $0xffff, v58, v58;
	v62, _, _ =	vpop (xrf1)  }
0x8e: {  	v12 =	vadd.f32 v12, v63;
	v21 =	vsel vm15, $0x3F800000, v4;
	v22 =	vmul.f32 v20, v22;
	v20, _, _ =	vpop (xrf1);
	(xrf1) =	vsort.ascd.msk.f32 $0xffff, v60, v60  }
0x8f: {  	v16 =	vadd.f32 v16, v21;
	v21 =	vadd.f32 $2.000000000e+00, v19;
	v23 =	vmax.f32 v62, v23  }
0x90: {  	s19 =	simm.s32 $0x9;
	v22 =	vadd.f32 $2.000000000e+00, v22;
	v20 =	vmax.f32 v61, v20;
	(xrf1) =	vsort.dscd.msk.f32 $0xffff, v23, v11;
	v11 =	vimm.f32 $0.0e+00  }
.LBB2_2:
0x91: {  	s20 =	sadd.s32 $0xFFFFFFFF, s19;
	(xrf1) =	vsort.dscd.msk.f32 $0xffff, v20, v9  }
0x92: {  	p0 =	sne.s32 s19, $0x37F;
	v13 =	vmul.f32 $6.931471820e-01, v13;
	v20 =	vmul.f32 $6.931471820e-01, v7;
	v19 =	vmovc v14;
	v9 =	vmovc v18;
	v7 =	vmov v16;
	s21 =	smov.u32 s19;
	s19 =	sadd.s32 $0x2, s19  }
0x93: {  	v15 =	vadd.f32 $-1.000000000e+00, v15;
	v14 =	vmov s20;
	v16, _, _ =	vpop (xrf1);
	v8 =	vmul.f32 v22, v8  }
0x94: {  	v17 =	vadd.f32 $-1.000000000e+00, v17;
	v10 =	vmul.f32 v21, v10;
	v24 =	vshll.u32 v14, $0x3;
	v22 =	vpop (erf)  }
0x95: {  	v14 =	vand.u32 $0x7E, v14;
	v23 =	vand.u32 $0x1C00, v24;
	v21 =	vpop (erf);
	v20 =	vadd.f32 v8, v20  }
0x96: {  	v10 =	vadd.f32 v10, v13;
	v25 =	vor.u32 v14, v23;
	v18, _, _ =	vpop (xrf1);
	v8 =	vmul.f32 v21, v17  }
0x97: {  	v13 =	vadd.s32 v0, v25;
	v17 =	vadd.s32 v1, v25;
	v21, _, _ =	vpop (xrf1);
	v20 =	vmul.f32 v20, v6  }
0x98: {  	v23 =	vadd.s32 v2, v25;
	v24 =	vadd.s32 v3, v25;
	v25 =	vmul.f32 v10, v6;
	v14, _, _ =	vpop (xrf1)  }
0x99: {  	v10 =	vmov s21;
	v28 =	vmax.f32 v21, v14;
	v21, _, _ =	vpop (xrf1);
	v20 =	vsub.f32 v5, v20  }
0x9a: {  	v26 =	vand.u32 $0x7F, v10;
	v27 =	vshll.u32 v10, $0x3;
	v10 =	vmul.f32 v22, v15;
	(xrf1) =	vsort.ascd.msk.f32 $0xffff, v28, v19;
	v14, _, _ =	vpop (xrf1)  }
0x9b: {  	v15 =	vand.u32 $0x1C00, v27;
	v22 =	vsub.f32 v5, v25;
	v14 =	vmax.f32 v21, v14;
	v21, _, _ =	vpop (xrf1)  }
0x9c: {  	v15 =	vor.u32 v26, v15;
	v26 =	vmul.f32 v8, v8;
	v20 =	vand.u32 $0x7FFFFFFF, v20;
	v25, _, _ =	vpop (xrf1);
	(xrf1) =	vsort.dscd.msk.f32 $0xffff, v14, v9  }
0x9d: {  	v29 =	vmul.f32 v10, v10;
	v27 =	vadd.s32 v0, v15;
	v28 =	vadd.s32 v1, v15;
	v14 =	vld.idx.msk [tilespmem:v13+s2+$0x0], $0xffff  }
0x9e: {  	v31 =	vmax.f32 v16, v18;
	v30 =	vadd.s32 v2, v15;
	v15 =	vadd.s32 v3, v15;
	v17 =	vld.idx.msk [tilespmem:v17+s2+$0x0], $0xffff  }
0x9f: {  	v22 =	vand.u32 $0x7FFFFFFF, v22;
	v18 =	vmax.f32 v21, v25;
	v21 =	vmul.f32 $2.222222240e-01, v26;
	v16 =	vld.idx.msk [tilespmem:v24+s2+$0x0], $0xffff;
	(xrf1) =	vsort.dscd.msk.f32 $0xffff, v31, v19;
	v13, _, _ =	vpop (xrf1)  }
0xa0: {  	v20 =	vadd.f32 v20, v22;
	v25 =	vmul.f32 $2.222222240e-01, v29;
	(xrf1) =	vsort.ascd.msk.f32 $0xffff, v18, v9;
	v24 =	vadd.f32 $1.000000020e-16, v13;
	v13, _, _ =	vpop (xrf1)  }
0xa1: {  	v21 =	vadd.f32 $2.857142980e-01, v21;
	v22 =	vld.idx.msk [tilespmem:v23+s2+$0x0], $0xffff;
	v23 =	vadd.f32 $1.000000020e-16, v13;
	v13 =	vmov v12  }
0xa2: {  	v11 =	vadd.f32 v20, v11;
	v25 =	vadd.f32 $2.857142980e-01, v25;
	v18 =	vld.idx.msk [tilespmem:v27+s2+$0x0], $0xffff;
	v12 =	vand.u32 $0x7FFFFF, v24  }
0xa3: {  	v21 =	vmul.f32 v21, v26;
	v20 =	vld.idx.msk [tilespmem:v30+s2+$0x0], $0xffff;
	(xrf1) =	vsort.dscd.msk.f32 $0xffff, v14, v14;
	v12 =	vor.u32 $0x3F800000, v12;
	v27 =	vand.u32 $0x7FFFFF, v23  }
0xa4: {  	v25 =	vmul.f32 v25, v29;
	v28 =	vld.idx.msk [tilespmem:v28+s2+$0x0], $0xffff;
	v30 =	vmul.f32 $5.000000000e-01, v12;
	v27 =	vor.u32 $0x3F800000, v27  }
0xa5: {  	vm0 =	vgt.f32 v12, $1.500000000e+00;
	vm1 =	vgt.f32 v27, $1.500000000e+00;
	v31 =	vmul.f32 $5.000000000e-01, v27  }
0xa6: {  	v21 =	vadd.f32 $4.000000060e-01, v21;
	v32 =	vld.idx.msk [tilespmem:v15+s2+$0x0], $0xffff;
	(xrf1) =	vsort.ascd.msk.f32 $0xffff, v17, v17;
	v15 =	vsel vm0, v30, v12;
	v12 =	vadd.f32 $4.000000060e-01, v25  }
0xa7: {  	v23 =	vshrl.u32 v23, $0x17;
	(xrf1) =	vsort.dscd.msk.f32 $0xffff, v22, v22;
	v30 =	vadd.f32 $1.000000000e+00, v15;
	v17 =	vsel vm1, v31, v27  }
0xa8: {  	v21 =	vmul.f32 v21, v26;
	(xrf1) =	vsort.ascd.msk.f32 $0xffff, v16, v16;
	v25, _, _ =	vpop (xrf1);
	v16 =	vadd.f32 $1.000000000e+00, v17;
	v12 =	vmul.f32 v12, v29  }
0xa9: {  	v24 =	vshrl.u32 v24, $0x17;
	v23 =	vand.u32 $0xFF, v23;
	(xrf1) =	vsort.dscd.msk.f32 $0xffff, v18, v18;
	(erf) = vrcp.f32 v30  }
0xaa: {  	v23 =	vadd.s32 $0xFFFFFF81, v23;
	(xrf1) =	vsort.ascd.msk.f32 $0xffff, v28, v28;
	v22, _, _ =	vpop (xrf1);
	(erf) = vrcp.f32 v16;
	v12 =	vadd.f32 $6.666666860e-01, v12  }
.Ltmp0:
0xab: {  	v21 =	vadd.f32 $6.666666860e-01, v21;
	v16 =	vand.u32 $0xFF, v24;
	v28 =	vcvt.s32.f32 v23;
	(xrf1) =	vsort.dscd.msk.f32 $0xffff, v20, v20;
	(pc) =	sbr.rel @p0 .LBB2_2-.Ltmp0, $4  }
0xac: {  	v23 =	vsel vm1, $0x3F800000, v4;
	v16 =	vadd.s32 $0xFFFFFF81, v16;
	(xrf1) =	vsort.ascd.msk.f32 $0xffff, v32, v32;
	v12 =	vmul.f32 v12, v29  }
0xad: {  	v27 =	vcvt.s32.f32 v16;
	v16 =	vadd.f32 v28, v23;
	v23 =	vmul.f32 v21, v26;
	v24, _, _ =	vpop (xrf1)  }
0xae: {  	v24 =	vmax.f32 v24, v25;
	v20, _, _ =	vpop (xrf1);
	v25 =	vsel vm0, $0x3F800000, v4;
	v21 =	vadd.f32 $2.000000000e+00, v12  }
0xaf: {  	v20 =	vmax.f32 v22, v20;
	(xrf1) =	vsort.dscd.msk.f32 $0xffff, v24, v19;
	v12 =	vadd.f32 v27, v25;
	v22 =	vadd.f32 $2.000000000e+00, v23  }
0xb0: {  	_ =	sdelay $0x2  }
0xb1: {  	v19, _, _ =	vpop (xrf1)  }
0xb2: {  	v23, _, _ =	vpop (xrf1)  }
0xb3: {  	v24, _, _ =	vpop (xrf1)  }
0xb4: {  	v25, _, _ =	vpop (xrf1)  }
0xb5: {  	v26, _, _ =	vpop (xrf1)  }
0xb6: {  	(xrf1) =	vsort.dscd.msk.f32 $0xffff, v20, v9;
	v9 =	vmax.f32 v24, v25;
	v20, _, _ =	vpop (xrf1)  }
0xb7: {  	(xrf1) =	vsort.ascd.msk.f32 $0xffff, v9, v14;
	v9 =	vmax.f32 v26, v20;
	v20, _, _ =	vpop (xrf1)  }
0xb8: {  	v60, _, _ =	vpop (xrf1);
	(xrf1) =	vsort.dscd.msk.f32 $0xffff, v9, v18;
	v9 =	vmax.f32 v19, v23  }
0xb9: {  	v19 =	vmax.f32 v20, v60;
	(xrf1) =	vsort.dscd.msk.f32 $0xffff, v9, v14  }
0xba: {  	(xrf1) =	vsort.ascd.msk.f32 $0xffff, v19, v18;
	_ =	sdelay $0x8  }
0xbb: {  	v9, _, _ =	vpop (xrf1)  }
0xbc: {  	v19, _, _ =	vpop (xrf1)  }
0xbd: {  	v20, _, _ =	vpop (xrf1)  }
0xbe: {  	v23, _, _ =	vpop (xrf1)  }
0xbf: {  	v61, _, _ =	vpop (xrf1)  }
0xc0: {  	v20 =	vmax.f32 v61, v20;
	v62, _, _ =	vpop (xrf1)  }
0xc1: {  	v23 =	vmax.f32 v23, v62;
	(xrf1) =	vsort.dscd.msk.f32 $0xffff, v20, v14  }
0xc2: {  	(xrf1) =	vsort.dscd.msk.f32 $0xffff, v23, v18;
	_ =	sdelay $0x7  }
0xc3: {  	v23 =	vadd.f32 $1.000000020e-16, v9;
	_ =	sdelay $0x1  }
0xc4: {  	v9 =	vand.u32 $0x7FFFFF, v23;
	_ =	sdelay $0x1  }
0xc5: {  	v63 =	vadd.f32 $1.000000020e-16, v19  }
0xc6: {  	v18 =	vor.u32 $0x3F800000, v9;
	v9, _, _ =	vpop (xrf1)  }
0xc7: {  	v14 =	vand.u32 $0x7FFFFF, v63;
	v19 =	vmul.f32 $5.000000000e-01, v18;
	v9 =	vadd.f32 $1.000000020e-16, v9;
	v20, _, _ =	vpop (xrf1)  }
0xc8: {  	v37 =	vor.u32 $0x3F800000, v14;
	vm2 =	vgt.f32 v18, $1.500000000e+00;
	v14 =	vadd.f32 $1.000000020e-16, v20  }
0xc9: {  	vm3 =	vgt.f32 v37, $1.500000000e+00;
	v27 =	vsel vm2, v19, v18;
	v38 =	vand.u32 $0x7FFFFF, v9  }
0xca: {  	v20 =	vmul.f32 $5.000000000e-01, v37;
	v18 =	vor.u32 $0x3F800000, v38;
	v19 =	vand.u32 $0x7FFFFF, v14  }
0xcb: {  	v39 =	vadd.f32 $1.000000000e+00, v27;
	v28 =	vmul.f32 $5.000000000e-01, v18;
	v19 =	vor.u32 $0x3F800000, v19  }
0xcc: {  	v25 =	vsel vm3, v20, v37;
	vm0 =	vgt.f32 v18, $1.500000000e+00;
	v20 =	vmul.f32 $5.000000000e-01, v19  }
0xcd: {  	v29 =	vadd.f32 $1.000000000e+00, v25;
	vm1 =	vgt.f32 v19, $1.500000000e+00;
	v18 =	vsel vm0, v28, v18  }
0xce: {  	(erf) = vrcp.f32 v39;
	v40 =	vadd.f32 $1.000000000e+00, v18;
	v19 =	vsel vm1, v20, v19  }
0xcf: {  	(erf) = vrcp.f32 v29;
	v20 =	vadd.f32 $1.000000000e+00, v19  }
0xd0: {  	(erf) = vrcp.f32 v40  }
0xd1: {  	(erf) = vrcp.f32 v20;
	_ =	sdelay $0x2  }
0xd2: {  	s19 =	simm.s32 $0x0  }
0xd3: {  	v41 =	vpop (erf);
	v20 =	vmov s19  }
0xd4: {  	v42 =	vpop (erf);
	v43 =	vshll.u32 v20, $0x3  }
0xd5: {  	v15 =	vadd.f32 $-1.000000000e+00, v15;
	v30 =	vpop (erf);
	v20 =	vand.u32 $0x7E, v20;
	v29 =	vand.u32 $0x1C00, v43  }
0xd6: {  	v32 =	vadd.f32 $-1.000000000e+00, v17;
	s24 =	simm.s32 $0x1;
	v7 =	vmul.f32 $6.931471820e-01, v7;
	v29 =	vor.u32 v20, v29;
	v31 =	vpop (erf)  }
0xd7: {  	v35 =	vmov s24;
	v26 =	vmul.f32 v41, v15;
	v33 =	vadd.s32 v0, v29;
	v17 =	vpop (erf)  }
0xd8: {  	v15 =	vshll.u32 v35, $0x3;
	v28 =	vmul.f32 v42, v32;
	v44 =	vadd.s32 v1, v29;
	v20 =	vpop (erf)  }
0xd9: {  	v35 =	vand.u32 $0x7F, v35;
	v15 =	vand.u32 $0x1C00, v15;
	v34 =	vadd.s32 v2, v29;
	_ =	swait.ge [sflag:s16], $0xE000  }
0xda: {  	v35 =	vor.u32 v35, v15;
	v36 =	vmul.f32 v28, v28;
	v29 =	vadd.s32 v3, v29;
	[sflag:s16] =	ssyncset.done $0x0  }
0xdb: {  	v10 =	vmul.f32 v21, v10;
	v37 =	vmul.f32 v26, v26;
	v38 =	vadd.s32 v0, v35;
	[sflag:s16] =	ssyncadd.s32 $0xFFFF2000  }
0xdc: {  	v13 =	vmul.f32 $6.931471820e-01, v13;
	v39 =	vadd.s32 v1, v35;
	v45 =	vmul.f32 $2.222222240e-01, v36;
	v15 =	vld.idx.msk [tilespmem:v33+s15+$0x0], $0xffff  }
0xdd: {  	v8 =	vmul.f32 v22, v8;
	v46 =	vadd.s32 v2, v35;
	v22 =	vmul.f32 $2.222222240e-01, v37;
	v32 =	vld.idx.msk [tilespmem:v44+s15+$0x0], $0xffff  }
0xde: {  	v10 =	vadd.f32 v10, v13;
	v35 =	vadd.s32 v3, v35;
	v21 =	vadd.f32 $2.857142980e-01, v45;
	v34 =	vld.idx.msk [tilespmem:v34+s15+$0x0], $0xffff  }
0xdf: {  	v7 =	vadd.f32 v8, v7;
	v22 =	vadd.f32 $2.857142980e-01, v22;
	v29 =	vld.idx.msk [tilespmem:v29+s15+$0x0], $0xffff  }
0xe0: {  	v10 =	vmul.f32 v10, v6;
	v21 =	vmul.f32 v21, v36;
	v8 =	vld.idx.msk [tilespmem:v38+s15+$0x0], $0xffff  }
0xe1: {  	v7 =	vmul.f32 v7, v6;
	v13 =	vmul.f32 v22, v37;
	v22 =	vld.idx.msk [tilespmem:v39+s15+$0x0], $0xffff;
	(xrf1) =	vsort.dscd.msk.f32 $0xffff, v15, v15  }
0xe2: {  	v10 =	vsub.f32 v5, v10;
	v21 =	vadd.f32 $4.000000060e-01, v21;
	v47 =	vld.idx.msk [tilespmem:v46+s15+$0x0], $0xffff;
	(xrf1) =	vsort.ascd.msk.f32 $0xffff, v32, v32  }
0xe3: {  	v7 =	vsub.f32 v5, v7;
	v13 =	vadd.f32 $4.000000060e-01, v13;
	v48 =	vld.idx.msk [tilespmem:v35+s15+$0x0], $0xffff;
	(xrf1) =	vsort.dscd.msk.f32 $0xffff, v34, v34  }
0xe4: {  	v21 =	vmul.f32 v21, v36;
	(xrf1) =	vsort.ascd.msk.f32 $0xffff, v29, v29  }
0xe5: {  	v10 =	vand.u32 $0x7FFFFFFF, v10;
	v7 =	vand.u32 $0x7FFFFFFF, v7;
	v13 =	vmul.f32 v13, v37;
	(xrf1) =	vsort.dscd.msk.f32 $0xffff, v8, v8  }
0xe6: {  	v7 =	vadd.f32 v7, v10;
	v21 =	vadd.f32 $6.666666860e-01, v21;
	(xrf1) =	vsort.ascd.msk.f32 $0xffff, v22, v22  }
0xe7: {  	v16 =	vmul.f32 $6.931471820e-01, v16;
	v12 =	vmul.f32 $6.931471820e-01, v12;
	v13 =	vadd.f32 $6.666666860e-01, v13;
	(xrf1) =	vsort.dscd.msk.f32 $0xffff, v47, v47  }
0xe8: {  	s26 =	simm.s32 $0x3;
	v7 =	vadd.f32 v7, v11;
	v11 =	vshrl.u32 v63, $0x17;
	v10 =	vmul.f32 v21, v36;
	(xrf1) =	vsort.ascd.msk.f32 $0xffff, v48, v48  }
0xe9: {  	v56 =	vmov s26;
	v11 =	vand.u32 $0xFF, v11;
	v13 =	vmul.f32 v13, v37  }
0xea: {  	v59 =	vshll.u32 v56, $0x3;
	v11 =	vadd.s32 $0xFFFFFF81, v11;
	v10 =	vadd.f32 $2.000000000e+00, v10  }
0xeb: {  	v11 =	vcvt.s32.f32 v11;
	v23 =	vshrl.u32 v23, $0x17;
	v13 =	vadd.f32 $2.000000000e+00, v13  }
0xec: {  	v23 =	vand.u32 $0xFF, v23;
	v9 =	vshrl.u32 v9, $0x17;
	v10 =	vmul.f32 v10, v28  }
0xed: {  	v14 =	vshrl.u32 v14, $0x17;
	v9 =	vand.u32 $0xFF, v9;
	v13 =	vmul.f32 v13, v26  }
0xee: {  	v49 =	vadd.f32 $-1.000000000e+00, v25;
	v14 =	vand.u32 $0xFF, v14;
	v10 =	vadd.f32 v10, v16  }
0xef: {  	s25 =	simm.s32 $0x2;
	v9 =	vadd.s32 $0xFFFFFF81, v9;
	v14 =	vadd.s32 $0xFFFFFF81, v14;
	v12 =	vadd.f32 v13, v12;
	v51, _, _ =	vpop (xrf1)  }
0xf0: {  	v13 =	vmul.f32 v31, v49;
	v50 =	vmul.f32 v10, v6;
	v10 =	vmov s25;
	v53, _, _ =	vpop (xrf1)  }
0xf1: {  	v16 =	vadd.s32 $0xFFFFFF81, v23;
	v23 =	vadd.f32 $-1.000000000e+00, v27;
	v52 =	vshll.u32 v10, $0x3;
	v54, _, _ =	vpop (xrf1)  }
0xf2: {  	v18 =	vadd.f32 $-1.000000000e+00, v18;
	v10 =	vand.u32 $0x7E, v10;
	v26 =	vand.u32 $0x1C00, v52;
	v55, _, _ =	vpop (xrf1)  }
0xf3: {  	v28 =	vmul.f32 v13, v13;
	v23 =	vmul.f32 v30, v23;
	v10 =	vor.u32 v10, v26;
	v58, _, _ =	vpop (xrf1)  }
0xf4: {  	v57 =	vadd.s32 v0, v10;
	v60 =	vadd.s32 v1, v10;
	v26 =	vmax.f32 v54, v55;
	v61, _, _ =	vpop (xrf1)  }
0xf5: {  	v31 =	vand.u32 $0x7F, v56;
	v62 =	vadd.s32 v2, v10;
	(xrf1) =	vsort.ascd.msk.f32 $0xffff, v26, v15;
	v26 =	vmax.f32 v58, v61;
	v63, _, _ =	vpop (xrf1)  }
0xf6: {  	v33 =	vand.u32 $0x1C00, v59;
	v41 =	vadd.s32 v3, v10;
	v25 =	vmax.f32 v51, v53;
	(xrf1) =	vsort.dscd.msk.f32 $0xffff, v26, v8;
	v10, _, _ =	vpop (xrf1)  }
0xf7: {  	v31 =	vor.u32 v31, v33;
	v42 =	vmul.f32 $2.222222240e-01, v28;
	v43 =	vmax.f32 v63, v10;
	(xrf1) =	vsort.dscd.msk.f32 $0xffff, v25, v15  }
0xf8: {  	v19 =	vadd.f32 $-1.000000000e+00, v19;
	v44 =	vadd.s32 v0, v31;
	v30 =	vmul.f32 v23, v23;
	(xrf1) =	vsort.ascd.msk.f32 $0xffff, v43, v8  }
0xf9: {  	v46 =	vadd.s32 v1, v31;
	v16 =	vcvt.s32.f32 v16;
	v26 =	vadd.f32 $2.857142980e-01, v42;
	v10 =	vld.idx.msk [tilespmem:v57+s15+$0x0], $0xffff  }
0xfa: {  	v22 =	vsel vm2, $0x3F800000, v4;
	v40 =	vmul.f32 $2.222222240e-01, v30;
	v48 =	vadd.s32 v2, v31;
	v47 =	vld.idx.msk [tilespmem:v60+s15+$0x0], $0xffff  }
0xfb: {  	v16 =	vadd.f32 v16, v22;
	v31 =	vadd.s32 v3, v31;
	v49 =	vld.idx.msk [tilespmem:v62+s15+$0x0], $0xffff;
	v22 =	vmul.f32 v26, v28  }
0xfc: {  	v21 =	vsel vm3, $0x3F800000, v4;
	v24 =	vsub.f32 v5, v50;
	v45 =	vadd.f32 $2.857142980e-01, v40;
	v50 =	vld.idx.msk [tilespmem:v41+s15+$0x0], $0xffff  }
0xfd: {  	v17 =	vmul.f32 v17, v18;
	v21 =	vadd.f32 v11, v21;
	v11 =	vld.idx.msk [tilespmem:v44+s15+$0x0], $0xffff;
	v22 =	vadd.f32 $4.000000060e-01, v22  }
0xfe: {  	v12 =	vmul.f32 v12, v6;
	v51 =	vld.idx.msk [tilespmem:v46+s15+$0x0], $0xffff;
	v25 =	vmul.f32 v45, v30;
	(xrf1) =	vsort.dscd.msk.f32 $0xffff, v10, v10  }
0xff: {  	v19 =	vmul.f32 v20, v19;
	v52 =	vld.idx.msk [tilespmem:v48+s15+$0x0], $0xffff;
	v22 =	vmul.f32 v22, v28;
	(xrf1) =	vsort.ascd.msk.f32 $0xffff, v47, v47  }
0x100: {  	v9 =	vcvt.s32.f32 v9;
	v12 =	vsub.f32 v5, v12;
	v53 =	vld.idx.msk [tilespmem:v31+s15+$0x0], $0xffff;
	v25 =	vadd.f32 $4.000000060e-01, v25;
	(xrf1) =	vsort.dscd.msk.f32 $0xffff, v49, v49  }
0x101: {  	v14 =	vcvt.s32.f32 v14;
	v54 =	vmul.f32 v17, v17;
	v22 =	vadd.f32 $6.666666860e-01, v22;
	(xrf1) =	vsort.ascd.msk.f32 $0xffff, v50, v50  }
0x102: {  	v20 =	vmul.f32 v19, v19;
	v12 =	vand.u32 $0x7FFFFFFF, v12;
	v25 =	vmul.f32 v25, v30;
	(xrf1) =	vsort.dscd.msk.f32 $0xffff, v11, v11  }
0x103: {  	v24 =	vand.u32 $0x7FFFFFFF, v24;
	v58 =	vmul.f32 $2.222222240e-01, v54;
	v22 =	vmul.f32 v22, v28;
	(xrf1) =	vsort.ascd.msk.f32 $0xffff, v51, v51;
	v55, _, _ =	vpop (xrf1)  }
0x104: {  	v12 =	vadd.f32 v24, v12;
	v16 =	vmul.f32 $6.931471820e-01, v16;
	v18 =	vadd.f32 $6.666666860e-01, v25;
	(xrf1) =	vsort.dscd.msk.f32 $0xffff, v52, v52;
	v59, _, _ =	vpop (xrf1)  }
0x105: {  	v57 =	vmul.f32 $2.222222240e-01, v20;
	v61 =	vadd.f32 $2.857142980e-01, v58;
	v22 =	vadd.f32 $2.000000000e+00, v22;
	(xrf1) =	vsort.ascd.msk.f32 $0xffff, v53, v53;
	v60, _, _ =	vpop (xrf1)  }
0x106: {  	v63 =	vsel vm0, $0x3F800000, v4;
	v18 =	vmul.f32 v18, v30;
	v24 =	vmax.f32 v60, v55;
	v62, _, _ =	vpop (xrf1)  }
0x107: {  	v27 =	vadd.f32 $2.857142980e-01, v57;
	v13 =	vmul.f32 v22, v13;
	v26 =	vmax.f32 v59, v62;
	(xrf1) =	vsort.dscd.msk.f32 $0xffff, v24, v15  }
0x108: {  	v15 =	vadd.f32 $2.000000000e+00, v18;
	(xrf1) =	vsort.dscd.msk.f32 $0xffff, v26, v8;
	v8 =	vadd.f32 v9, v63;
	v9 =	vmul.f32 $6.931471820e-01, v21  }
0x109: {  	s28 =	simm.s32 $0x4;
	v31 =	vmul.f32 v61, v54;
	v18 =	vmul.f32 v27, v20  }
0x10a: {  	v15 =	vmul.f32 v15, v23;
	v9 =	vadd.f32 v13, v9;
	v13 =	vmov s28  }
0x10b: {  	v21 =	vadd.f32 $4.000000060e-01, v31;
	v18 =	vadd.f32 $4.000000060e-01, v18;
	v23 =	vshll.u32 v13, $0x3  }
0x10c: {  	s29 =	simm.s32 $0x5;
	v56 =	vsel vm1, $0x3F800000, v4;
	v22, _, _ =	vpop (xrf1);
	v15 =	vadd.f32 v15, v16;
	v16 =	vand.u32 $0x1C00, v23  }
0x10d: {  	v35 =	vmov s29;
	v21 =	vmul.f32 v21, v54;
	v18 =	vmul.f32 v18, v20;
	v32, _, _ =	vpop (xrf1)  }
0x10e: {  	v14 =	vadd.f32 v14, v56;
	v37 =	vshll.u32 v35, $0x3;
	v13 =	vand.u32 $0x7E, v13;
	v23, _, _ =	vpop (xrf1)  }
0x10f: {  	v21 =	vadd.f32 $6.666666860e-01, v21;
	v18 =	vadd.f32 $6.666666860e-01, v18;
	v13 =	vor.u32 v13, v16;
	v16, _, _ =	vpop (xrf1)  }
0x110: {  	v9 =	vmul.f32 v9, v6;
	v15 =	vmul.f32 v15, v6;
	v33 =	vadd.s32 v0, v13;
	v34, _, _ =	vpop (xrf1)  }
0x111: {  	v21 =	vmul.f32 v21, v54;
	v18 =	vmul.f32 v18, v20;
	v16 =	vmax.f32 v23, v16;
	v20, _, _ =	vpop (xrf1)  }
0x112: {  	v39 =	vand.u32 $0x1C00, v37;
	v23 =	vadd.s32 v1, v13;
	(xrf1) =	vsort.ascd.msk.f32 $0xffff, v16, v10;
	v16 =	vmax.f32 v34, v20;
	v20, _, _ =	vpop (xrf1)  }
0x113: {  	v14 =	vmul.f32 $6.931471820e-01, v14;
	v36 =	vadd.s32 v2, v13;
	v38, _, _ =	vpop (xrf1);
	(xrf1) =	vsort.dscd.msk.f32 $0xffff, v16, v11;
	v16 =	vmax.f32 v22, v32  }
0x114: {  	v9 =	vsub.f32 v5, v9;
	v22 =	vand.u32 $0x7F, v35;
	v20 =	vmax.f32 v20, v38;
	(xrf1) =	vsort.dscd.msk.f32 $0xffff, v16, v10  }
0x115: {  	v41 =	vmul.f32 $6.931471820e-01, v8;
	v16 =	vadd.s32 v3, v13;
	v22 =	vor.u32 v22, v39;
	(xrf1) =	vsort.ascd.msk.f32 $0xffff, v20, v11  }
0x116: {  	v18 =	vadd.f32 $2.000000000e+00, v18;
	v13 =	vld.idx.msk [tilespmem:v33+s15+$0x0], $0xffff;
	v20 =	vadd.f32 $2.000000000e+00, v21;
	v21 =	vadd.s32 v0, v22;
	v40, _, _ =	vpop (xrf1)  }
0x117: {  	v15 =	vsub.f32 v5, v15;
	v42 =	vadd.s32 v1, v22;
	v23 =	vld.idx.msk [tilespmem:v23+s15+$0x0], $0xffff;
	v24 =	vadd.f32 $1.000000020e-16, v40;
	v8, _, _ =	vpop (xrf1)  }
0x118: {  	v43 =	vadd.s32 v2, v22;
	v44 =	vadd.f32 $1.000000020e-16, v8;
	v8 =	vmul.f32 v18, v19  }
0x119: {  	v18 =	vadd.s32 v3, v22;
	v19 =	vld.idx.msk [tilespmem:v36+s15+$0x0], $0xffff;
	v17 =	vmul.f32 v20, v17;
	v22 =	vand.u32 $0x7FFFFF, v24  }
0x11a: {  	v16 =	vld.idx.msk [tilespmem:v16+s15+$0x0], $0xffff;
	v20 =	vor.u32 $0x3F800000, v22;
	v22 =	vand.u32 $0x7FFFFF, v44;
	v14 =	vadd.f32 v8, v14  }
0x11b: {  	(xrf1) =	vsort.dscd.msk.f32 $0xffff, v13, v13;
	v17 =	vadd.f32 v17, v41;
	v8 =	vld.idx.msk [tilespmem:v21+s15+$0x0], $0xffff;
	v21 =	vmul.f32 $5.000000000e-01, v20;
	v22 =	vor.u32 $0x3F800000, v22  }
0x11c: {  	v45 =	vld.idx.msk [tilespmem:v42+s15+$0x0], $0xffff;
	vm12 =	vgt.f32 v20, $1.500000000e+00;
	(xrf1) =	vsort.ascd.msk.f32 $0xffff, v23, v23;
	v46 =	vmul.f32 $5.000000000e-01, v22;
	vm13 =	vgt.f32 v22, $1.500000000e+00  }
0x11d: {  	v47 =	vld.idx.msk [tilespmem:v43+s15+$0x0], $0xffff;
	v14 =	vmul.f32 v14, v6;
	v17 =	vmul.f32 v17, v6;
	v20 =	vsel vm12, v21, v20  }
0x11e: {  	v18 =	vld.idx.msk [tilespmem:v18+s15+$0x0], $0xffff;
	(xrf1) =	vsort.dscd.msk.f32 $0xffff, v19, v19;
	v19 =	vadd.f32 $1.000000000e+00, v20;
	v21 =	vsel vm13, v46, v22  }
0x11f: {  	v9 =	vand.u32 $0x7FFFFFFF, v9;
	v15 =	vand.u32 $0x7FFFFFFF, v15;
	(xrf1) =	vsort.ascd.msk.f32 $0xffff, v16, v16;
	v16 =	vadd.f32 $1.000000000e+00, v21  }
0x120: {  	v7 =	vadd.f32 v12, v7;
	v9 =	vadd.f32 v9, v15;
	v22, _, _ =	vpop (xrf1);
	(xrf1) =	vsort.dscd.msk.f32 $0xffff, v8, v8;
	(erf) = vrcp.f32 v19  }
0x121: {  	v12 =	vsub.f32 v5, v14;
	(xrf1) =	vsort.ascd.msk.f32 $0xffff, v45, v45;
	(erf) = vrcp.f32 v16;
	v16 =	vsub.f32 v5, v17;
	v14, _, _ =	vpop (xrf1)  }
0x122: {  	v7 =	vadd.f32 v9, v7;
	(xrf1) =	vsort.dscd.msk.f32 $0xffff, v47, v47;
	v17, _, _ =	vpop (xrf1)  }
0x123: {  	v12 =	vand.u32 $0x7FFFFFFF, v12;
	(xrf1) =	vsort.ascd.msk.f32 $0xffff, v18, v18;
	v16 =	vand.u32 $0x7FFFFFFF, v16;
	v15 =	vmax.f32 v17, v22;
	v17, _, _ =	vpop (xrf1)  }
0x124: {  	v9 =	vadd.f32 v12, v16;
	v14 =	vmax.f32 v14, v17;
	(xrf1) =	vsort.dscd.msk.f32 $0xffff, v15, v10  }
0x125: {  	(xrf1) =	vsort.dscd.msk.f32 $0xffff, v14, v11;
	v11 =	vshrl.u32 v24, $0x17  }
0x126: {  	v7 =	vadd.f32 v9, v7;
	v9 =	vand.u32 $0xFF, v11  }
0x127: {  	s31 =	simm.s32 $0x7;
	v18 =	vshrl.u32 v44, $0x17;
	v9 =	vadd.s32 $0xFFFFFF81, v9  }
0x128: {  	s30 =	simm.s32 $0x6;
	v23 =	vmov s31;
	v10 =	vand.u32 $0xFF, v18;
	v15 =	vcvt.s32.f32 v9  }
0x129: {  	v12 =	vmov s30;
	v16 =	vsel vm12, $0x3F800000, v4;
	v10 =	vadd.s32 $0xFFFFFF81, v10;
	v14, _, _ =	vpop (xrf1)  }
0x12a: {  	v19 =	vand.u32 $0x7E, v12;
	v10 =	vcvt.s32.f32 v10;
	v9 =	vshll.u32 v12, $0x3;
	v17 =	vpop (erf)  }
0x12b: {  	v18 =	vadd.f32 $-1.000000000e+00, v21;
	v11 =	vsel vm13, $0x3F800000, v4;
	v21 =	vand.u32 $0x1C00, v9;
	v22 =	vpop (erf)  }
0x12c: {  	v9 =	vadd.f32 v10, v11;
	v12 =	vadd.f32 v15, v16;
	v11 =	vor.u32 v19, v21;
	v15, _, _ =	vpop (xrf1)  }
0x12d: {  	v16 =	vadd.f32 $-1.000000000e+00, v20;
	v10 =	vmul.f32 v22, v18;
	v18 =	vadd.s32 v0, v11;
	v19, _, _ =	vpop (xrf1)  }
0x12e: {  	v20 =	vadd.s32 v1, v11;
	v21 =	vadd.s32 v2, v11;
	v48 =	vadd.s32 v3, v11;
	v22, _, _ =	vpop (xrf1)  }
0x12f: {  	v11 =	vmax.f32 v19, v22;
	v19, _, _ =	vpop (xrf1);
	v22 =	vshll.u32 v23, $0x3;
	v23 =	vand.u32 $0x7F, v23  }
0x130: {  	v25, _, _ =	vpop (xrf1)  }
0x131: {  	(xrf1) =	vsort.ascd.msk.f32 $0xffff, v11, v13;
	v11 =	vmul.f32 v17, v16;
	v16 =	vand.u32 $0x1C00, v22;
	v17 =	vmax.f32 v19, v25;
	v19, _, _ =	vpop (xrf1)  }
0x132: {  	v14 =	vmax.f32 v14, v15;
	v16 =	vor.u32 v23, v16;
	v23, _, _ =	vpop (xrf1)  }
0x133: {  	v22 =	vmul.f32 v10, v10;
	v19 =	vmax.f32 v19, v23  }
0x134: {  	(xrf1) =	vsort.dscd.msk.f32 $0xffff, v17, v8;
	v17 =	vmul.f32 v11, v11  }
0x135: {  	v15 =	vadd.s32 v0, v16;
	(xrf1) =	vsort.dscd.msk.f32 $0xffff, v14, v13;
	v14, _, _ =	vpop (xrf1);
	v23 =	vmul.f32 $2.222222240e-01, v22  }
0x136: {  	v49 =	vadd.s32 v1, v16;
	(xrf1) =	vsort.ascd.msk.f32 $0xffff, v19, v8;
	v50 =	vadd.f32 $1.000000020e-16, v14;
	v51 =	vmul.f32 $2.222222240e-01, v17;
	v14 =	vld.idx.msk [tilespmem:v18+s15+$0x0], $0xffff;
	v19, _, _ =	vpop (xrf1)  }
0x137: {  	v18 =	vadd.s32 v2, v16;
	v23 =	vadd.f32 $2.857142980e-01, v23;
	v19 =	vadd.f32 $1.000000020e-16, v19  }
0x138: {  	v20 =	vld.idx.msk [tilespmem:v20+s15+$0x0], $0xffff;
	v16 =	vadd.s32 v3, v16;
	v52 =	vand.u32 $0x7FFFFF, v50;
	v27 =	vadd.f32 $2.857142980e-01, v51  }
0x139: {  	v24 =	vld.idx.msk [tilespmem:v48+s15+$0x0], $0xffff;
	v28 =	vor.u32 $0x3F800000, v52;
	v23 =	vmul.f32 v23, v22;
	v53 =	vand.u32 $0x7FFFFF, v19  }
0x13a: {  	v21 =	vld.idx.msk [tilespmem:v21+s15+$0x0], $0xffff;
	v54 =	vmul.f32 $5.000000000e-01, v28;
	v27 =	vmul.f32 v27, v17;
	v29 =	vor.u32 $0x3F800000, v53  }
0x13b: {  	v15 =	vld.idx.msk [tilespmem:v15+s15+$0x0], $0xffff;
	vm14 =	vgt.f32 v28, $1.500000000e+00;
	v23 =	vadd.f32 $4.000000060e-01, v23;
	(xrf1) =	vsort.dscd.msk.f32 $0xffff, v14, v14;
	v55 =	vmul.f32 $5.000000000e-01, v29  }
0x13c: {  	v56 =	vld.idx.msk [tilespmem:v18+s15+$0x0], $0xffff;
	v18 =	vsel vm14, v54, v28;
	v27 =	vadd.f32 $4.000000060e-01, v27;
	vm15 =	vgt.f32 v29, $1.500000000e+00  }
0x13d: {  	v25 =	vld.idx.msk [tilespmem:v49+s15+$0x0], $0xffff;
	v57 =	vshrl.u32 v19, $0x17;
	v28 =	vadd.f32 $1.000000000e+00, v18;
	v19 =	vsel vm15, v55, v29  }
0x13e: {  	v58 =	vld.idx.msk [tilespmem:v16+s15+$0x0], $0xffff;
	v16 =	vshrl.u32 v50, $0x17;
	(xrf1) =	vsort.ascd.msk.f32 $0xffff, v20, v20;
	v27 =	vmul.f32 v27, v17;
	v20 =	vadd.f32 $1.000000000e+00, v19  }
0x13f: {  	v23 =	vmul.f32 v23, v22;
	(xrf1) =	vsort.dscd.msk.f32 $0xffff, v21, v21;
	v21 =	vand.u32 $0xFF, v57;
	(erf) = vrcp.f32 v28  }
0x140: {  	(xrf1) =	vsort.ascd.msk.f32 $0xffff, v24, v24;
	v21 =	vadd.s32 $0xFFFFFF81, v21;
	(erf) = vrcp.f32 v20;
	v20 =	vadd.f32 $6.666666860e-01, v27  }
0x141: {  	v16 =	vand.u32 $0xFF, v16;
	v21 =	vcvt.s32.f32 v21;
	v23 =	vadd.f32 $6.666666860e-01, v23;
	v59, _, _ =	vpop (xrf1);
	(xrf1) =	vsort.dscd.msk.f32 $0xffff, v15, v15  }
0x142: {  	v16 =	vadd.s32 $0xFFFFFF81, v16;
	v61 =	vsel vm15, $0x3F800000, v4;
	(xrf1) =	vsort.ascd.msk.f32 $0xffff, v25, v25  }
0x143: {  	v62 =	vcvt.s32.f32 v16;
	v16 =	vadd.f32 v21, v61;
	v21 =	vmul.f32 v23, v22;
	v60, _, _ =	vpop (xrf1);
	(xrf1) =	vsort.dscd.msk.f32 $0xffff, v56, v56  }
0x144: {  	v17 =	vmul.f32 v20, v17;
	v20, _, _ =	vpop (xrf1);
	(xrf1) =	vsort.ascd.msk.f32 $0xffff, v58, v58  }
0x145: {  	v63 =	vsel vm14, $0x3F800000, v4;
	v21 =	vadd.f32 $2.000000000e+00, v21;
	v23 =	vmax.f32 v20, v59;
	v22, _, _ =	vpop (xrf1)  }
0x146: {  	s19 =	simm.s32 $0x9;
	v20 =	vadd.f32 $2.000000000e+00, v17;
	v22 =	vmax.f32 v60, v22;
	(xrf1) =	vsort.dscd.msk.f32 $0xffff, v23, v13;
	v13 =	vadd.f32 v62, v63  }
.LBB2_4:
0x147: {  	s20 =	sadd.s32 $0xFFFFFFFF, s19;
	(xrf1) =	vsort.dscd.msk.f32 $0xffff, v22, v8  }
0x148: {  	p0 =	sne.s32 s19, $0x37F;
	v12 =	vmul.f32 $6.931471820e-01, v12;
	v22 =	vmul.f32 $6.931471820e-01, v9;
	v17 =	vmovc v14;
	v8 =	vmovc v15;
	v9 =	vmov v16;
	s21 =	smov.u32 s19;
	s19 =	sadd.s32 $0x2, s19  }
0x149: {  	v16 =	vadd.f32 $-1.000000000e+00, v18;
	v14 =	vmov s20;
	v15, _, _ =	vpop (xrf1);
	v10 =	vmul.f32 v21, v10  }
0x14a: {  	v19 =	vadd.f32 $-1.000000000e+00, v19;
	v11 =	vmul.f32 v20, v11;
	v24 =	vshll.u32 v14, $0x3;
	v21 =	vpop (erf)  }
0x14b: {  	v14 =	vand.u32 $0x7E, v14;
	v23 =	vand.u32 $0x1C00, v24;
	v20 =	vpop (erf);
	v22 =	vadd.f32 v10, v22  }
0x14c: {  	v11 =	vadd.f32 v11, v12;
	v25 =	vor.u32 v14, v23;
	v18, _, _ =	vpop (xrf1);
	v10 =	vmul.f32 v20, v19  }
0x14d: {  	v12 =	vadd.s32 v0, v25;
	v19 =	vadd.s32 v1, v25;
	v20, _, _ =	vpop (xrf1);
	v22 =	vmul.f32 v22, v6  }
0x14e: {  	v23 =	vadd.s32 v2, v25;
	v24 =	vadd.s32 v3, v25;
	v25 =	vmul.f32 v11, v6;
	v14, _, _ =	vpop (xrf1)  }
0x14f: {  	v11 =	vmov s21;
	v28 =	vmax.f32 v20, v14;
	v20, _, _ =	vpop (xrf1);
	v22 =	vsub.f32 v5, v22  }
0x150: {  	v26 =	vand.u32 $0x7F, v11;
	v27 =	vshll.u32 v11, $0x3;
	v11 =	vmul.f32 v21, v16;
	(xrf1) =	vsort.ascd.msk.f32 $0xffff, v28, v17;
	v14, _, _ =	vpop (xrf1)  }
0x151: {  	v16 =	vand.u32 $0x1C00, v27;
	v21 =	vsub.f32 v5, v25;
	v14 =	vmax.f32 v20, v14;
	v20, _, _ =	vpop (xrf1)  }
0x152: {  	v16 =	vor.u32 v26, v16;
	v26 =	vmul.f32 v10, v10;
	v22 =	vand.u32 $0x7FFFFFFF, v22;
	v25, _, _ =	vpop (xrf1);
	(xrf1) =	vsort.dscd.msk.f32 $0xffff, v14, v8  }
0x153: {  	v29 =	vmul.f32 v11, v11;
	v27 =	vadd.s32 v0, v16;
	v28 =	vadd.s32 v1, v16;
	v14 =	vld.idx.msk [tilespmem:v12+s15+$0x0], $0xffff  }
0x154: {  	v18 =	vmax.f32 v15, v18;
	v30 =	vadd.s32 v2, v16;
	v16 =	vadd.s32 v3, v16;
	v19 =	vld.idx.msk [tilespmem:v19+s15+$0x0], $0xffff  }
0x155: {  	v15 =	vmax.f32 v20, v25;
	v20 =	vand.u32 $0x7FFFFFFF, v21;
	v24 =	vld.idx.msk [tilespmem:v24+s15+$0x0], $0xffff;
	(xrf1) =	vsort.dscd.msk.f32 $0xffff, v18, v17;
	v12, _, _ =	vpop (xrf1);
	v18 =	vmul.f32 $2.222222240e-01, v26  }
0x156: {  	v25 =	vmul.f32 $2.222222240e-01, v29;
	v20 =	vadd.f32 v22, v20;
	(xrf1) =	vsort.ascd.msk.f32 $0xffff, v15, v8;
	v21 =	vadd.f32 $1.000000020e-16, v12;
	v12, _, _ =	vpop (xrf1)  }
0x157: {  	v22 =	vld.idx.msk [tilespmem:v23+s15+$0x0], $0xffff;
	v23 =	vadd.f32 $1.000000020e-16, v12;
	v18 =	vadd.f32 $2.857142980e-01, v18;
	v12 =	vmov v13  }
0x158: {  	v25 =	vadd.f32 $2.857142980e-01, v25;
	v7 =	vadd.f32 v20, v7;
	v15 =	vld.idx.msk [tilespmem:v27+s15+$0x0], $0xffff;
	v13 =	vand.u32 $0x7FFFFF, v21  }
0x159: {  	v20 =	vld.idx.msk [tilespmem:v30+s15+$0x0], $0xffff;
	(xrf1) =	vsort.dscd.msk.f32 $0xffff, v14, v14;
	v13 =	vor.u32 $0x3F800000, v13;
	v27 =	vand.u32 $0x7FFFFF, v23;
	v30 =	vmul.f32 v18, v26  }
0x15a: {  	v25 =	vmul.f32 v25, v29;
	v28 =	vld.idx.msk [tilespmem:v28+s15+$0x0], $0xffff;
	v18 =	vmul.f32 $5.000000000e-01, v13;
	v27 =	vor.u32 $0x3F800000, v27  }
0x15b: {  	vm0 =	vgt.f32 v13, $1.500000000e+00;
	vm1 =	vgt.f32 v27, $1.500000000e+00;
	v31 =	vmul.f32 $5.000000000e-01, v27  }
0x15c: {  	v16 =	vld.idx.msk [tilespmem:v16+s15+$0x0], $0xffff;
	(xrf1) =	vsort.ascd.msk.f32 $0xffff, v19, v19;
	v18 =	vsel vm0, v18, v13;
	v13 =	vadd.f32 $4.000000060e-01, v25;
	v25 =	vadd.f32 $4.000000060e-01, v30  }
0x15d: {  	v23 =	vshrl.u32 v23, $0x17;
	(xrf1) =	vsort.dscd.msk.f32 $0xffff, v22, v22;
	v30 =	vadd.f32 $1.000000000e+00, v18;
	v19 =	vsel vm1, v31, v27  }
0x15e: {  	(xrf1) =	vsort.ascd.msk.f32 $0xffff, v24, v24;
	v24, _, _ =	vpop (xrf1);
	v27 =	vadd.f32 $1.000000000e+00, v19;
	v13 =	vmul.f32 v13, v29;
	v25 =	vmul.f32 v25, v26  }
0x15f: {  	v21 =	vshrl.u32 v21, $0x17;
	v23 =	vand.u32 $0xFF, v23;
	(xrf1) =	vsort.dscd.msk.f32 $0xffff, v15, v15;
	(erf) = vrcp.f32 v30  }
0x160: {  	v23 =	vadd.s32 $0xFFFFFF81, v23;
	(xrf1) =	vsort.ascd.msk.f32 $0xffff, v28, v28;
	v22, _, _ =	vpop (xrf1);
	(erf) = vrcp.f32 v27;
	v13 =	vadd.f32 $6.666666860e-01, v13  }
.Ltmp1:
0x161: {  	(xrf1) =	vsort.dscd.msk.f32 $0xffff, v20, v20;
	v20 =	vand.u32 $0xFF, v21;
	v21 =	vcvt.s32.f32 v23;
	v23 =	vadd.f32 $6.666666860e-01, v25;
	(pc) =	sbr.rel @p0 .LBB2_4-.Ltmp1, $4  }
0x162: {  	(xrf1) =	vsort.ascd.msk.f32 $0xffff, v16, v16;
	v16 =	vadd.s32 $0xFFFFFF81, v20;
	v20 =	vsel vm1, $0x3F800000, v4;
	v13 =	vmul.f32 v13, v29  }
0x163: {  	v25, _, _ =	vpop (xrf1);
	v27 =	vcvt.s32.f32 v16;
	v16 =	vadd.f32 v21, v20;
	v21 =	vmul.f32 v23, v26  }
0x164: {  	v23 =	vmax.f32 v25, v24;
	v24, _, _ =	vpop (xrf1);
	v25 =	vsel vm0, $0x3F800000, v4;
	v20 =	vadd.f32 $2.000000000e+00, v13  }
0x165: {  	v22 =	vmax.f32 v22, v24;
	(xrf1) =	vsort.dscd.msk.f32 $0xffff, v23, v17;
	v13 =	vadd.f32 v27, v25;
	v21 =	vadd.f32 $2.000000000e+00, v21  }
0x166: {  	_ =	sdelay $0x2  }
0x167: {  	v17, _, _ =	vpop (xrf1)  }
0x168: {  	v23, _, _ =	vpop (xrf1)  }
0x169: {  	v24, _, _ =	vpop (xrf1)  }
0x16a: {  	v25, _, _ =	vpop (xrf1)  }
0x16b: {  	v26, _, _ =	vpop (xrf1)  }
0x16c: {  	(xrf1) =	vsort.dscd.msk.f32 $0xffff, v22, v8;
	v33 =	vmax.f32 v24, v25;
	v34, _, _ =	vpop (xrf1)  }
0x16d: {  	(xrf1) =	vsort.ascd.msk.f32 $0xffff, v33, v14;
	v35 =	vmax.f32 v26, v34;
	v36, _, _ =	vpop (xrf1)  }
0x16e: {  	v37 =	vmax.f32 v17, v23;
	(xrf1) =	vsort.dscd.msk.f32 $0xffff, v35, v15;
	v38, _, _ =	vpop (xrf1)  }
0x16f: {  	(xrf1) =	vsort.dscd.msk.f32 $0xffff, v37, v14;
	v39 =	vmax.f32 v36, v38  }
0x170: {  	(xrf1) =	vsort.ascd.msk.f32 $0xffff, v39, v15;
	_ =	sdelay $0x8  }
0x171: {  	v40, _, _ =	vpop (xrf1)  }
0x172: {  	v41, _, _ =	vpop (xrf1)  }
0x173: {  	v42, _, _ =	vpop (xrf1)  }
0x174: {  	v43, _, _ =	vpop (xrf1)  }
0x175: {  	v44, _, _ =	vpop (xrf1)  }
0x176: {  	v22 =	vmax.f32 v44, v42;
	v45, _, _ =	vpop (xrf1)  }
0x177: {  	(xrf1) =	vsort.dscd.msk.f32 $0xffff, v22, v14;
	v46 =	vmax.f32 v43, v45  }
0x178: {  	(xrf1) =	vsort.dscd.msk.f32 $0xffff, v46, v15;
	_ =	sdelay $0x2  }
0x179: {  	v12 =	vmul.f32 $6.931471820e-01, v12;
	v11 =	vmul.f32 v20, v11  }
0x17a: {  	v9 =	vmul.f32 $6.931471820e-01, v9;
	v10 =	vmul.f32 v21, v10;
	v8 =	vadd.f32 $1.000000020e-16, v40  }
0x17b: {  	v11 =	vadd.f32 v11, v12  }
0x17c: {  	v47 =	vadd.f32 $-1.000000000e+00, v19;
	v9 =	vadd.f32 v10, v9;
	v49 =	vand.u32 $0x7FFFFF, v8  }
0x17d: {  	v16 =	vmul.f32 $6.931471820e-01, v16;
	v11 =	vmul.f32 v11, v6;
	v19 =	vor.u32 $0x3F800000, v49  }
0x17e: {  	v18 =	vadd.f32 $-1.000000000e+00, v18;
	v9 =	vmul.f32 v9, v6;
	v51 =	vmul.f32 $5.000000000e-01, v19  }
0x17f: {  	v13 =	vmul.f32 $6.931471820e-01, v13;
	v11 =	vsub.f32 v5, v11;
	vm1 =	vgt.f32 v19, $1.500000000e+00  }
0x180: {  	v9 =	vsub.f32 v5, v9;
	v17 =	vadd.f32 $1.000000020e-16, v41;
	v53 =	vsel vm1, v51, v19  }
0x181: {  	v48 =	vpop (erf);
	v11 =	vand.u32 $0x7FFFFFFF, v11;
	v8 =	vshrl.u32 v8, $0x17;
	v19 =	vadd.f32 $1.000000000e+00, v53  }
0x182: {  	v50 =	vpop (erf);
	v9 =	vand.u32 $0x7FFFFFFF, v9;
	v8 =	vand.u32 $0xFF, v8;
	v58 =	vand.u32 $0x7FFFFF, v17  }
0x183: {  	v17 =	vshrl.u32 v17, $0x17;
	(erf) = vrcp.f32 v19;
	v14 =	vmul.f32 v50, v47;
	v57, _, _ =	vpop (xrf1)  }
0x184: {  	v22 =	vor.u32 $0x3F800000, v58;
	v15 =	vmul.f32 v48, v18;
	v19 =	vadd.f32 $1.000000020e-16, v57;
	v59, _, _ =	vpop (xrf1)  }
0x185: {  	v60 =	vmul.f32 $5.000000000e-01, v22;
	vm0 =	vgt.f32 v22, $1.500000000e+00;
	v23 =	vadd.f32 $1.000000020e-16, v59  }
0x186: {  	v52 =	vmul.f32 v14, v14;
	v54 =	vmul.f32 v15, v15;
	v61 =	vand.u32 $0x7FFFFF, v19  }
0x187: {  	v22 =	vsel vm0, v60, v22;
	v25 =	vor.u32 $0x3F800000, v61;
	v62 =	vand.u32 $0x7FFFFF, v23  }
0x188: {  	v55 =	vmul.f32 $2.222222240e-01, v52;
	v63 =	vmul.f32 $5.000000000e-01, v25;
	v24 =	vor.u32 $0x3F800000, v62  }
0x189: {  	v28 =	vadd.f32 $1.000000000e+00, v22;
	vm14 =	vgt.f32 v25, $1.500000000e+00;
	v29 =	vmul.f32 $5.000000000e-01, v24  }
0x18a: {  	v56 =	vmul.f32 $2.222222240e-01, v54;
	vm15 =	vgt.f32 v24, $1.500000000e+00;
	v25 =	vsel vm14, v63, v25  }
0x18b: {  	(erf) = vrcp.f32 v28;
	v24 =	vsel vm15, v29, v24;
	v34 =	vadd.f32 $1.000000000e+00, v25  }
0x18c: {  	v8 =	vadd.s32 $0xFFFFFF81, v8;
	v20 =	vadd.f32 $2.857142980e-01, v55;
	v35 =	vadd.f32 $1.000000000e+00, v24  }
0x18d: {  	v32 =	vsel vm1, $0x3F800000, v4;
	v21 =	vadd.f32 $2.857142980e-01, v56;
	(erf) = vrcp.f32 v34  }
0x18e: {  	v17 =	vand.u32 $0xFF, v17;
	v33 =	vpop (erf);
	v20 =	vmul.f32 v20, v52;
	(erf) = vrcp.f32 v35  }
0x18f: {  	v17 =	vadd.s32 $0xFFFFFF81, v17;
	v18 =	vadd.f32 $-1.000000000e+00, v53;
	v21 =	vmul.f32 v21, v54  }
0x190: {  	v8 =	vcvt.s32.f32 v8;
	v17 =	vcvt.s32.f32 v17;
	v20 =	vadd.f32 $4.000000060e-01, v20  }
0x191: {  	v27 =	vsel vm0, $0x3F800000, v4;
	v18 =	vmul.f32 v33, v18;
	v21 =	vadd.f32 $4.000000060e-01, v21  }
0x192: {  	v8 =	vadd.f32 v8, v32;
	v17 =	vadd.f32 v17, v27;
	v20 =	vmul.f32 v20, v52  }
0x193: {  	v36 =	vadd.f32 $-1.000000000e+00, v22;
	v38 =	vmul.f32 v18, v18;
	v21 =	vmul.f32 v21, v54  }
0x194: {  	v8 =	vmul.f32 $6.931471820e-01, v8;
	v17 =	vmul.f32 $6.931471820e-01, v17;
	v20 =	vadd.f32 $6.666666860e-01, v20;
	v37 =	vpop (erf)  }
0x195: {  	v40 =	vmul.f32 $2.222222240e-01, v38;
	v21 =	vadd.f32 $6.666666860e-01, v21;
	v39 =	vmul.f32 v37, v36  }
0x196: {  	v10 =	vmul.f32 v20, v52;
	v41 =	vadd.f32 $-1.000000000e+00, v25;
	v24 =	vadd.f32 $-1.000000000e+00, v24;
	v43 =	vpop (erf)  }
0x197: {  	v9 =	vadd.f32 v9, v11;
	v12 =	vmul.f32 v21, v54;
	v42 =	vmul.f32 v39, v39;
	v44 =	vpop (erf)  }
0x198: {  	v21 =	vadd.f32 $2.857142980e-01, v40;
	v22 =	vmul.f32 v43, v41;
	v24 =	vmul.f32 v44, v24  }
0x199: {  	v19 =	vshrl.u32 v19, $0x17;
	v10 =	vadd.f32 $2.000000000e+00, v10;
	v45 =	vmul.f32 $2.222222240e-01, v42  }
0x19a: {  	v54 =	vshrl.u32 v23, $0x17;
	v46 =	vmul.f32 v22, v22;
	v48 =	vmul.f32 v24, v24  }
0x19b: {  	v19 =	vand.u32 $0xFF, v19;
	v12 =	vadd.f32 $2.000000000e+00, v12;
	v10 =	vmul.f32 v10, v14  }
0x19c: {  	v47 =	vadd.f32 $2.857142980e-01, v45;
	v50 =	vmul.f32 $2.222222240e-01, v46;
	v51 =	vmul.f32 $2.222222240e-01, v48  }
0x19d: {  	v21 =	vmul.f32 v21, v38;
	v19 =	vadd.s32 $0xFFFFFF81, v19;
	v10 =	vadd.f32 v10, v16  }
0x19e: {  	v14 =	vmul.f32 v47, v42;
	v53 =	vadd.f32 $2.857142980e-01, v50;
	v16 =	vadd.f32 $2.857142980e-01, v51  }
0x19f: {  	v19 =	vcvt.s32.f32 v19;
	v12 =	vmul.f32 v12, v15;
	v49 =	vadd.f32 $4.000000060e-01, v21  }
0x1a0: {  	v14 =	vadd.f32 $4.000000060e-01, v14;
	v15 =	vmul.f32 v53, v46;
	v16 =	vmul.f32 v16, v48  }
0x1a1: {  	v57 =	vsel vm14, $0x3F800000, v4;
	v21 =	vand.u32 $0xFF, v54;
	v52 =	vmul.f32 v49, v38  }
0x1a2: {  	v14 =	vmul.f32 v14, v42;
	v15 =	vadd.f32 $4.000000060e-01, v15;
	v16 =	vadd.f32 $4.000000060e-01, v16  }
0x1a3: {  	v56 =	vsel vm15, $0x3F800000, v4;
	v12 =	vadd.f32 v12, v13;
	v13 =	vadd.f32 $6.666666860e-01, v52  }
0x1a4: {  	v14 =	vadd.f32 $6.666666860e-01, v14;
	v15 =	vmul.f32 v15, v46;
	v16 =	vmul.f32 v16, v48  }
0x1a5: {  	v21 =	vadd.s32 $0xFFFFFF81, v21;
	v19 =	vadd.f32 v19, v57;
	v11 =	vmul.f32 v13, v38  }
0x1a6: {  	v14 =	vmul.f32 v14, v42;
	v15 =	vadd.f32 $6.666666860e-01, v15;
	v16 =	vadd.f32 $6.666666860e-01, v16  }
0x1a7: {  	v55 =	vcvt.s32.f32 v21;
	v10 =	vmul.f32 v10, v6;
	v11 =	vadd.f32 $2.000000000e+00, v11  }
0x1a8: {  	v14 =	vadd.f32 $2.000000000e+00, v14;
	v15 =	vmul.f32 v15, v46;
	v16 =	vmul.f32 v16, v48  }
0x1a9: {  	v58 =	vmul.f32 $6.931471820e-01, v19;
	v13 =	vadd.f32 v55, v56;
	v11 =	vmul.f32 v11, v18  }
0x1aa: {  	v14 =	vmul.f32 v14, v39;
	v15 =	vadd.f32 $2.000000000e+00, v15;
	v16 =	vadd.f32 $2.000000000e+00, v16  }
0x1ab: {  	v12 =	vmul.f32 v12, v6;
	v13 =	vmul.f32 $6.931471820e-01, v13;
	v8 =	vadd.f32 v11, v8  }
0x1ac: {  	v14 =	vadd.f32 v14, v17;
	v15 =	vmul.f32 v15, v22;
	v59 =	vmul.f32 v16, v24  }
0x1ad: {  	v10 =	vsub.f32 v5, v10;
	v12 =	vsub.f32 v5, v12;
	v8 =	vmul.f32 v8, v6  }
0x1ae: {  	v14 =	vmul.f32 v14, v6;
	v60 =	vadd.f32 v15, v58;
	v11 =	vadd.f32 v59, v13  }
0x1af: {  	v10 =	vand.u32 $0x7FFFFFFF, v10;
	v12 =	vand.u32 $0x7FFFFFFF, v12;
	v8 =	vsub.f32 v5, v8  }
0x1b0: {  	v14 =	vsub.f32 v5, v14;
	v11 =	vmul.f32 v11, v6;
	v6 =	vmul.f32 v60, v6  }
0x1b1: {  	v7 =	vadd.f32 v9, v7;
	v61 =	vadd.f32 v10, v12;
	v8 =	vand.u32 $0x7FFFFFFF, v8  }
0x1b2: {  	v62 =	vand.u32 $0x7FFFFFFF, v14;
	v11 =	vsub.f32 v5, v11;
	v5 =	vsub.f32 v5, v6  }
0x1b3: {  	v6 =	vadd.f32 v61, v7;
	v7 =	vadd.f32 v62, v8  }
0x1b4: {  	v63 =	vand.u32 $0x7FFFFFFF, v11;
	v5 =	vand.u32 $0x7FFFFFFF, v5  }
0x1b5: {  	v6 =	vadd.f32 v7, v6;
	v5 =	vadd.f32 v63, v5;
	_ =	sdelay $0x1  }
0x1b6: {  	s18 =	sadd.s32 $0x1, s18;
	v5 =	vadd.f32 v5, v6  }
0x1b7: {  	p0 =	sne.s32 s18, s9  }
.Ltmp2:
0x1b8: {  	[tilespmem:$0x1C100] =	vst v5;
	(pc) =	sbr.rel @p0 .LBB2_1-.Ltmp2, $4  }
0x1b9: {  	[hbm4b:s8+s2] =	stream.linear.scatter [tilespmem:s17], [sflag:$0x3], $0x80, $0x38;
	[tilespmem:$0x1C180] =	vst v63  }
0x1ba: {  	_ =	swait.ge [sflag:s11], $0x80  }
0x1bb: {  	[sflag:s11] =	ssyncset.done $0x0  }
0x1bc: {  	[sflag:s11] =	ssyncadd.s32 $0xFFFFFF80  }
0x1bd: {  	_ =	sfence.sel $0x180000  }
0x1be: {  	[bflag:$0x0] =	sbarrier.arrive $0xFFFF  }
0x1bf: {  	p0 =	sne.s32 s0, $0x0;
	_ =	strace $0x90000047  }
0x1c0: {  	s0 =	sadd.s32 @!p0 $0x100000, s1;
	[bflag:$0x2] =	sbarrier.arrive $0xFFFF  }
0x1c1: {  	[sflag:s0] =	ssyncadd.tile.s32 @!p0 $0x1;
	_ =	shalt  }
.Lfunc_end2:
_tile_overlayer_lowered:
.L_overlay_start_2:
0x1c2: {  	(tag) =	ssettag $0x2  }
0x1c3: {  	s0 =	rddreg [dreg:$0x0];
	s2 =	stileid.u32  }
0x1c4: {  	s1 =	rddreg [dreg:$0x1];
	p0 =	sne.s32 s2, $0x0  }
0x1c5: {  	s3 =	rddreg [dreg:$0x2];
	[bflag:$0x3] =	sbarrier.arrive $0xFFFF;
	s2 =	simm.s32 @!p0 $0x1C03  }
0x1c6: {  	[timem:s3], [sflag:s2] =	dma.local @!p0 [hbm:s0], s1  }
0x1c7: {  	s0 =	simm.s32 @!p0 $0x3  }
0x1c8: {  	_ =	swait.ge @!p0 [sflag:s0], s1  }
0x1c9: {  	s1 =	ssub.s32 @!p0 $0x0, s1;
	[sflag:s0] =	ssyncset.done @!p0 $0x0  }
0x1ca: {  	[sflag:s0] =	ssyncadd.s32 @!p0 s1  }
0x1cb: {  	[bflag:$0x3] =	sbarrier.arrive $0xFFFF  }
0x1cc: {  	_ =	shalt  }

</sc_bundles>
